<compile_context>
chip_gen: v7x
topology: tpu7x:2x2x1
jax: 0.10.2.dev20260603
libtpu: 0.0.44.dev20260713+nightly
codegen_flags: <defaults>
</compile_context>

<pallas_src>
import functools

import jax
import jax.numpy as jnp
from jax import lax
from jax.experimental import pallas as pl
from jax.experimental.pallas import tpu as pltpu
from jax.experimental.pallas import tpu_sc as plsc

_V = 1000000
_D = 32
_B = 16384
_L = 16
_RING = 8


def _splat(x):
    return jnp.full((_L,), x, jnp.int32)


@functools.lru_cache(maxsize=1)
def _build_sc_dots():
    info = plsc.get_sparse_core_info()
    NC, NS = info.num_cores, info.num_subcores
    NW = NC * NS
    bpw = _B // NW
    nrow = bpw // 128

    mesh = plsc.VectorSubcoreMesh(core_axis_name="c", subcore_axis_name="s")

    @functools.partial(
        pl.kernel,
        out_type=[
            jax.ShapeDtypeStruct((NW, nrow, 128), jnp.float32),
            jax.ShapeDtypeStruct((NW, nrow, 128), jnp.float32),
        ],
        mesh=mesh,
        scratch_types=[
            pltpu.VMEM((nrow, 128), jnp.int32),
            pltpu.VMEM((nrow, 128), jnp.int32),
            pltpu.VMEM((nrow, 128), jnp.int32),
            pltpu.VMEM((_RING, _D, 128), jnp.float32),
            pltpu.VMEM((_RING, _D, 128), jnp.float32),
            pltpu.VMEM((_RING, _D, 128), jnp.float32),
            pltpu.VMEM((nrow, 128), jnp.float32),
            pltpu.VMEM((nrow, 128), jnp.float32),
            pltpu.SemaphoreType.DMA,
            pltpu.SemaphoreType.DMA,
            pltpu.SemaphoreType.DMA,
        ],
        compiler_params=pltpu.CompilerParams(needs_layout_passes=False),
    )
    def dots(iw_hbm, ow_hbm, nw_hbm, ei_hbm, eo_hbm, do_hbm, dn_hbm,
             iw_v, ow_v, nw_v, ib_v, ob_v, nb_v, do_v, dn_v,
             isem, osem, nsem):
        wid = lax.axis_index("s") * NC + lax.axis_index("c")
        pltpu.sync_copy(iw_hbm.at[wid], iw_v)
        pltpu.sync_copy(ow_hbm.at[wid], ow_v)
        pltpu.sync_copy(nw_hbm.at[wid], nw_v)

        def word_at(idx_v, j):
            v = plsc.load_gather(idx_v, [_splat(j // 128), _splat(j % 128)])
            return v[0]

        def fire(j, slot):
            wi = word_at(iw_v, j)
            wo = word_at(ow_v, j)
            wn = word_at(nw_v, j)
            for w, tab, buf, sem in (
                (wi, ei_hbm, ib_v, isem),
                (wo, eo_hbm, ob_v, osem),
                (wn, eo_hbm, nb_v, nsem),
            ):
                base = pl.multiple_of((w // 128) * 128, 128)
                pltpu.async_copy(tab.at[:, pl.ds(base, 128)], buf.at[slot], sem)

        def column(buf, slot, lane):
            lo = plsc.load_gather(
                buf, [_splat(slot), lax.iota(jnp.int32, _L), _splat(lane)])
            hi = plsc.load_gather(
                buf, [_splat(slot), _L + lax.iota(jnp.int32, _L), _splat(lane)])
            return lo, hi

        for j in range(_RING):
            fire(j, j)

        def body(j, carry):
            acc_o, acc_n = carry
            slot = j % _RING
            pltpu.make_async_copy(
                ei_hbm.at[:, pl.ds(0, 128)], ib_v.at[slot], isem).wait()
            pltpu.make_async_copy(
                eo_hbm.at[:, pl.ds(0, 128)], ob_v.at[slot], osem).wait()
            pltpu.make_async_copy(
                eo_hbm.at[:, pl.ds(0, 128)], nb_v.at[slot], nsem).wait()

            wi = word_at(iw_v, j)
            wo = word_at(ow_v, j)
            wn = word_at(nw_v, j)
            iv0, iv1 = column(ib_v, slot, wi % 128)
            ov0, ov1 = column(ob_v, slot, wo % 128)
            nv0, nv1 = column(nb_v, slot, wn % 128)

            @pl.when(j + _RING < bpw)
            def _():
                fire(j + _RING, slot)

            dot_o = jnp.sum(iv0 * ov0 + iv1 * ov1)
            dot_n = jnp.sum(iv0 * nv0 + iv1 * nv1)
            lane_mask = lax.iota(jnp.int32, _L) == _splat(j % _L)
            acc_o = jnp.where(lane_mask, jnp.full((_L,), dot_o), acc_o)
            acc_n = jnp.where(lane_mask, jnp.full((_L,), dot_n), acc_n)

            @pl.when(j % _L == _L - 1)
            def _():
                g = j // _L
                do_v[g // 8, pl.ds((g % 8) * _L, _L)] = acc_o
                dn_v[g // 8, pl.ds((g % 8) * _L, _L)] = acc_n

            return acc_o, acc_n

        zero = jnp.zeros((_L,), jnp.float32)
        lax.fori_loop(0, bpw, body, (zero, zero))
        pltpu.sync_copy(do_v, do_hbm.at[wid])
        pltpu.sync_copy(dn_v, dn_hbm.at[wid])

    return dots, NW, nrow


def _loss_body(do_ref, dn_ref, out_ref):
    x = do_ref[...]
    y = -dn_ref[...]
    ls = jnp.minimum(x, 0.0) - jnp.log1p(jnp.exp(-jnp.abs(x)))
    ls = ls + jnp.minimum(y, 0.0) - jnp.log1p(jnp.exp(-jnp.abs(y)))
    out_ref[0, 0] = -jnp.sum(ls) / _B


@functools.lru_cache(maxsize=1)
def _build_loss():
    return pl.pallas_call(
        _loss_body,
        out_shape=jax.ShapeDtypeStruct((1, 1), jnp.float32),
        out_specs=pl.BlockSpec(memory_space=pltpu.SMEM),
    )


@jax.jit
def kernel(iword, owords, nwords, emb_i, emb_o):
    dots, NW, nrow = _build_sc_dots()
    iw = iword.astype(jnp.int32).reshape(NW, nrow, 128)
    ow = owords.astype(jnp.int32).reshape(NW, nrow, 128)
    nw = nwords.astype(jnp.int32).reshape(NW, nrow, 128)
    do, dn = dots(iw, ow, nw, emb_i.T, emb_o.T)
    loss = _build_loss()(do.reshape(128, 128), dn.reshape(128, 128))
    return loss[0, 0]

# --- scband reference (transcript-rebuilt; emitter-appended) ---
"""Pipeline reference for scband-negative-sampling-17746804867327 (READ-ONLY COPY).

The authoritative reference and input builder live on the scoring server;
editing this copy changes nothing except your own understanding.
"""

import jax, jax.numpy as jnp
import numpy as np

V = 1000000
D = 32
B = 16384

def setup_inputs(seed: int = 0) -> dict:
    key = jax.random.key(seed)
    k1, k2, k3, k4, k5 = jax.random.split(key, 5)
    iword = jax.random.randint(k1, (B,), 0, V)
    owords = jax.random.randint(k2, (B,), 0, V)
    nwords = jax.random.randint(k3, (B,), 0, V)
    emb_i = jax.random.normal(k4, (V, D), dtype=jnp.float32) * 0.01
    emb_o = jax.random.normal(k5, (V, D), dtype=jnp.float32) * 0.01
    return {"iword": iword, "owords": owords, "nwords": nwords, "emb_i": emb_i, "emb_o": emb_o}

def reference(iword, owords, nwords, emb_i, emb_o):
    # word2vec dual-embedding lookup: forward_i -> emb_i, forward_o -> emb_o
    ivectors = jnp.take(emb_i, iword, axis=0)
    ovectors = jnp.take(emb_o, owords, axis=0)
    nvectors = jnp.take(emb_o, nwords, axis=0)
    oloss = jax.nn.log_sigmoid(jnp.sum(ovectors * ivectors, axis=1))
    nloss = jax.nn.log_sigmoid(-jnp.sum(nvectors * ivectors, axis=1))
    return -jnp.mean(oloss + nloss)

if __name__ == "__main__":
    import jax
    _d = setup_inputs()
    print(jax.jit(kernel)(*tuple(_d.values())))

</pallas_src>

<mosaic_0001>
#map = affine_map<(d0, d1) -> (0, 0, 0)>
#map1 = affine_map<(d0, d1) -> (0, 0)>
module attributes {stable_mosaic.version = 14 : i64} {
  func.func @dots(%arg0: i32, %arg1: i32, %arg2: memref<32x4x128xi32, #tpu.memory_space<hbm>>, %arg3: memref<32x4x128xi32, #tpu.memory_space<hbm>>, %arg4: memref<32x4x128xi32, #tpu.memory_space<hbm>>, %arg5: memref<32x1000000xf32, #tpu.memory_space<hbm>>, %arg6: memref<32x1000000xf32, #tpu.memory_space<hbm>>, %arg7: memref<32x4x128xf32, #tpu.memory_space<hbm>>, %arg8: memref<32x4x128xf32, #tpu.memory_space<hbm>>, %arg9: memref<4x128xi32, #tpu.memory_space<vmem>>, %arg10: memref<4x128xi32, #tpu.memory_space<vmem>>, %arg11: memref<4x128xi32, #tpu.memory_space<vmem>>, %arg12: memref<8x32x128xf32, #tpu.memory_space<vmem>>, %arg13: memref<8x32x128xf32, #tpu.memory_space<vmem>>, %arg14: memref<8x32x128xf32, #tpu.memory_space<vmem>>, %arg15: memref<4x128xf32, #tpu.memory_space<vmem>>, %arg16: memref<4x128xf32, #tpu.memory_space<vmem>>, %arg17: memref<!tpu.dma_semaphore, #tpu.memory_space<semaphore_mem>>, %arg18: memref<!tpu.dma_semaphore, #tpu.memory_space<semaphore_mem>>, %arg19: memref<!tpu.dma_semaphore, #tpu.memory_space<semaphore_mem>>) attributes {dimension_semantics = [#tpu.dimension_semantics<core_parallel>, #tpu.dimension_semantics<subcore_parallel>], iteration_bounds = array<i64: 2, 16>, scalar_prefetch = 0 : i64, scratch_operands = 11 : i64, tpu.core_type = #tpu.core_type<sc_vector_subcore>, window_params = [{transform_indices = #map}, {transform_indices = #map}, {transform_indices = #map}, {transform_indices = #map1}, {transform_indices = #map1}, {transform_indices = #map}, {transform_indices = #map}]} {
    %mul3A = arith.constant 2 : i32
    %mul3A_0 = arith.muli %arg1, %mul3A : i32
    %add3A = arith.addi %mul3A_0, %arg0 : i32
    "tpu.region"() ({
      %run_scoped3A = tpu.sem_alloc : memref<!tpu.dma_semaphore, #tpu.memory_space<semaphore_mem>>
      %dma_start3A_1122 = arith.constant 0 : i32
      %dma_start3A_1123 = arith.constant 0 : i32
      %dma_start3A_1124 = tpu.memref_slice %arg2[%add3A, %dma_start3A_1122, %dma_start3A_1123] : memref<32x4x128xi32, #tpu.memory_space<hbm>> -> memref<1x4x128xi32, #tpu.memory_space<hbm>>
      %dma_start3A_1125 = tpu.memref_squeeze %dma_start3A_1124 : memref<1x4x128xi32, #tpu.memory_space<hbm>> -> memref<4x128xi32, #tpu.memory_space<hbm>>
      %dma_start3A_1126 = arith.constant 0 : i32
      %dma_start3A_1127 = arith.constant 0 : i32
      %dma_start3A_1128 = tpu.memref_slice %arg2[%add3A, %dma_start3A_1126, %dma_start3A_1127] : memref<32x4x128xi32, #tpu.memory_space<hbm>> -> memref<1x4x128xi32, #tpu.memory_space<hbm>>
      %dma_start3A_1129 = tpu.memref_squeeze %dma_start3A_1128 : memref<1x4x128xi32, #tpu.memory_space<hbm>> -> memref<4x128xi32, #tpu.memory_space<hbm>>
      tpu.enqueue_dma source(%dma_start3A_1129 : memref<4x128xi32, #tpu.memory_space<hbm>>) target(%arg9 : memref<4x128xi32, #tpu.memory_space<vmem>>) target_semaphore(%run_scoped3A : memref<!tpu.dma_semaphore, #tpu.memory_space<semaphore_mem>>)
      %dma_wait3A = arith.constant 0 : i32
      %dma_wait3A_1130 = arith.constant 0 : i32
      %dma_wait3A_1131 = tpu.memref_slice %arg2[%add3A, %dma_wait3A, %dma_wait3A_1130] : memref<32x4x128xi32, #tpu.memory_space<hbm>> -> memref<1x4x128xi32, #tpu.memory_space<hbm>>
      %dma_wait3A_1132 = tpu.memref_squeeze %dma_wait3A_1131 : memref<1x4x128xi32, #tpu.memory_space<hbm>> -> memref<4x128xi32, #tpu.memory_space<hbm>>
      %dma_wait3A_1133 = arith.constant 0 : i32
      %dma_wait3A_1134 = arith.constant 0 : i32
      %dma_wait3A_1135 = tpu.memref_slice %arg2[%add3A, %dma_wait3A_1133, %dma_wait3A_1134] : memref<32x4x128xi32, #tpu.memory_space<hbm>> -> memref<1x4x128xi32, #tpu.memory_space<hbm>>
      %dma_wait3A_1136 = tpu.memref_squeeze %dma_wait3A_1135 : memref<1x4x128xi32, #tpu.memory_space<hbm>> -> memref<4x128xi32, #tpu.memory_space<hbm>>
      tpu.wait_dma2 semaphore(%run_scoped3A : memref<!tpu.dma_semaphore, #tpu.memory_space<semaphore_mem>>) src(%dma_wait3A_1136 : memref<4x128xi32, #tpu.memory_space<hbm>>) dst(%arg9 : memref<4x128xi32, #tpu.memory_space<vmem>>)
      tpu.yield
    }) : () -> ()
    "tpu.region"() ({
      %run_scoped3A = tpu.sem_alloc : memref<!tpu.dma_semaphore, #tpu.memory_space<semaphore_mem>>
      %dma_start3A_1122 = arith.constant 0 : i32
      %dma_start3A_1123 = arith.constant 0 : i32
      %dma_start3A_1124 = tpu.memref_slice %arg3[%add3A, %dma_start3A_1122, %dma_start3A_1123] : memref<32x4x128xi32, #tpu.memory_space<hbm>> -> memref<1x4x128xi32, #tpu.memory_space<hbm>>
      %dma_start3A_1125 = tpu.memref_squeeze %dma_start3A_1124 : memref<1x4x128xi32, #tpu.memory_space<hbm>> -> memref<4x128xi32, #tpu.memory_space<hbm>>
      %dma_start3A_1126 = arith.constant 0 : i32
      %dma_start3A_1127 = arith.constant 0 : i32
      %dma_start3A_1128 = tpu.memref_slice %arg3[%add3A, %dma_start3A_1126, %dma_start3A_1127] : memref<32x4x128xi32, #tpu.memory_space<hbm>> -> memref<1x4x128xi32, #tpu.memory_space<hbm>>
      %dma_start3A_1129 = tpu.memref_squeeze %dma_start3A_1128 : memref<1x4x128xi32, #tpu.memory_space<hbm>> -> memref<4x128xi32, #tpu.memory_space<hbm>>
      tpu.enqueue_dma source(%dma_start3A_1129 : memref<4x128xi32, #tpu.memory_space<hbm>>) target(%arg10 : memref<4x128xi32, #tpu.memory_space<vmem>>) target_semaphore(%run_scoped3A : memref<!tpu.dma_semaphore, #tpu.memory_space<semaphore_mem>>)
      %dma_wait3A = arith.constant 0 : i32
      %dma_wait3A_1130 = arith.constant 0 : i32
      %dma_wait3A_1131 = tpu.memref_slice %arg3[%add3A, %dma_wait3A, %dma_wait3A_1130] : memref<32x4x128xi32, #tpu.memory_space<hbm>> -> memref<1x4x128xi32, #tpu.memory_space<hbm>>
      %dma_wait3A_1132 = tpu.memref_squeeze %dma_wait3A_1131 : memref<1x4x128xi32, #tpu.memory_space<hbm>> -> memref<4x128xi32, #tpu.memory_space<hbm>>
      %dma_wait3A_1133 = arith.constant 0 : i32
      %dma_wait3A_1134 = arith.constant 0 : i32
      %dma_wait3A_1135 = tpu.memref_slice %arg3[%add3A, %dma_wait3A_1133, %dma_wait3A_1134] : memref<32x4x128xi32, #tpu.memory_space<hbm>> -> memref<1x4x128xi32, #tpu.memory_space<hbm>>
      %dma_wait3A_1136 = tpu.memref_squeeze %dma_wait3A_1135 : memref<1x4x128xi32, #tpu.memory_space<hbm>> -> memref<4x128xi32, #tpu.memory_space<hbm>>
      tpu.wait_dma2 semaphore(%run_scoped3A : memref<!tpu.dma_semaphore, #tpu.memory_space<semaphore_mem>>) src(%dma_wait3A_1136 : memref<4x128xi32, #tpu.memory_space<hbm>>) dst(%arg10 : memref<4x128xi32, #tpu.memory_space<vmem>>)
      tpu.yield
    }) : () -> ()
    "tpu.region"() ({
      %run_scoped3A = tpu.sem_alloc : memref<!tpu.dma_semaphore, #tpu.memory_space<semaphore_mem>>
      %dma_start3A_1122 = arith.constant 0 : i32
      %dma_start3A_1123 = arith.constant 0 : i32
      %dma_start3A_1124 = tpu.memref_slice %arg4[%add3A, %dma_start3A_1122, %dma_start3A_1123] : memref<32x4x128xi32, #tpu.memory_space<hbm>> -> memref<1x4x128xi32, #tpu.memory_space<hbm>>
      %dma_start3A_1125 = tpu.memref_squeeze %dma_start3A_1124 : memref<1x4x128xi32, #tpu.memory_space<hbm>> -> memref<4x128xi32, #tpu.memory_space<hbm>>
      %dma_start3A_1126 = arith.constant 0 : i32
      %dma_start3A_1127 = arith.constant 0 : i32
      %dma_start3A_1128 = tpu.memref_slice %arg4[%add3A, %dma_start3A_1126, %dma_start3A_1127] : memref<32x4x128xi32, #tpu.memory_space<hbm>> -> memref<1x4x128xi32, #tpu.memory_space<hbm>>
      %dma_start3A_1129 = tpu.memref_squeeze %dma_start3A_1128 : memref<1x4x128xi32, #tpu.memory_space<hbm>> -> memref<4x128xi32, #tpu.memory_space<hbm>>
      tpu.enqueue_dma source(%dma_start3A_1129 : memref<4x128xi32, #tpu.memory_space<hbm>>) target(%arg11 : memref<4x128xi32, #tpu.memory_space<vmem>>) target_semaphore(%run_scoped3A : memref<!tpu.dma_semaphore, #tpu.memory_space<semaphore_mem>>)
      %dma_wait3A = arith.constant 0 : i32
      %dma_wait3A_1130 = arith.constant 0 : i32
      %dma_wait3A_1131 = tpu.memref_slice %arg4[%add3A, %dma_wait3A, %dma_wait3A_1130] : memref<32x4x128xi32, #tpu.memory_space<hbm>> -> memref<1x4x128xi32, #tpu.memory_space<hbm>>
      %dma_wait3A_1132 = tpu.memref_squeeze %dma_wait3A_1131 : memref<1x4x128xi32, #tpu.memory_space<hbm>> -> memref<4x128xi32, #tpu.memory_space<hbm>>
      %dma_wait3A_1133 = arith.constant 0 : i32
      %dma_wait3A_1134 = arith.constant 0 : i32
      %dma_wait3A_1135 = tpu.memref_slice %arg4[%add3A, %dma_wait3A_1133, %dma_wait3A_1134] : memref<32x4x128xi32, #tpu.memory_space<hbm>> -> memref<1x4x128xi32, #tpu.memory_space<hbm>>
      %dma_wait3A_1136 = tpu.memref_squeeze %dma_wait3A_1135 : memref<1x4x128xi32, #tpu.memory_space<hbm>> -> memref<4x128xi32, #tpu.memory_space<hbm>>
      tpu.wait_dma2 semaphore(%run_scoped3A : memref<!tpu.dma_semaphore, #tpu.memory_space<semaphore_mem>>) src(%dma_wait3A_1136 : memref<4x128xi32, #tpu.memory_space<hbm>>) dst(%arg11 : memref<4x128xi32, #tpu.memory_space<vmem>>)
      tpu.yield
    }) : () -> ()
    %broadcast_in_dim3A = arith.constant 0 : i32
    %broadcast_in_dim3A_1 = vector.broadcast %broadcast_in_dim3A : i32 to vector<16xi32>
    %broadcast_in_dim3A_2 = arith.constant 0 : i32
    %broadcast_in_dim3A_3 = vector.broadcast %broadcast_in_dim3A_2 : i32 to vector<16xi32>
    %gather3A = tpu.vector_load_idx %arg9[%broadcast_in_dim3A_1, %broadcast_in_dim3A_3] : memref<4x128xi32, #tpu.memory_space<vmem>>[vector<16xi32>, vector<16xi32>], vector<16xi32>,
    %slice3A = vector.extract_strided_slice %gather3A {offsets = [0], sizes = [1], strides = [1]} : vector<16xi32> to vector<1xi32>
    %squeeze3A = vector.extract %slice3A[0] : i32 from vector<1xi32>
    %broadcast_in_dim3A_4 = arith.constant 0 : i32
    %broadcast_in_dim3A_5 = vector.broadcast %broadcast_in_dim3A_4 : i32 to vector<16xi32>
    %broadcast_in_dim3A_6 = arith.constant 0 : i32
    %broadcast_in_dim3A_7 = vector.broadcast %broadcast_in_dim3A_6 : i32 to vector<16xi32>
    %gather3A_8 = tpu.vector_load_idx %arg10[%broadcast_in_dim3A_5, %broadcast_in_dim3A_7] : memref<4x128xi32, #tpu.memory_space<vmem>>[vector<16xi32>, vector<16xi32>], vector<16xi32>,
    %slice3A_9 = vector.extract_strided_slice %gather3A_8 {offsets = [0], sizes = [1], strides = [1]} : vector<16xi32> to vector<1xi32>
    %squeeze3A_10 = vector.extract %slice3A_9[0] : i32 from vector<1xi32>
    %broadcast_in_dim3A_11 = arith.constant 0 : i32
    %broadcast_in_dim3A_12 = vector.broadcast %broadcast_in_dim3A_11 : i32 to vector<16xi32>
    %broadcast_in_dim3A_13 = arith.constant 0 : i32
    %broadcast_in_dim3A_14 = vector.broadcast %broadcast_in_dim3A_13 : i32 to vector<16xi32>
    %gather3A_15 = tpu.vector_load_idx %arg11[%broadcast_in_dim3A_12, %broadcast_in_dim3A_14] : memref<4x128xi32, #tpu.memory_space<vmem>>[vector<16xi32>, vector<16xi32>], vector<16xi32>,
    %slice3A_16 = vector.extract_strided_slice %gather3A_15 {offsets = [0], sizes = [1], strides = [1]} : vector<16xi32> to vector<1xi32>
    %squeeze3A_17 = vector.extract %slice3A_16[0] : i32 from vector<1xi32>
    %jit3A = arith.constant 128 : i32
    %div3A = arith.divsi %squeeze3A, %jit3A : i32
    %sign3A = arith.constant 0 : i32
    %sign3A_18 = arith.cmpi sgt, %squeeze3A, %sign3A : i32
    %sign3A_19 = arith.extui %sign3A_18 : i1 to i32
    %sign3A_20 = arith.constant 0 : i32
    %sign3A_21 = arith.cmpi slt, %squeeze3A, %sign3A_20 : i32
    %sign3A_22 = arith.extui %sign3A_21 : i1 to i32
    %sign3A_23 = arith.subi %sign3A_19, %sign3A_22 : i32
    %sign3A_24 = arith.constant 0 : i32
    %sign3A_25 = arith.cmpi sgt, %jit3A, %sign3A_24 : i32
    %sign3A_26 = arith.extui %sign3A_25 : i1 to i32
    %sign3A_27 = arith.constant 0 : i32
    %sign3A_28 = arith.cmpi slt, %jit3A, %sign3A_27 : i32
    %sign3A_29 = arith.extui %sign3A_28 : i1 to i32
    %sign3A_30 = arith.subi %sign3A_26, %sign3A_29 : i32
    %ne3A = arith.cmpi ne, %sign3A_23, %sign3A_30 : i32
    %rem3A = arith.remsi %squeeze3A, %jit3A : i32
    %ne3A_31 = arith.constant 0 : i32
    %ne3A_32 = arith.cmpi ne, %rem3A, %ne3A_31 : i32
    %and3A = arith.andi %ne3A, %ne3A_32 : i1
    %sub3A = arith.constant 1 : i32
    %sub3A_33 = arith.subi %div3A, %sub3A : i32
    %select_n3A = arith.select %and3A, %sub3A_33, %div3A : i32
    %mul3A_34 = arith.constant 128 : i32
    %mul3A_35 = arith.muli %select_n3A, %mul3A_34 : i32
    %multiple_of3A = tpu.assume_multiple %mul3A_35, 128 : i32
    %dma_start3A = arith.constant 0 : i32
    %dma_start3A_36 = arith.constant 0 : i32
    %dma_start3A_37 = arith.constant 0 : i32
    %dma_start3A_38 = tpu.memref_slice %arg12[%dma_start3A, %dma_start3A_36, %dma_start3A_37] : memref<8x32x128xf32, #tpu.memory_space<vmem>> -> memref<1x32x128xf32, #tpu.memory_space<vmem>>
    %dma_start3A_39 = tpu.memref_squeeze %dma_start3A_38 : memref<1x32x128xf32, #tpu.memory_space<vmem>> -> memref<32x128xf32, #tpu.memory_space<vmem>>
    %dma_start3A_40 = arith.constant 0 : i32
    %dma_start3A_41 = tpu.memref_slice %arg5[%dma_start3A_40, %multiple_of3A] : memref<32x1000000xf32, #tpu.memory_space<hbm>> -> memref<32x128xf32, #tpu.memory_space<hbm>>
    %dma_start3A_42 = arith.constant 0 : i32
    %dma_start3A_43 = arith.constant 0 : i32
    %dma_start3A_44 = tpu.memref_slice %arg12[%dma_start3A, %dma_start3A_42, %dma_start3A_43] : memref<8x32x128xf32, #tpu.memory_space<vmem>> -> memref<1x32x128xf32, #tpu.memory_space<vmem>>
    %dma_start3A_45 = tpu.memref_squeeze %dma_start3A_44 : memref<1x32x128xf32, #tpu.memory_space<vmem>> -> memref<32x128xf32, #tpu.memory_space<vmem>>
    %dma_start3A_46 = arith.constant 0 : i32
    %dma_start3A_47 = tpu.memref_slice %arg5[%dma_start3A_46, %multiple_of3A] : memref<32x1000000xf32, #tpu.memory_space<hbm>> -> memref<32x128xf32, #tpu.memory_space<hbm>>
    tpu.enqueue_dma source(%dma_start3A_47 : memref<32x128xf32, #tpu.memory_space<hbm>>) target(%dma_start3A_45 : memref<32x128xf32, #tpu.memory_space<vmem>>) target_semaphore(%arg17 : memref<!tpu.dma_semaphore, #tpu.memory_space<semaphore_mem>>)
    %jit3A_48 = arith.constant 128 : i32
    %div3A_49 = arith.divsi %squeeze3A_10, %jit3A_48 : i32
    %sign3A_50 = arith.constant 0 : i32
    %sign3A_51 = arith.cmpi sgt, %squeeze3A_10, %sign3A_50 : i32
    %sign3A_52 = arith.extui %sign3A_51 : i1 to i32
    %sign3A_53 = arith.constant 0 : i32
    %sign3A_54 = arith.cmpi slt, %squeeze3A_10, %sign3A_53 : i32
    %sign3A_55 = arith.extui %sign3A_54 : i1 to i32
    %sign3A_56 = arith.subi %sign3A_52, %sign3A_55 : i32
    %sign3A_57 = arith.constant 0 : i32
    %sign3A_58 = arith.cmpi sgt, %jit3A_48, %sign3A_57 : i32
    %sign3A_59 = arith.extui %sign3A_58 : i1 to i32
    %sign3A_60 = arith.constant 0 : i32
    %sign3A_61 = arith.cmpi slt, %jit3A_48, %sign3A_60 : i32
    %sign3A_62 = arith.extui %sign3A_61 : i1 to i32
    %sign3A_63 = arith.subi %sign3A_59, %sign3A_62 : i32
    %ne3A_64 = arith.cmpi ne, %sign3A_56, %sign3A_63 : i32
    %rem3A_65 = arith.remsi %squeeze3A_10, %jit3A_48 : i32
    %ne3A_66 = arith.constant 0 : i32
    %ne3A_67 = arith.cmpi ne, %rem3A_65, %ne3A_66 : i32
    %and3A_68 = arith.andi %ne3A_64, %ne3A_67 : i1
    %sub3A_69 = arith.constant 1 : i32
    %sub3A_70 = arith.subi %div3A_49, %sub3A_69 : i32
    %select_n3A_71 = arith.select %and3A_68, %sub3A_70, %div3A_49 : i32
    %mul3A_72 = arith.constant 128 : i32
    %mul3A_73 = arith.muli %select_n3A_71, %mul3A_72 : i32
    %multiple_of3A_74 = tpu.assume_multiple %mul3A_73, 128 : i32
    %dma_start3A_75 = arith.constant 0 : i32
    %dma_start3A_76 = arith.constant 0 : i32
    %dma_start3A_77 = arith.constant 0 : i32
    %dma_start3A_78 = tpu.memref_slice %arg13[%dma_start3A_75, %dma_start3A_76, %dma_start3A_77] : memref<8x32x128xf32, #tpu.memory_space<vmem>> -> memref<1x32x128xf32, #tpu.memory_space<vmem>>
    %dma_start3A_79 = tpu.memref_squeeze %dma_start3A_78 : memref<1x32x128xf32, #tpu.memory_space<vmem>> -> memref<32x128xf32, #tpu.memory_space<vmem>>
    %dma_start3A_80 = arith.constant 0 : i32
    %dma_start3A_81 = tpu.memref_slice %arg6[%dma_start3A_80, %multiple_of3A_74] : memref<32x1000000xf32, #tpu.memory_space<hbm>> -> memref<32x128xf32, #tpu.memory_space<hbm>>
    %dma_start3A_82 = arith.constant 0 : i32
    %dma_start3A_83 = arith.constant 0 : i32
    %dma_start3A_84 = tpu.memref_slice %arg13[%dma_start3A_75, %dma_start3A_82, %dma_start3A_83] : memref<8x32x128xf32, #tpu.memory_space<vmem>> -> memref<1x32x128xf32, #tpu.memory_space<vmem>>
    %dma_start3A_85 = tpu.memref_squeeze %dma_start3A_84 : memref<1x32x128xf32, #tpu.memory_space<vmem>> -> memref<32x128xf32, #tpu.memory_space<vmem>>
    %dma_start3A_86 = arith.constant 0 : i32
    %dma_start3A_87 = tpu.memref_slice %arg6[%dma_start3A_86, %multiple_of3A_74] : memref<32x1000000xf32, #tpu.memory_space<hbm>> -> memref<32x128xf32, #tpu.memory_space<hbm>>
    tpu.enqueue_dma source(%dma_start3A_87 : memref<32x128xf32, #tpu.memory_space<hbm>>) target(%dma_start3A_85 : memref<32x128xf32, #tpu.memory_space<vmem>>) target_semaphore(%arg18 : memref<!tpu.dma_semaphore, #tpu.memory_space<semaphore_mem>>)
    %jit3A_88 = arith.constant 128 : i32
    %div3A_89 = arith.divsi %squeeze3A_17, %jit3A_88 : i32
    %sign3A_90 = arith.constant 0 : i32
    %sign3A_91 = arith.cmpi sgt, %squeeze3A_17, %sign3A_90 : i32
    %sign3A_92 = arith.extui %sign3A_91 : i1 to i32
    %sign3A_93 = arith.constant 0 : i32
    %sign3A_94 = arith.cmpi slt, %squeeze3A_17, %sign3A_93 : i32
    %sign3A_95 = arith.extui %sign3A_94 : i1 to i32
    %sign3A_96 = arith.subi %sign3A_92, %sign3A_95 : i32
    %sign3A_97 = arith.constant 0 : i32
    %sign3A_98 = arith.cmpi sgt, %jit3A_88, %sign3A_97 : i32
    %sign3A_99 = arith.extui %sign3A_98 : i1 to i32
    %sign3A_100 = arith.constant 0 : i32
    %sign3A_101 = arith.cmpi slt, %jit3A_88, %sign3A_100 : i32
    %sign3A_102 = arith.extui %sign3A_101 : i1 to i32
    %sign3A_103 = arith.subi %sign3A_99, %sign3A_102 : i32
    %ne3A_104 = arith.cmpi ne, %sign3A_96, %sign3A_103 : i32
    %rem3A_105 = arith.remsi %squeeze3A_17, %jit3A_88 : i32
    %ne3A_106 = arith.constant 0 : i32
    %ne3A_107 = arith.cmpi ne, %rem3A_105, %ne3A_106 : i32
    %and3A_108 = arith.andi %ne3A_104, %ne3A_107 : i1
    %sub3A_109 = arith.constant 1 : i32
    %sub3A_110 = arith.subi %div3A_89, %sub3A_109 : i32
    %select_n3A_111 = arith.select %and3A_108, %sub3A_110, %div3A_89 : i32
    %mul3A_112 = arith.constant 128 : i32
    %mul3A_113 = arith.muli %select_n3A_111, %mul3A_112 : i32
    %multiple_of3A_114 = tpu.assume_multiple %mul3A_113, 128 : i32
    %dma_start3A_115 = arith.constant 0 : i32
    %dma_start3A_116 = arith.constant 0 : i32
    %dma_start3A_117 = arith.constant 0 : i32
    %dma_start3A_118 = tpu.memref_slice %arg14[%dma_start3A_115, %dma_start3A_116, %dma_start3A_117] : memref<8x32x128xf32, #tpu.memory_space<vmem>> -> memref<1x32x128xf32, #tpu.memory_space<vmem>>
    %dma_start3A_119 = tpu.memref_squeeze %dma_start3A_118 : memref<1x32x128xf32, #tpu.memory_space<vmem>> -> memref<32x128xf32, #tpu.memory_space<vmem>>
    %dma_start3A_120 = arith.constant 0 : i32
    %dma_start3A_121 = tpu.memref_slice %arg6[%dma_start3A_120, %multiple_of3A_114] : memref<32x1000000xf32, #tpu.memory_space<hbm>> -> memref<32x128xf32, #tpu.memory_space<hbm>>
    %dma_start3A_122 = arith.constant 0 : i32
    %dma_start3A_123 = arith.constant 0 : i32
    %dma_start3A_124 = tpu.memref_slice %arg14[%dma_start3A_115, %dma_start3A_122, %dma_start3A_123] : memref<8x32x128xf32, #tpu.memory_space<vmem>> -> memref<1x32x128xf32, #tpu.memory_space<vmem>>
    %dma_start3A_125 = tpu.memref_squeeze %dma_start3A_124 : memref<1x32x128xf32, #tpu.memory_space<vmem>> -> memref<32x128xf32, #tpu.memory_space<vmem>>
    %dma_start3A_126 = arith.constant 0 : i32
    %dma_start3A_127 = tpu.memref_slice %arg6[%dma_start3A_126, %multiple_of3A_114] : memref<32x1000000xf32, #tpu.memory_space<hbm>> -> memref<32x128xf32, #tpu.memory_space<hbm>>
    tpu.enqueue_dma source(%dma_start3A_127 : memref<32x128xf32, #tpu.memory_space<hbm>>) target(%dma_start3A_125 : memref<32x128xf32, #tpu.memory_space<vmem>>) target_semaphore(%arg19 : memref<!tpu.dma_semaphore, #tpu.memory_space<semaphore_mem>>)
    %broadcast_in_dim3A_128 = arith.constant 0 : i32
    %broadcast_in_dim3A_129 = vector.broadcast %broadcast_in_dim3A_128 : i32 to vector<16xi32>
    %broadcast_in_dim3A_130 = arith.constant 1 : i32
    %broadcast_in_dim3A_131 = vector.broadcast %broadcast_in_dim3A_130 : i32 to vector<16xi32>
    %gather3A_132 = tpu.vector_load_idx %arg9[%broadcast_in_dim3A_129, %broadcast_in_dim3A_131] : memref<4x128xi32, #tpu.memory_space<vmem>>[vector<16xi32>, vector<16xi32>], vector<16xi32>,
    %slice3A_133 = vector.extract_strided_slice %gather3A_132 {offsets = [0], sizes = [1], strides = [1]} : vector<16xi32> to vector<1xi32>
    %squeeze3A_134 = vector.extract %slice3A_133[0] : i32 from vector<1xi32>
    %broadcast_in_dim3A_135 = arith.constant 0 : i32
    %broadcast_in_dim3A_136 = vector.broadcast %broadcast_in_dim3A_135 : i32 to vector<16xi32>
    %broadcast_in_dim3A_137 = arith.constant 1 : i32
    %broadcast_in_dim3A_138 = vector.broadcast %broadcast_in_dim3A_137 : i32 to vector<16xi32>
    %gather3A_139 = tpu.vector_load_idx %arg10[%broadcast_in_dim3A_136, %broadcast_in_dim3A_138] : memref<4x128xi32, #tpu.memory_space<vmem>>[vector<16xi32>, vector<16xi32>], vector<16xi32>,
    %slice3A_140 = vector.extract_strided_slice %gather3A_139 {offsets = [0], sizes = [1], strides = [1]} : vector<16xi32> to vector<1xi32>
    %squeeze3A_141 = vector.extract %slice3A_140[0] : i32 from vector<1xi32>
    %broadcast_in_dim3A_142 = arith.constant 0 : i32
    %broadcast_in_dim3A_143 = vector.broadcast %broadcast_in_dim3A_142 : i32 to vector<16xi32>
    %broadcast_in_dim3A_144 = arith.constant 1 : i32
    %broadcast_in_dim3A_145 = vector.broadcast %broadcast_in_dim3A_144 : i32 to vector<16xi32>
    %gather3A_146 = tpu.vector_load_idx %arg11[%broadcast_in_dim3A_143, %broadcast_in_dim3A_145] : memref<4x128xi32, #tpu.memory_space<vmem>>[vector<16xi32>, vector<16xi32>], vector<16xi32>,
    %slice3A_147 = vector.extract_strided_slice %gather3A_146 {offsets = [0], sizes = [1], strides = [1]} : vector<16xi32> to vector<1xi32>
    %squeeze3A_148 = vector.extract %slice3A_147[0] : i32 from vector<1xi32>
    %jit3A_149 = arith.constant 128 : i32
    %div3A_150 = arith.divsi %squeeze3A_134, %jit3A_149 : i32
    %sign3A_151 = arith.constant 0 : i32
    %sign3A_152 = arith.cmpi sgt, %squeeze3A_134, %sign3A_151 : i32
    %sign3A_153 = arith.extui %sign3A_152 : i1 to i32
    %sign3A_154 = arith.constant 0 : i32
    %sign3A_155 = arith.cmpi slt, %squeeze3A_134, %sign3A_154 : i32
    %sign3A_156 = arith.extui %sign3A_155 : i1 to i32
    %sign3A_157 = arith.subi %sign3A_153, %sign3A_156 : i32
    %sign3A_158 = arith.constant 0 : i32
    %sign3A_159 = arith.cmpi sgt, %jit3A_149, %sign3A_158 : i32
    %sign3A_160 = arith.extui %sign3A_159 : i1 to i32
    %sign3A_161 = arith.constant 0 : i32
    %sign3A_162 = arith.cmpi slt, %jit3A_149, %sign3A_161 : i32
    %sign3A_163 = arith.extui %sign3A_162 : i1 to i32
    %sign3A_164 = arith.subi %sign3A_160, %sign3A_163 : i32
    %ne3A_165 = arith.cmpi ne, %sign3A_157, %sign3A_164 : i32
    %rem3A_166 = arith.remsi %squeeze3A_134, %jit3A_149 : i32
    %ne3A_167 = arith.constant 0 : i32
    %ne3A_168 = arith.cmpi ne, %rem3A_166, %ne3A_167 : i32
    %and3A_169 = arith.andi %ne3A_165, %ne3A_168 : i1
    %sub3A_170 = arith.constant 1 : i32
    %sub3A_171 = arith.subi %div3A_150, %sub3A_170 : i32
    %select_n3A_172 = arith.select %and3A_169, %sub3A_171, %div3A_150 : i32
    %mul3A_173 = arith.constant 128 : i32
    %mul3A_174 = arith.muli %select_n3A_172, %mul3A_173 : i32
    %multiple_of3A_175 = tpu.assume_multiple %mul3A_174, 128 : i32
    %dma_start3A_176 = arith.constant 1 : i32
    %dma_start3A_177 = arith.constant 0 : i32
    %dma_start3A_178 = arith.constant 0 : i32
    %dma_start3A_179 = tpu.memref_slice %arg12[%dma_start3A_176, %dma_start3A_177, %dma_start3A_178] : memref<8x32x128xf32, #tpu.memory_space<vmem>> -> memref<1x32x128xf32, #tpu.memory_space<vmem>>
    %dma_start3A_180 = tpu.memref_squeeze %dma_start3A_179 : memref<1x32x128xf32, #tpu.memory_space<vmem>> -> memref<32x128xf32, #tpu.memory_space<vmem>>
    %dma_start3A_181 = arith.constant 0 : i32
    %dma_start3A_182 = tpu.memref_slice %arg5[%dma_start3A_181, %multiple_of3A_175] : memref<32x1000000xf32, #tpu.memory_space<hbm>> -> memref<32x128xf32, #tpu.memory_space<hbm>>
    %dma_start3A_183 = arith.constant 0 : i32
    %dma_start3A_184 = arith.constant 0 : i32
    %dma_start3A_185 = tpu.memref_slice %arg12[%dma_start3A_176, %dma_start3A_183, %dma_start3A_184] : memref<8x32x128xf32, #tpu.memory_space<vmem>> -> memref<1x32x128xf32, #tpu.memory_space<vmem>>
    %dma_start3A_186 = tpu.memref_squeeze %dma_start3A_185 : memref<1x32x128xf32, #tpu.memory_space<vmem>> -> memref<32x128xf32, #tpu.memory_space<vmem>>
    %dma_start3A_187 = arith.constant 0 : i32
    %dma_start3A_188 = tpu.memref_slice %arg5[%dma_start3A_187, %multiple_of3A_175] : memref<32x1000000xf32, #tpu.memory_space<hbm>> -> memref<32x128xf32, #tpu.memory_space<hbm>>
    tpu.enqueue_dma source(%dma_start3A_188 : memref<32x128xf32, #tpu.memory_space<hbm>>) target(%dma_start3A_186 : memref<32x128xf32, #tpu.memory_space<vmem>>) target_semaphore(%arg17 : memref<!tpu.dma_semaphore, #tpu.memory_space<semaphore_mem>>)
    %jit3A_189 = arith.constant 128 : i32
    %div3A_190 = arith.divsi %squeeze3A_141, %jit3A_189 : i32
    %sign3A_191 = arith.constant 0 : i32
    %sign3A_192 = arith.cmpi sgt, %squeeze3A_141, %sign3A_191 : i32
    %sign3A_193 = arith.extui %sign3A_192 : i1 to i32
    %sign3A_194 = arith.constant 0 : i32
    %sign3A_195 = arith.cmpi slt, %squeeze3A_141, %sign3A_194 : i32
    %sign3A_196 = arith.extui %sign3A_195 : i1 to i32
    %sign3A_197 = arith.subi %sign3A_193, %sign3A_196 : i32
    %sign3A_198 = arith.constant 0 : i32
    %sign3A_199 = arith.cmpi sgt, %jit3A_189, %sign3A_198 : i32
    %sign3A_200 = arith.extui %sign3A_199 : i1 to i32
    %sign3A_201 = arith.constant 0 : i32
    %sign3A_202 = arith.cmpi slt, %jit3A_189, %sign3A_201 : i32
    %sign3A_203 = arith.extui %sign3A_202 : i1 to i32
    %sign3A_204 = arith.subi %sign3A_200, %sign3A_203 : i32
    %ne3A_205 = arith.cmpi ne, %sign3A_197, %sign3A_204 : i32
    %rem3A_206 = arith.remsi %squeeze3A_141, %jit3A_189 : i32
    %ne3A_207 = arith.constant 0 : i32
    %ne3A_208 = arith.cmpi ne, %rem3A_206, %ne3A_207 : i32
    %and3A_209 = arith.andi %ne3A_205, %ne3A_208 : i1
    %sub3A_210 = arith.constant 1 : i32
    %sub3A_211 = arith.subi %div3A_190, %sub3A_210 : i32
    %select_n3A_212 = arith.select %and3A_209, %sub3A_211, %div3A_190 : i32
    %mul3A_213 = arith.constant 128 : i32
    %mul3A_214 = arith.muli %select_n3A_212, %mul3A_213 : i32
    %multiple_of3A_215 = tpu.assume_multiple %mul3A_214, 128 : i32
    %dma_start3A_216 = arith.constant 1 : i32
    %dma_start3A_217 = arith.constant 0 : i32
    %dma_start3A_218 = arith.constant 0 : i32
    %dma_start3A_219 = tpu.memref_slice %arg13[%dma_start3A_216, %dma_start3A_217, %dma_start3A_218] : memref<8x32x128xf32, #tpu.memory_space<vmem>> -> memref<1x32x128xf32, #tpu.memory_space<vmem>>
    %dma_start3A_220 = tpu.memref_squeeze %dma_start3A_219 : memref<1x32x128xf32, #tpu.memory_space<vmem>> -> memref<32x128xf32, #tpu.memory_space<vmem>>
    %dma_start3A_221 = arith.constant 0 : i32
    %dma_start3A_222 = tpu.memref_slice %arg6[%dma_start3A_221, %multiple_of3A_215] : memref<32x1000000xf32, #tpu.memory_space<hbm>> -> memref<32x128xf32, #tpu.memory_space<hbm>>
    %dma_start3A_223 = arith.constant 0 : i32
    %dma_start3A_224 = arith.constant 0 : i32
    %dma_start3A_225 = tpu.memref_slice %arg13[%dma_start3A_216, %dma_start3A_223, %dma_start3A_224] : memref<8x32x128xf32, #tpu.memory_space<vmem>> -> memref<1x32x128xf32, #tpu.memory_space<vmem>>
    %dma_start3A_226 = tpu.memref_squeeze %dma_start3A_225 : memref<1x32x128xf32, #tpu.memory_space<vmem>> -> memref<32x128xf32, #tpu.memory_space<vmem>>
    %dma_start3A_227 = arith.constant 0 : i32
    %dma_start3A_228 = tpu.memref_slice %arg6[%dma_start3A_227, %multiple_of3A_215] : memref<32x1000000xf32, #tpu.memory_space<hbm>> -> memref<32x128xf32, #tpu.memory_space<hbm>>
    tpu.enqueue_dma source(%dma_start3A_228 : memref<32x128xf32, #tpu.memory_space<hbm>>) target(%dma_start3A_226 : memref<32x128xf32, #tpu.memory_space<vmem>>) target_semaphore(%arg18 : memref<!tpu.dma_semaphore, #tpu.memory_space<semaphore_mem>>)
    %jit3A_229 = arith.constant 128 : i32
    %div3A_230 = arith.divsi %squeeze3A_148, %jit3A_229 : i32
    %sign3A_231 = arith.constant 0 : i32
    %sign3A_232 = arith.cmpi sgt, %squeeze3A_148, %sign3A_231 : i32
    %sign3A_233 = arith.extui %sign3A_232 : i1 to i32
    %sign3A_234 = arith.constant 0 : i32
    %sign3A_235 = arith.cmpi slt, %squeeze3A_148, %sign3A_234 : i32
    %sign3A_236 = arith.extui %sign3A_235 : i1 to i32
    %sign3A_237 = arith.subi %sign3A_233, %sign3A_236 : i32
    %sign3A_238 = arith.constant 0 : i32
    %sign3A_239 = arith.cmpi sgt, %jit3A_229, %sign3A_238 : i32
    %sign3A_240 = arith.extui %sign3A_239 : i1 to i32
    %sign3A_241 = arith.constant 0 : i32
    %sign3A_242 = arith.cmpi slt, %jit3A_229, %sign3A_241 : i32
    %sign3A_243 = arith.extui %sign3A_242 : i1 to i32
    %sign3A_244 = arith.subi %sign3A_240, %sign3A_243 : i32
    %ne3A_245 = arith.cmpi ne, %sign3A_237, %sign3A_244 : i32
    %rem3A_246 = arith.remsi %squeeze3A_148, %jit3A_229 : i32
    %ne3A_247 = arith.constant 0 : i32
    %ne3A_248 = arith.cmpi ne, %rem3A_246, %ne3A_247 : i32
    %and3A_249 = arith.andi %ne3A_245, %ne3A_248 : i1
    %sub3A_250 = arith.constant 1 : i32
    %sub3A_251 = arith.subi %div3A_230, %sub3A_250 : i32
    %select_n3A_252 = arith.select %and3A_249, %sub3A_251, %div3A_230 : i32
    %mul3A_253 = arith.constant 128 : i32
    %mul3A_254 = arith.muli %select_n3A_252, %mul3A_253 : i32
    %multiple_of3A_255 = tpu.assume_multiple %mul3A_254, 128 : i32
    %dma_start3A_256 = arith.constant 1 : i32
    %dma_start3A_257 = arith.constant 0 : i32
    %dma_start3A_258 = arith.constant 0 : i32
    %dma_start3A_259 = tpu.memref_slice %arg14[%dma_start3A_256, %dma_start3A_257, %dma_start3A_258] : memref<8x32x128xf32, #tpu.memory_space<vmem>> -> memref<1x32x128xf32, #tpu.memory_space<vmem>>
    %dma_start3A_260 = tpu.memref_squeeze %dma_start3A_259 : memref<1x32x128xf32, #tpu.memory_space<vmem>> -> memref<32x128xf32, #tpu.memory_space<vmem>>
    %dma_start3A_261 = arith.constant 0 : i32
    %dma_start3A_262 = tpu.memref_slice %arg6[%dma_start3A_261, %multiple_of3A_255] : memref<32x1000000xf32, #tpu.memory_space<hbm>> -> memref<32x128xf32, #tpu.memory_space<hbm>>
    %dma_start3A_263 = arith.constant 0 : i32
    %dma_start3A_264 = arith.constant 0 : i32
    %dma_start3A_265 = tpu.memref_slice %arg14[%dma_start3A_256, %dma_start3A_263, %dma_start3A_264] : memref<8x32x128xf32, #tpu.memory_space<vmem>> -> memref<1x32x128xf32, #tpu.memory_space<vmem>>
    %dma_start3A_266 = tpu.memref_squeeze %dma_start3A_265 : memref<1x32x128xf32, #tpu.memory_space<vmem>> -> memref<32x128xf32, #tpu.memory_space<vmem>>
    %dma_start3A_267 = arith.constant 0 : i32
    %dma_start3A_268 = tpu.memref_slice %arg6[%dma_start3A_267, %multiple_of3A_255] : memref<32x1000000xf32, #tpu.memory_space<hbm>> -> memref<32x128xf32, #tpu.memory_space<hbm>>
    tpu.enqueue_dma source(%dma_start3A_268 : memref<32x128xf32, #tpu.memory_space<hbm>>) target(%dma_start3A_266 : memref<32x128xf32, #tpu.memory_space<vmem>>) target_semaphore(%arg19 : memref<!tpu.dma_semaphore, #tpu.memory_space<semaphore_mem>>)
    %broadcast_in_dim3A_269 = arith.constant 0 : i32
    %broadcast_in_dim3A_270 = vector.broadcast %broadcast_in_dim3A_269 : i32 to vector<16xi32>
    %broadcast_in_dim3A_271 = arith.constant 2 : i32
    %broadcast_in_dim3A_272 = vector.broadcast %broadcast_in_dim3A_271 : i32 to vector<16xi32>
    %gather3A_273 = tpu.vector_load_idx %arg9[%broadcast_in_dim3A_270, %broadcast_in_dim3A_272] : memref<4x128xi32, #tpu.memory_space<vmem>>[vector<16xi32>, vector<16xi32>], vector<16xi32>,
    %slice3A_274 = vector.extract_strided_slice %gather3A_273 {offsets = [0], sizes = [1], strides = [1]} : vector<16xi32> to vector<1xi32>
    %squeeze3A_275 = vector.extract %slice3A_274[0] : i32 from vector<1xi32>
    %broadcast_in_dim3A_276 = arith.constant 0 : i32
    %broadcast_in_dim3A_277 = vector.broadcast %broadcast_in_dim3A_276 : i32 to vector<16xi32>
    %broadcast_in_dim3A_278 = arith.constant 2 : i32
    %broadcast_in_dim3A_279 = vector.broadcast %broadcast_in_dim3A_278 : i32 to vector<16xi32>
    %gather3A_280 = tpu.vector_load_idx %arg10[%broadcast_in_dim3A_277, %broadcast_in_dim3A_279] : memref<4x128xi32, #tpu.memory_space<vmem>>[vector<16xi32>, vector<16xi32>], vector<16xi32>,
    %slice3A_281 = vector.extract_strided_slice %gather3A_280 {offsets = [0], sizes = [1], strides = [1]} : vector<16xi32> to vector<1xi32>
    %squeeze3A_282 = vector.extract %slice3A_281[0] : i32 from vector<1xi32>
    %broadcast_in_dim3A_283 = arith.constant 0 : i32
    %broadcast_in_dim3A_284 = vector.broadcast %broadcast_in_dim3A_283 : i32 to vector<16xi32>
    %broadcast_in_dim3A_285 = arith.constant 2 : i32
    %broadcast_in_dim3A_286 = vector.broadcast %broadcast_in_dim3A_285 : i32 to vector<16xi32>
    %gather3A_287 = tpu.vector_load_idx %arg11[%broadcast_in_dim3A_284, %broadcast_in_dim3A_286] : memref<4x128xi32, #tpu.memory_space<vmem>>[vector<16xi32>, vector<16xi32>], vector<16xi32>,
    %slice3A_288 = vector.extract_strided_slice %gather3A_287 {offsets = [0], sizes = [1], strides = [1]} : vector<16xi32> to vector<1xi32>
    %squeeze3A_289 = vector.extract %slice3A_288[0] : i32 from vector<1xi32>
    %jit3A_290 = arith.constant 128 : i32
    %div3A_291 = arith.divsi %squeeze3A_275, %jit3A_290 : i32
    %sign3A_292 = arith.constant 0 : i32
    %sign3A_293 = arith.cmpi sgt, %squeeze3A_275, %sign3A_292 : i32
    %sign3A_294 = arith.extui %sign3A_293 : i1 to i32
    %sign3A_295 = arith.constant 0 : i32
    %sign3A_296 = arith.cmpi slt, %squeeze3A_275, %sign3A_295 : i32
    %sign3A_297 = arith.extui %sign3A_296 : i1 to i32
    %sign3A_298 = arith.subi %sign3A_294, %sign3A_297 : i32
    %sign3A_299 = arith.constant 0 : i32
    %sign3A_300 = arith.cmpi sgt, %jit3A_290, %sign3A_299 : i32
    %sign3A_301 = arith.extui %sign3A_300 : i1 to i32
    %sign3A_302 = arith.constant 0 : i32
    %sign3A_303 = arith.cmpi slt, %jit3A_290, %sign3A_302 : i32
    %sign3A_304 = arith.extui %sign3A_303 : i1 to i32
    %sign3A_305 = arith.subi %sign3A_301, %sign3A_304 : i32
    %ne3A_306 = arith.cmpi ne, %sign3A_298, %sign3A_305 : i32
    %rem3A_307 = arith.remsi %squeeze3A_275, %jit3A_290 : i32
    %ne3A_308 = arith.constant 0 : i32
    %ne3A_309 = arith.cmpi ne, %rem3A_307, %ne3A_308 : i32
    %and3A_310 = arith.andi %ne3A_306, %ne3A_309 : i1
    %sub3A_311 = arith.constant 1 : i32
    %sub3A_312 = arith.subi %div3A_291, %sub3A_311 : i32
    %select_n3A_313 = arith.select %and3A_310, %sub3A_312, %div3A_291 : i32
    %mul3A_314 = arith.constant 128 : i32
    %mul3A_315 = arith.muli %select_n3A_313, %mul3A_314 : i32
    %multiple_of3A_316 = tpu.assume_multiple %mul3A_315, 128 : i32
    %dma_start3A_317 = arith.constant 2 : i32
    %dma_start3A_318 = arith.constant 0 : i32
    %dma_start3A_319 = arith.constant 0 : i32
    %dma_start3A_320 = tpu.memref_slice %arg12[%dma_start3A_317, %dma_start3A_318, %dma_start3A_319] : memref<8x32x128xf32, #tpu.memory_space<vmem>> -> memref<1x32x128xf32, #tpu.memory_space<vmem>>
    %dma_start3A_321 = tpu.memref_squeeze %dma_start3A_320 : memref<1x32x128xf32, #tpu.memory_space<vmem>> -> memref<32x128xf32, #tpu.memory_space<vmem>>
    %dma_start3A_322 = arith.constant 0 : i32
    %dma_start3A_323 = tpu.memref_slice %arg5[%dma_start3A_322, %multiple_of3A_316] : memref<32x1000000xf32, #tpu.memory_space<hbm>> -> memref<32x128xf32, #tpu.memory_space<hbm>>
    %dma_start3A_324 = arith.constant 0 : i32
    %dma_start3A_325 = arith.constant 0 : i32
    %dma_start3A_326 = tpu.memref_slice %arg12[%dma_start3A_317, %dma_start3A_324, %dma_start3A_325] : memref<8x32x128xf32, #tpu.memory_space<vmem>> -> memref<1x32x128xf32, #tpu.memory_space<vmem>>
    %dma_start3A_327 = tpu.memref_squeeze %dma_start3A_326 : memref<1x32x128xf32, #tpu.memory_space<vmem>> -> memref<32x128xf32, #tpu.memory_space<vmem>>
    %dma_start3A_328 = arith.constant 0 : i32
    %dma_start3A_329 = tpu.memref_slice %arg5[%dma_start3A_328, %multiple_of3A_316] : memref<32x1000000xf32, #tpu.memory_space<hbm>> -> memref<32x128xf32, #tpu.memory_space<hbm>>
    tpu.enqueue_dma source(%dma_start3A_329 : memref<32x128xf32, #tpu.memory_space<hbm>>) target(%dma_start3A_327 : memref<32x128xf32, #tpu.memory_space<vmem>>) target_semaphore(%arg17 : memref<!tpu.dma_semaphore, #tpu.memory_space<semaphore_mem>>)
    %jit3A_330 = arith.constant 128 : i32
    %div3A_331 = arith.divsi %squeeze3A_282, %jit3A_330 : i32
    %sign3A_332 = arith.constant 0 : i32
    %sign3A_333 = arith.cmpi sgt, %squeeze3A_282, %sign3A_332 : i32
    %sign3A_334 = arith.extui %sign3A_333 : i1 to i32
    %sign3A_335 = arith.constant 0 : i32
    %sign3A_336 = arith.cmpi slt, %squeeze3A_282, %sign3A_335 : i32
    %sign3A_337 = arith.extui %sign3A_336 : i1 to i32
    %sign3A_338 = arith.subi %sign3A_334, %sign3A_337 : i32
    %sign3A_339 = arith.constant 0 : i32
    %sign3A_340 = arith.cmpi sgt, %jit3A_330, %sign3A_339 : i32
    %sign3A_341 = arith.extui %sign3A_340 : i1 to i32
    %sign3A_342 = arith.constant 0 : i32
    %sign3A_343 = arith.cmpi slt, %jit3A_330, %sign3A_342 : i32
    %sign3A_344 = arith.extui %sign3A_343 : i1 to i32
    %sign3A_345 = arith.subi %sign3A_341, %sign3A_344 : i32
    %ne3A_346 = arith.cmpi ne, %sign3A_338, %sign3A_345 : i32
    %rem3A_347 = arith.remsi %squeeze3A_282, %jit3A_330 : i32
    %ne3A_348 = arith.constant 0 : i32
    %ne3A_349 = arith.cmpi ne, %rem3A_347, %ne3A_348 : i32
    %and3A_350 = arith.andi %ne3A_346, %ne3A_349 : i1
    %sub3A_351 = arith.constant 1 : i32
    %sub3A_352 = arith.subi %div3A_331, %sub3A_351 : i32
    %select_n3A_353 = arith.select %and3A_350, %sub3A_352, %div3A_331 : i32
    %mul3A_354 = arith.constant 128 : i32
    %mul3A_355 = arith.muli %select_n3A_353, %mul3A_354 : i32
    %multiple_of3A_356 = tpu.assume_multiple %mul3A_355, 128 : i32
    %dma_start3A_357 = arith.constant 2 : i32
    %dma_start3A_358 = arith.constant 0 : i32
    %dma_start3A_359 = arith.constant 0 : i32
    %dma_start3A_360 = tpu.memref_slice %arg13[%dma_start3A_357, %dma_start3A_358, %dma_start3A_359] : memref<8x32x128xf32, #tpu.memory_space<vmem>> -> memref<1x32x128xf32, #tpu.memory_space<vmem>>
    %dma_start3A_361 = tpu.memref_squeeze %dma_start3A_360 : memref<1x32x128xf32, #tpu.memory_space<vmem>> -> memref<32x128xf32, #tpu.memory_space<vmem>>
    %dma_start3A_362 = arith.constant 0 : i32
    %dma_start3A_363 = tpu.memref_slice %arg6[%dma_start3A_362, %multiple_of3A_356] : memref<32x1000000xf32, #tpu.memory_space<hbm>> -> memref<32x128xf32, #tpu.memory_space<hbm>>
    %dma_start3A_364 = arith.constant 0 : i32
    %dma_start3A_365 = arith.constant 0 : i32
    %dma_start3A_366 = tpu.memref_slice %arg13[%dma_start3A_357, %dma_start3A_364, %dma_start3A_365] : memref<8x32x128xf32, #tpu.memory_space<vmem>> -> memref<1x32x128xf32, #tpu.memory_space<vmem>>
    %dma_start3A_367 = tpu.memref_squeeze %dma_start3A_366 : memref<1x32x128xf32, #tpu.memory_space<vmem>> -> memref<32x128xf32, #tpu.memory_space<vmem>>
    %dma_start3A_368 = arith.constant 0 : i32
    %dma_start3A_369 = tpu.memref_slice %arg6[%dma_start3A_368, %multiple_of3A_356] : memref<32x1000000xf32, #tpu.memory_space<hbm>> -> memref<32x128xf32, #tpu.memory_space<hbm>>
    tpu.enqueue_dma source(%dma_start3A_369 : memref<32x128xf32, #tpu.memory_space<hbm>>) target(%dma_start3A_367 : memref<32x128xf32, #tpu.memory_space<vmem>>) target_semaphore(%arg18 : memref<!tpu.dma_semaphore, #tpu.memory_space<semaphore_mem>>)
    %jit3A_370 = arith.constant 128 : i32
    %div3A_371 = arith.divsi %squeeze3A_289, %jit3A_370 : i32
    %sign3A_372 = arith.constant 0 : i32
    %sign3A_373 = arith.cmpi sgt, %squeeze3A_289, %sign3A_372 : i32
    %sign3A_374 = arith.extui %sign3A_373 : i1 to i32
    %sign3A_375 = arith.constant 0 : i32
    %sign3A_376 = arith.cmpi slt, %squeeze3A_289, %sign3A_375 : i32
    %sign3A_377 = arith.extui %sign3A_376 : i1 to i32
    %sign3A_378 = arith.subi %sign3A_374, %sign3A_377 : i32
    %sign3A_379 = arith.constant 0 : i32
    %sign3A_380 = arith.cmpi sgt, %jit3A_370, %sign3A_379 : i32
    %sign3A_381 = arith.extui %sign3A_380 : i1 to i32
    %sign3A_382 = arith.constant 0 : i32
    %sign3A_383 = arith.cmpi slt, %jit3A_370, %sign3A_382 : i32
    %sign3A_384 = arith.extui %sign3A_383 : i1 to i32
    %sign3A_385 = arith.subi %sign3A_381, %sign3A_384 : i32
    %ne3A_386 = arith.cmpi ne, %sign3A_378, %sign3A_385 : i32
    %rem3A_387 = arith.remsi %squeeze3A_289, %jit3A_370 : i32
    %ne3A_388 = arith.constant 0 : i32
    %ne3A_389 = arith.cmpi ne, %rem3A_387, %ne3A_388 : i32
    %and3A_390 = arith.andi %ne3A_386, %ne3A_389 : i1
    %sub3A_391 = arith.constant 1 : i32
    %sub3A_392 = arith.subi %div3A_371, %sub3A_391 : i32
    %select_n3A_393 = arith.select %and3A_390, %sub3A_392, %div3A_371 : i32
    %mul3A_394 = arith.constant 128 : i32
    %mul3A_395 = arith.muli %select_n3A_393, %mul3A_394 : i32
    %multiple_of3A_396 = tpu.assume_multiple %mul3A_395, 128 : i32
    %dma_start3A_397 = arith.constant 2 : i32
    %dma_start3A_398 = arith.constant 0 : i32
    %dma_start3A_399 = arith.constant 0 : i32
    %dma_start3A_400 = tpu.memref_slice %arg14[%dma_start3A_397, %dma_start3A_398, %dma_start3A_399] : memref<8x32x128xf32, #tpu.memory_space<vmem>> -> memref<1x32x128xf32, #tpu.memory_space<vmem>>
    %dma_start3A_401 = tpu.memref_squeeze %dma_start3A_400 : memref<1x32x128xf32, #tpu.memory_space<vmem>> -> memref<32x128xf32, #tpu.memory_space<vmem>>
    %dma_start3A_402 = arith.constant 0 : i32
    %dma_start3A_403 = tpu.memref_slice %arg6[%dma_start3A_402, %multiple_of3A_396] : memref<32x1000000xf32, #tpu.memory_space<hbm>> -> memref<32x128xf32, #tpu.memory_space<hbm>>
    %dma_start3A_404 = arith.constant 0 : i32
    %dma_start3A_405 = arith.constant 0 : i32
    %dma_start3A_406 = tpu.memref_slice %arg14[%dma_start3A_397, %dma_start3A_404, %dma_start3A_405] : memref<8x32x128xf32, #tpu.memory_space<vmem>> -> memref<1x32x128xf32, #tpu.memory_space<vmem>>
    %dma_start3A_407 = tpu.memref_squeeze %dma_start3A_406 : memref<1x32x128xf32, #tpu.memory_space<vmem>> -> memref<32x128xf32, #tpu.memory_space<vmem>>
    %dma_start3A_408 = arith.constant 0 : i32
    %dma_start3A_409 = tpu.memref_slice %arg6[%dma_start3A_408, %multiple_of3A_396] : memref<32x1000000xf32, #tpu.memory_space<hbm>> -> memref<32x128xf32, #tpu.memory_space<hbm>>
    tpu.enqueue_dma source(%dma_start3A_409 : memref<32x128xf32, #tpu.memory_space<hbm>>) target(%dma_start3A_407 : memref<32x128xf32, #tpu.memory_space<vmem>>) target_semaphore(%arg19 : memref<!tpu.dma_semaphore, #tpu.memory_space<semaphore_mem>>)
    %broadcast_in_dim3A_410 = arith.constant 0 : i32
    %broadcast_in_dim3A_411 = vector.broadcast %broadcast_in_dim3A_410 : i32 to vector<16xi32>
    %broadcast_in_dim3A_412 = arith.constant 3 : i32
    %broadcast_in_dim3A_413 = vector.broadcast %broadcast_in_dim3A_412 : i32 to vector<16xi32>
    %gather3A_414 = tpu.vector_load_idx %arg9[%broadcast_in_dim3A_411, %broadcast_in_dim3A_413] : memref<4x128xi32, #tpu.memory_space<vmem>>[vector<16xi32>, vector<16xi32>], vector<16xi32>,
    %slice3A_415 = vector.extract_strided_slice %gather3A_414 {offsets = [0], sizes = [1], strides = [1]} : vector<16xi32> to vector<1xi32>
    %squeeze3A_416 = vector.extract %slice3A_415[0] : i32 from vector<1xi32>
    %broadcast_in_dim3A_417 = arith.constant 0 : i32
    %broadcast_in_dim3A_418 = vector.broadcast %broadcast_in_dim3A_417 : i32 to vector<16xi32>
    %broadcast_in_dim3A_419 = arith.constant 3 : i32
    %broadcast_in_dim3A_420 = vector.broadcast %broadcast_in_dim3A_419 : i32 to vector<16xi32>
    %gather3A_421 = tpu.vector_load_idx %arg10[%broadcast_in_dim3A_418, %broadcast_in_dim3A_420] : memref<4x128xi32, #tpu.memory_space<vmem>>[vector<16xi32>, vector<16xi32>], vector<16xi32>,
    %slice3A_422 = vector.extract_strided_slice %gather3A_421 {offsets = [0], sizes = [1], strides = [1]} : vector<16xi32> to vector<1xi32>
    %squeeze3A_423 = vector.extract %slice3A_422[0] : i32 from vector<1xi32>
    %broadcast_in_dim3A_424 = arith.constant 0 : i32
    %broadcast_in_dim3A_425 = vector.broadcast %broadcast_in_dim3A_424 : i32 to vector<16xi32>
    %broadcast_in_dim3A_426 = arith.constant 3 : i32
    %broadcast_in_dim3A_427 = vector.broadcast %broadcast_in_dim3A_426 : i32 to vector<16xi32>
    %gather3A_428 = tpu.vector_load_idx %arg11[%broadcast_in_dim3A_425, %broadcast_in_dim3A_427] : memref<4x128xi32, #tpu.memory_space<vmem>>[vector<16xi32>, vector<16xi32>], vector<16xi32>,
    %slice3A_429 = vector.extract_strided_slice %gather3A_428 {offsets = [0], sizes = [1], strides = [1]} : vector<16xi32> to vector<1xi32>
    %squeeze3A_430 = vector.extract %slice3A_429[0] : i32 from vector<1xi32>
    %jit3A_431 = arith.constant 128 : i32
    %div3A_432 = arith.divsi %squeeze3A_416, %jit3A_431 : i32
    %sign3A_433 = arith.constant 0 : i32
    %sign3A_434 = arith.cmpi sgt, %squeeze3A_416, %sign3A_433 : i32
    %sign3A_435 = arith.extui %sign3A_434 : i1 to i32
    %sign3A_436 = arith.constant 0 : i32
    %sign3A_437 = arith.cmpi slt, %squeeze3A_416, %sign3A_436 : i32
    %sign3A_438 = arith.extui %sign3A_437 : i1 to i32
    %sign3A_439 = arith.subi %sign3A_435, %sign3A_438 : i32
    %sign3A_440 = arith.constant 0 : i32
    %sign3A_441 = arith.cmpi sgt, %jit3A_431, %sign3A_440 : i32
    %sign3A_442 = arith.extui %sign3A_441 : i1 to i32
    %sign3A_443 = arith.constant 0 : i32
    %sign3A_444 = arith.cmpi slt, %jit3A_431, %sign3A_443 : i32
    %sign3A_445 = arith.extui %sign3A_444 : i1 to i32
    %sign3A_446 = arith.subi %sign3A_442, %sign3A_445 : i32
    %ne3A_447 = arith.cmpi ne, %sign3A_439, %sign3A_446 : i32
    %rem3A_448 = arith.remsi %squeeze3A_416, %jit3A_431 : i32
    %ne3A_449 = arith.constant 0 : i32
    %ne3A_450 = arith.cmpi ne, %rem3A_448, %ne3A_449 : i32
    %and3A_451 = arith.andi %ne3A_447, %ne3A_450 : i1
    %sub3A_452 = arith.constant 1 : i32
    %sub3A_453 = arith.subi %div3A_432, %sub3A_452 : i32
    %select_n3A_454 = arith.select %and3A_451, %sub3A_453, %div3A_432 : i32
    %mul3A_455 = arith.constant 128 : i32
    %mul3A_456 = arith.muli %select_n3A_454, %mul3A_455 : i32
    %multiple_of3A_457 = tpu.assume_multiple %mul3A_456, 128 : i32
    %dma_start3A_458 = arith.constant 3 : i32
    %dma_start3A_459 = arith.constant 0 : i32
    %dma_start3A_460 = arith.constant 0 : i32
    %dma_start3A_461 = tpu.memref_slice %arg12[%dma_start3A_458, %dma_start3A_459, %dma_start3A_460] : memref<8x32x128xf32, #tpu.memory_space<vmem>> -> memref<1x32x128xf32, #tpu.memory_space<vmem>>
    %dma_start3A_462 = tpu.memref_squeeze %dma_start3A_461 : memref<1x32x128xf32, #tpu.memory_space<vmem>> -> memref<32x128xf32, #tpu.memory_space<vmem>>
    %dma_start3A_463 = arith.constant 0 : i32
    %dma_start3A_464 = tpu.memref_slice %arg5[%dma_start3A_463, %multiple_of3A_457] : memref<32x1000000xf32, #tpu.memory_space<hbm>> -> memref<32x128xf32, #tpu.memory_space<hbm>>
    %dma_start3A_465 = arith.constant 0 : i32
    %dma_start3A_466 = arith.constant 0 : i32
    %dma_start3A_467 = tpu.memref_slice %arg12[%dma_start3A_458, %dma_start3A_465, %dma_start3A_466] : memref<8x32x128xf32, #tpu.memory_space<vmem>> -> memref<1x32x128xf32, #tpu.memory_space<vmem>>
    %dma_start3A_468 = tpu.memref_squeeze %dma_start3A_467 : memref<1x32x128xf32, #tpu.memory_space<vmem>> -> memref<32x128xf32, #tpu.memory_space<vmem>>
    %dma_start3A_469 = arith.constant 0 : i32
    %dma_start3A_470 = tpu.memref_slice %arg5[%dma_start3A_469, %multiple_of3A_457] : memref<32x1000000xf32, #tpu.memory_space<hbm>> -> memref<32x128xf32, #tpu.memory_space<hbm>>
    tpu.enqueue_dma source(%dma_start3A_470 : memref<32x128xf32, #tpu.memory_space<hbm>>) target(%dma_start3A_468 : memref<32x128xf32, #tpu.memory_space<vmem>>) target_semaphore(%arg17 : memref<!tpu.dma_semaphore, #tpu.memory_space<semaphore_mem>>)
    %jit3A_471 = arith.constant 128 : i32
    %div3A_472 = arith.divsi %squeeze3A_423, %jit3A_471 : i32
    %sign3A_473 = arith.constant 0 : i32
    %sign3A_474 = arith.cmpi sgt, %squeeze3A_423, %sign3A_473 : i32
    %sign3A_475 = arith.extui %sign3A_474 : i1 to i32
    %sign3A_476 = arith.constant 0 : i32
    %sign3A_477 = arith.cmpi slt, %squeeze3A_423, %sign3A_476 : i32
    %sign3A_478 = arith.extui %sign3A_477 : i1 to i32
    %sign3A_479 = arith.subi %sign3A_475, %sign3A_478 : i32
    %sign3A_480 = arith.constant 0 : i32
    %sign3A_481 = arith.cmpi sgt, %jit3A_471, %sign3A_480 : i32
    %sign3A_482 = arith.extui %sign3A_481 : i1 to i32
    %sign3A_483 = arith.constant 0 : i32
    %sign3A_484 = arith.cmpi slt, %jit3A_471, %sign3A_483 : i32
    %sign3A_485 = arith.extui %sign3A_484 : i1 to i32
    %sign3A_486 = arith.subi %sign3A_482, %sign3A_485 : i32
    %ne3A_487 = arith.cmpi ne, %sign3A_479, %sign3A_486 : i32
    %rem3A_488 = arith.remsi %squeeze3A_423, %jit3A_471 : i32
    %ne3A_489 = arith.constant 0 : i32
    %ne3A_490 = arith.cmpi ne, %rem3A_488, %ne3A_489 : i32
    %and3A_491 = arith.andi %ne3A_487, %ne3A_490 : i1
    %sub3A_492 = arith.constant 1 : i32
    %sub3A_493 = arith.subi %div3A_472, %sub3A_492 : i32
    %select_n3A_494 = arith.select %and3A_491, %sub3A_493, %div3A_472 : i32
    %mul3A_495 = arith.constant 128 : i32
    %mul3A_496 = arith.muli %select_n3A_494, %mul3A_495 : i32
    %multiple_of3A_497 = tpu.assume_multiple %mul3A_496, 128 : i32
    %dma_start3A_498 = arith.constant 3 : i32
    %dma_start3A_499 = arith.constant 0 : i32
    %dma_start3A_500 = arith.constant 0 : i32
    %dma_start3A_501 = tpu.memref_slice %arg13[%dma_start3A_498, %dma_start3A_499, %dma_start3A_500] : memref<8x32x128xf32, #tpu.memory_space<vmem>> -> memref<1x32x128xf32, #tpu.memory_space<vmem>>
    %dma_start3A_502 = tpu.memref_squeeze %dma_start3A_501 : memref<1x32x128xf32, #tpu.memory_space<vmem>> -> memref<32x128xf32, #tpu.memory_space<vmem>>
    %dma_start3A_503 = arith.constant 0 : i32
    %dma_start3A_504 = tpu.memref_slice %arg6[%dma_start3A_503, %multiple_of3A_497] : memref<32x1000000xf32, #tpu.memory_space<hbm>> -> memref<32x128xf32, #tpu.memory_space<hbm>>
    %dma_start3A_505 = arith.constant 0 : i32
    %dma_start3A_506 = arith.constant 0 : i32
    %dma_start3A_507 = tpu.memref_slice %arg13[%dma_start3A_498, %dma_start3A_505, %dma_start3A_506] : memref<8x32x128xf32, #tpu.memory_space<vmem>> -> memref<1x32x128xf32, #tpu.memory_space<vmem>>
    %dma_start3A_508 = tpu.memref_squeeze %dma_start3A_507 : memref<1x32x128xf32, #tpu.memory_space<vmem>> -> memref<32x128xf32, #tpu.memory_space<vmem>>
    %dma_start3A_509 = arith.constant 0 : i32
    %dma_start3A_510 = tpu.memref_slice %arg6[%dma_start3A_509, %multiple_of3A_497] : memref<32x1000000xf32, #tpu.memory_space<hbm>> -> memref<32x128xf32, #tpu.memory_space<hbm>>
    tpu.enqueue_dma source(%dma_start3A_510 : memref<32x128xf32, #tpu.memory_space<hbm>>) target(%dma_start3A_508 : memref<32x128xf32, #tpu.memory_space<vmem>>) target_semaphore(%arg18 : memref<!tpu.dma_semaphore, #tpu.memory_space<semaphore_mem>>)
    %jit3A_511 = arith.constant 128 : i32
    %div3A_512 = arith.divsi %squeeze3A_430, %jit3A_511 : i32
    %sign3A_513 = arith.constant 0 : i32
    %sign3A_514 = arith.cmpi sgt, %squeeze3A_430, %sign3A_513 : i32
    %sign3A_515 = arith.extui %sign3A_514 : i1 to i32
    %sign3A_516 = arith.constant 0 : i32
    %sign3A_517 = arith.cmpi slt, %squeeze3A_430, %sign3A_516 : i32
    %sign3A_518 = arith.extui %sign3A_517 : i1 to i32
    %sign3A_519 = arith.subi %sign3A_515, %sign3A_518 : i32
    %sign3A_520 = arith.constant 0 : i32
    %sign3A_521 = arith.cmpi sgt, %jit3A_511, %sign3A_520 : i32
    %sign3A_522 = arith.extui %sign3A_521 : i1 to i32
    %sign3A_523 = arith.constant 0 : i32
    %sign3A_524 = arith.cmpi slt, %jit3A_511, %sign3A_523 : i32
    %sign3A_525 = arith.extui %sign3A_524 : i1 to i32
    %sign3A_526 = arith.subi %sign3A_522, %sign3A_525 : i32
    %ne3A_527 = arith.cmpi ne, %sign3A_519, %sign3A_526 : i32
    %rem3A_528 = arith.remsi %squeeze3A_430, %jit3A_511 : i32
    %ne3A_529 = arith.constant 0 : i32
    %ne3A_530 = arith.cmpi ne, %rem3A_528, %ne3A_529 : i32
    %and3A_531 = arith.andi %ne3A_527, %ne3A_530 : i1
    %sub3A_532 = arith.constant 1 : i32
    %sub3A_533 = arith.subi %div3A_512, %sub3A_532 : i32
    %select_n3A_534 = arith.select %and3A_531, %sub3A_533, %div3A_512 : i32
    %mul3A_535 = arith.constant 128 : i32
    %mul3A_536 = arith.muli %select_n3A_534, %mul3A_535 : i32
    %multiple_of3A_537 = tpu.assume_multiple %mul3A_536, 128 : i32
    %dma_start3A_538 = arith.constant 3 : i32
    %dma_start3A_539 = arith.constant 0 : i32
    %dma_start3A_540 = arith.constant 0 : i32
    %dma_start3A_541 = tpu.memref_slice %arg14[%dma_start3A_538, %dma_start3A_539, %dma_start3A_540] : memref<8x32x128xf32, #tpu.memory_space<vmem>> -> memref<1x32x128xf32, #tpu.memory_space<vmem>>
    %dma_start3A_542 = tpu.memref_squeeze %dma_start3A_541 : memref<1x32x128xf32, #tpu.memory_space<vmem>> -> memref<32x128xf32, #tpu.memory_space<vmem>>
    %dma_start3A_543 = arith.constant 0 : i32
    %dma_start3A_544 = tpu.memref_slice %arg6[%dma_start3A_543, %multiple_of3A_537] : memref<32x1000000xf32, #tpu.memory_space<hbm>> -> memref<32x128xf32, #tpu.memory_space<hbm>>
    %dma_start3A_545 = arith.constant 0 : i32
    %dma_start3A_546 = arith.constant 0 : i32
    %dma_start3A_547 = tpu.memref_slice %arg14[%dma_start3A_538, %dma_start3A_545, %dma_start3A_546] : memref<8x32x128xf32, #tpu.memory_space<vmem>> -> memref<1x32x128xf32, #tpu.memory_space<vmem>>
    %dma_start3A_548 = tpu.memref_squeeze %dma_start3A_547 : memref<1x32x128xf32, #tpu.memory_space<vmem>> -> memref<32x128xf32, #tpu.memory_space<vmem>>
    %dma_start3A_549 = arith.constant 0 : i32
    %dma_start3A_550 = tpu.memref_slice %arg6[%dma_start3A_549, %multiple_of3A_537] : memref<32x1000000xf32, #tpu.memory_space<hbm>> -> memref<32x128xf32, #tpu.memory_space<hbm>>
    tpu.enqueue_dma source(%dma_start3A_550 : memref<32x128xf32, #tpu.memory_space<hbm>>) target(%dma_start3A_548 : memref<32x128xf32, #tpu.memory_space<vmem>>) target_semaphore(%arg19 : memref<!tpu.dma_semaphore, #tpu.memory_space<semaphore_mem>>)
    %broadcast_in_dim3A_551 = arith.constant 0 : i32
    %broadcast_in_dim3A_552 = vector.broadcast %broadcast_in_dim3A_551 : i32 to vector<16xi32>
    %broadcast_in_dim3A_553 = arith.constant 4 : i32
    %broadcast_in_dim3A_554 = vector.broadcast %broadcast_in_dim3A_553 : i32 to vector<16xi32>
    %gather3A_555 = tpu.vector_load_idx %arg9[%broadcast_in_dim3A_552, %broadcast_in_dim3A_554] : memref<4x128xi32, #tpu.memory_space<vmem>>[vector<16xi32>, vector<16xi32>], vector<16xi32>,
    %slice3A_556 = vector.extract_strided_slice %gather3A_555 {offsets = [0], sizes = [1], strides = [1]} : vector<16xi32> to vector<1xi32>
    %squeeze3A_557 = vector.extract %slice3A_556[0] : i32 from vector<1xi32>
    %broadcast_in_dim3A_558 = arith.constant 0 : i32
    %broadcast_in_dim3A_559 = vector.broadcast %broadcast_in_dim3A_558 : i32 to vector<16xi32>
    %broadcast_in_dim3A_560 = arith.constant 4 : i32
    %broadcast_in_dim3A_561 = vector.broadcast %broadcast_in_dim3A_560 : i32 to vector<16xi32>
    %gather3A_562 = tpu.vector_load_idx %arg10[%broadcast_in_dim3A_559, %broadcast_in_dim3A_561] : memref<4x128xi32, #tpu.memory_space<vmem>>[vector<16xi32>, vector<16xi32>], vector<16xi32>,
    %slice3A_563 = vector.extract_strided_slice %gather3A_562 {offsets = [0], sizes = [1], strides = [1]} : vector<16xi32> to vector<1xi32>
    %squeeze3A_564 = vector.extract %slice3A_563[0] : i32 from vector<1xi32>
    %broadcast_in_dim3A_565 = arith.constant 0 : i32
    %broadcast_in_dim3A_566 = vector.broadcast %broadcast_in_dim3A_565 : i32 to vector<16xi32>
    %broadcast_in_dim3A_567 = arith.constant 4 : i32
    %broadcast_in_dim3A_568 = vector.broadcast %broadcast_in_dim3A_567 : i32 to vector<16xi32>
    %gather3A_569 = tpu.vector_load_idx %arg11[%broadcast_in_dim3A_566, %broadcast_in_dim3A_568] : memref<4x128xi32, #tpu.memory_space<vmem>>[vector<16xi32>, vector<16xi32>], vector<16xi32>,
    %slice3A_570 = vector.extract_strided_slice %gather3A_569 {offsets = [0], sizes = [1], strides = [1]} : vector<16xi32> to vector<1xi32>
    %squeeze3A_571 = vector.extract %slice3A_570[0] : i32 from vector<1xi32>
    %jit3A_572 = arith.constant 128 : i32
    %div3A_573 = arith.divsi %squeeze3A_557, %jit3A_572 : i32
    %sign3A_574 = arith.constant 0 : i32
    %sign3A_575 = arith.cmpi sgt, %squeeze3A_557, %sign3A_574 : i32
    %sign3A_576 = arith.extui %sign3A_575 : i1 to i32
    %sign3A_577 = arith.constant 0 : i32
    %sign3A_578 = arith.cmpi slt, %squeeze3A_557, %sign3A_577 : i32
    %sign3A_579 = arith.extui %sign3A_578 : i1 to i32
    %sign3A_580 = arith.subi %sign3A_576, %sign3A_579 : i32
    %sign3A_581 = arith.constant 0 : i32
    %sign3A_582 = arith.cmpi sgt, %jit3A_572, %sign3A_581 : i32
    %sign3A_583 = arith.extui %sign3A_582 : i1 to i32
    %sign3A_584 = arith.constant 0 : i32
    %sign3A_585 = arith.cmpi slt, %jit3A_572, %sign3A_584 : i32
    %sign3A_586 = arith.extui %sign3A_585 : i1 to i32
    %sign3A_587 = arith.subi %sign3A_583, %sign3A_586 : i32
    %ne3A_588 = arith.cmpi ne, %sign3A_580, %sign3A_587 : i32
    %rem3A_589 = arith.remsi %squeeze3A_557, %jit3A_572 : i32
    %ne3A_590 = arith.constant 0 : i32
    %ne3A_591 = arith.cmpi ne, %rem3A_589, %ne3A_590 : i32
    %and3A_592 = arith.andi %ne3A_588, %ne3A_591 : i1
    %sub3A_593 = arith.constant 1 : i32
    %sub3A_594 = arith.subi %div3A_573, %sub3A_593 : i32
    %select_n3A_595 = arith.select %and3A_592, %sub3A_594, %div3A_573 : i32
    %mul3A_596 = arith.constant 128 : i32
    %mul3A_597 = arith.muli %select_n3A_595, %mul3A_596 : i32
    %multiple_of3A_598 = tpu.assume_multiple %mul3A_597, 128 : i32
    %dma_start3A_599 = arith.constant 4 : i32
    %dma_start3A_600 = arith.constant 0 : i32
    %dma_start3A_601 = arith.constant 0 : i32
    %dma_start3A_602 = tpu.memref_slice %arg12[%dma_start3A_599, %dma_start3A_600, %dma_start3A_601] : memref<8x32x128xf32, #tpu.memory_space<vmem>> -> memref<1x32x128xf32, #tpu.memory_space<vmem>>
    %dma_start3A_603 = tpu.memref_squeeze %dma_start3A_602 : memref<1x32x128xf32, #tpu.memory_space<vmem>> -> memref<32x128xf32, #tpu.memory_space<vmem>>
    %dma_start3A_604 = arith.constant 0 : i32
    %dma_start3A_605 = tpu.memref_slice %arg5[%dma_start3A_604, %multiple_of3A_598] : memref<32x1000000xf32, #tpu.memory_space<hbm>> -> memref<32x128xf32, #tpu.memory_space<hbm>>
    %dma_start3A_606 = arith.constant 0 : i32
    %dma_start3A_607 = arith.constant 0 : i32
    %dma_start3A_608 = tpu.memref_slice %arg12[%dma_start3A_599, %dma_start3A_606, %dma_start3A_607] : memref<8x32x128xf32, #tpu.memory_space<vmem>> -> memref<1x32x128xf32, #tpu.memory_space<vmem>>
    %dma_start3A_609 = tpu.memref_squeeze %dma_start3A_608 : memref<1x32x128xf32, #tpu.memory_space<vmem>> -> memref<32x128xf32, #tpu.memory_space<vmem>>
    %dma_start3A_610 = arith.constant 0 : i32
    %dma_start3A_611 = tpu.memref_slice %arg5[%dma_start3A_610, %multiple_of3A_598] : memref<32x1000000xf32, #tpu.memory_space<hbm>> -> memref<32x128xf32, #tpu.memory_space<hbm>>
    tpu.enqueue_dma source(%dma_start3A_611 : memref<32x128xf32, #tpu.memory_space<hbm>>) target(%dma_start3A_609 : memref<32x128xf32, #tpu.memory_space<vmem>>) target_semaphore(%arg17 : memref<!tpu.dma_semaphore, #tpu.memory_space<semaphore_mem>>)
    %jit3A_612 = arith.constant 128 : i32
    %div3A_613 = arith.divsi %squeeze3A_564, %jit3A_612 : i32
    %sign3A_614 = arith.constant 0 : i32
    %sign3A_615 = arith.cmpi sgt, %squeeze3A_564, %sign3A_614 : i32
    %sign3A_616 = arith.extui %sign3A_615 : i1 to i32
    %sign3A_617 = arith.constant 0 : i32
    %sign3A_618 = arith.cmpi slt, %squeeze3A_564, %sign3A_617 : i32
    %sign3A_619 = arith.extui %sign3A_618 : i1 to i32
    %sign3A_620 = arith.subi %sign3A_616, %sign3A_619 : i32
    %sign3A_621 = arith.constant 0 : i32
    %sign3A_622 = arith.cmpi sgt, %jit3A_612, %sign3A_621 : i32
    %sign3A_623 = arith.extui %sign3A_622 : i1 to i32
    %sign3A_624 = arith.constant 0 : i32
    %sign3A_625 = arith.cmpi slt, %jit3A_612, %sign3A_624 : i32
    %sign3A_626 = arith.extui %sign3A_625 : i1 to i32
    %sign3A_627 = arith.subi %sign3A_623, %sign3A_626 : i32
    %ne3A_628 = arith.cmpi ne, %sign3A_620, %sign3A_627 : i32
    %rem3A_629 = arith.remsi %squeeze3A_564, %jit3A_612 : i32
    %ne3A_630 = arith.constant 0 : i32
    %ne3A_631 = arith.cmpi ne, %rem3A_629, %ne3A_630 : i32
    %and3A_632 = arith.andi %ne3A_628, %ne3A_631 : i1
    %sub3A_633 = arith.constant 1 : i32
    %sub3A_634 = arith.subi %div3A_613, %sub3A_633 : i32
    %select_n3A_635 = arith.select %and3A_632, %sub3A_634, %div3A_613 : i32
    %mul3A_636 = arith.constant 128 : i32
    %mul3A_637 = arith.muli %select_n3A_635, %mul3A_636 : i32
    %multiple_of3A_638 = tpu.assume_multiple %mul3A_637, 128 : i32
    %dma_start3A_639 = arith.constant 4 : i32
    %dma_start3A_640 = arith.constant 0 : i32
    %dma_start3A_641 = arith.constant 0 : i32
    %dma_start3A_642 = tpu.memref_slice %arg13[%dma_start3A_639, %dma_start3A_640, %dma_start3A_641] : memref<8x32x128xf32, #tpu.memory_space<vmem>> -> memref<1x32x128xf32, #tpu.memory_space<vmem>>
    %dma_start3A_643 = tpu.memref_squeeze %dma_start3A_642 : memref<1x32x128xf32, #tpu.memory_space<vmem>> -> memref<32x128xf32, #tpu.memory_space<vmem>>
    %dma_start3A_644 = arith.constant 0 : i32
    %dma_start3A_645 = tpu.memref_slice %arg6[%dma_start3A_644, %multiple_of3A_638] : memref<32x1000000xf32, #tpu.memory_space<hbm>> -> memref<32x128xf32, #tpu.memory_space<hbm>>
    %dma_start3A_646 = arith.constant 0 : i32
    %dma_start3A_647 = arith.constant 0 : i32
    %dma_start3A_648 = tpu.memref_slice %arg13[%dma_start3A_639, %dma_start3A_646, %dma_start3A_647] : memref<8x32x128xf32, #tpu.memory_space<vmem>> -> memref<1x32x128xf32, #tpu.memory_space<vmem>>
    %dma_start3A_649 = tpu.memref_squeeze %dma_start3A_648 : memref<1x32x128xf32, #tpu.memory_space<vmem>> -> memref<32x128xf32, #tpu.memory_space<vmem>>
    %dma_start3A_650 = arith.constant 0 : i32
    %dma_start3A_651 = tpu.memref_slice %arg6[%dma_start3A_650, %multiple_of3A_638] : memref<32x1000000xf32, #tpu.memory_space<hbm>> -> memref<32x128xf32, #tpu.memory_space<hbm>>
    tpu.enqueue_dma source(%dma_start3A_651 : memref<32x128xf32, #tpu.memory_space<hbm>>) target(%dma_start3A_649 : memref<32x128xf32, #tpu.memory_space<vmem>>) target_semaphore(%arg18 : memref<!tpu.dma_semaphore, #tpu.memory_space<semaphore_mem>>)
    %jit3A_652 = arith.constant 128 : i32
    %div3A_653 = arith.divsi %squeeze3A_571, %jit3A_652 : i32
    %sign3A_654 = arith.constant 0 : i32
    %sign3A_655 = arith.cmpi sgt, %squeeze3A_571, %sign3A_654 : i32
    %sign3A_656 = arith.extui %sign3A_655 : i1 to i32
    %sign3A_657 = arith.constant 0 : i32
    %sign3A_658 = arith.cmpi slt, %squeeze3A_571, %sign3A_657 : i32
    %sign3A_659 = arith.extui %sign3A_658 : i1 to i32
    %sign3A_660 = arith.subi %sign3A_656, %sign3A_659 : i32
    %sign3A_661 = arith.constant 0 : i32
    %sign3A_662 = arith.cmpi sgt, %jit3A_652, %sign3A_661 : i32
    %sign3A_663 = arith.extui %sign3A_662 : i1 to i32
    %sign3A_664 = arith.constant 0 : i32
    %sign3A_665 = arith.cmpi slt, %jit3A_652, %sign3A_664 : i32
    %sign3A_666 = arith.extui %sign3A_665 : i1 to i32
    %sign3A_667 = arith.subi %sign3A_663, %sign3A_666 : i32
    %ne3A_668 = arith.cmpi ne, %sign3A_660, %sign3A_667 : i32
    %rem3A_669 = arith.remsi %squeeze3A_571, %jit3A_652 : i32
    %ne3A_670 = arith.constant 0 : i32
    %ne3A_671 = arith.cmpi ne, %rem3A_669, %ne3A_670 : i32
    %and3A_672 = arith.andi %ne3A_668, %ne3A_671 : i1
    %sub3A_673 = arith.constant 1 : i32
    %sub3A_674 = arith.subi %div3A_653, %sub3A_673 : i32
    %select_n3A_675 = arith.select %and3A_672, %sub3A_674, %div3A_653 : i32
    %mul3A_676 = arith.constant 128 : i32
    %mul3A_677 = arith.muli %select_n3A_675, %mul3A_676 : i32
    %multiple_of3A_678 = tpu.assume_multiple %mul3A_677, 128 : i32
    %dma_start3A_679 = arith.constant 4 : i32
    %dma_start3A_680 = arith.constant 0 : i32
    %dma_start3A_681 = arith.constant 0 : i32
    %dma_start3A_682 = tpu.memref_slice %arg14[%dma_start3A_679, %dma_start3A_680, %dma_start3A_681] : memref<8x32x128xf32, #tpu.memory_space<vmem>> -> memref<1x32x128xf32, #tpu.memory_space<vmem>>
    %dma_start3A_683 = tpu.memref_squeeze %dma_start3A_682 : memref<1x32x128xf32, #tpu.memory_space<vmem>> -> memref<32x128xf32, #tpu.memory_space<vmem>>
    %dma_start3A_684 = arith.constant 0 : i32
    %dma_start3A_685 = tpu.memref_slice %arg6[%dma_start3A_684, %multiple_of3A_678] : memref<32x1000000xf32, #tpu.memory_space<hbm>> -> memref<32x128xf32, #tpu.memory_space<hbm>>
    %dma_start3A_686 = arith.constant 0 : i32
    %dma_start3A_687 = arith.constant 0 : i32
    %dma_start3A_688 = tpu.memref_slice %arg14[%dma_start3A_679, %dma_start3A_686, %dma_start3A_687] : memref<8x32x128xf32, #tpu.memory_space<vmem>> -> memref<1x32x128xf32, #tpu.memory_space<vmem>>
    %dma_start3A_689 = tpu.memref_squeeze %dma_start3A_688 : memref<1x32x128xf32, #tpu.memory_space<vmem>> -> memref<32x128xf32, #tpu.memory_space<vmem>>
    %dma_start3A_690 = arith.constant 0 : i32
    %dma_start3A_691 = tpu.memref_slice %arg6[%dma_start3A_690, %multiple_of3A_678] : memref<32x1000000xf32, #tpu.memory_space<hbm>> -> memref<32x128xf32, #tpu.memory_space<hbm>>
    tpu.enqueue_dma source(%dma_start3A_691 : memref<32x128xf32, #tpu.memory_space<hbm>>) target(%dma_start3A_689 : memref<32x128xf32, #tpu.memory_space<vmem>>) target_semaphore(%arg19 : memref<!tpu.dma_semaphore, #tpu.memory_space<semaphore_mem>>)
    %broadcast_in_dim3A_692 = arith.constant 0 : i32
    %broadcast_in_dim3A_693 = vector.broadcast %broadcast_in_dim3A_692 : i32 to vector<16xi32>
    %broadcast_in_dim3A_694 = arith.constant 5 : i32
    %broadcast_in_dim3A_695 = vector.broadcast %broadcast_in_dim3A_694 : i32 to vector<16xi32>
    %gather3A_696 = tpu.vector_load_idx %arg9[%broadcast_in_dim3A_693, %broadcast_in_dim3A_695] : memref<4x128xi32, #tpu.memory_space<vmem>>[vector<16xi32>, vector<16xi32>], vector<16xi32>,
    %slice3A_697 = vector.extract_strided_slice %gather3A_696 {offsets = [0], sizes = [1], strides = [1]} : vector<16xi32> to vector<1xi32>
    %squeeze3A_698 = vector.extract %slice3A_697[0] : i32 from vector<1xi32>
    %broadcast_in_dim3A_699 = arith.constant 0 : i32
    %broadcast_in_dim3A_700 = vector.broadcast %broadcast_in_dim3A_699 : i32 to vector<16xi32>
    %broadcast_in_dim3A_701 = arith.constant 5 : i32
    %broadcast_in_dim3A_702 = vector.broadcast %broadcast_in_dim3A_701 : i32 to vector<16xi32>
    %gather3A_703 = tpu.vector_load_idx %arg10[%broadcast_in_dim3A_700, %broadcast_in_dim3A_702] : memref<4x128xi32, #tpu.memory_space<vmem>>[vector<16xi32>, vector<16xi32>], vector<16xi32>,
    %slice3A_704 = vector.extract_strided_slice %gather3A_703 {offsets = [0], sizes = [1], strides = [1]} : vector<16xi32> to vector<1xi32>
    %squeeze3A_705 = vector.extract %slice3A_704[0] : i32 from vector<1xi32>
    %broadcast_in_dim3A_706 = arith.constant 0 : i32
    %broadcast_in_dim3A_707 = vector.broadcast %broadcast_in_dim3A_706 : i32 to vector<16xi32>
    %broadcast_in_dim3A_708 = arith.constant 5 : i32
    %broadcast_in_dim3A_709 = vector.broadcast %broadcast_in_dim3A_708 : i32 to vector<16xi32>
    %gather3A_710 = tpu.vector_load_idx %arg11[%broadcast_in_dim3A_707, %broadcast_in_dim3A_709] : memref<4x128xi32, #tpu.memory_space<vmem>>[vector<16xi32>, vector<16xi32>], vector<16xi32>,
    %slice3A_711 = vector.extract_strided_slice %gather3A_710 {offsets = [0], sizes = [1], strides = [1]} : vector<16xi32> to vector<1xi32>
    %squeeze3A_712 = vector.extract %slice3A_711[0] : i32 from vector<1xi32>
    %jit3A_713 = arith.constant 128 : i32
    %div3A_714 = arith.divsi %squeeze3A_698, %jit3A_713 : i32
    %sign3A_715 = arith.constant 0 : i32
    %sign3A_716 = arith.cmpi sgt, %squeeze3A_698, %sign3A_715 : i32
    %sign3A_717 = arith.extui %sign3A_716 : i1 to i32
    %sign3A_718 = arith.constant 0 : i32
    %sign3A_719 = arith.cmpi slt, %squeeze3A_698, %sign3A_718 : i32
    %sign3A_720 = arith.extui %sign3A_719 : i1 to i32
    %sign3A_721 = arith.subi %sign3A_717, %sign3A_720 : i32
    %sign3A_722 = arith.constant 0 : i32
    %sign3A_723 = arith.cmpi sgt, %jit3A_713, %sign3A_722 : i32
    %sign3A_724 = arith.extui %sign3A_723 : i1 to i32
    %sign3A_725 = arith.constant 0 : i32
    %sign3A_726 = arith.cmpi slt, %jit3A_713, %sign3A_725 : i32
    %sign3A_727 = arith.extui %sign3A_726 : i1 to i32
    %sign3A_728 = arith.subi %sign3A_724, %sign3A_727 : i32
    %ne3A_729 = arith.cmpi ne, %sign3A_721, %sign3A_728 : i32
    %rem3A_730 = arith.remsi %squeeze3A_698, %jit3A_713 : i32
    %ne3A_731 = arith.constant 0 : i32
    %ne3A_732 = arith.cmpi ne, %rem3A_730, %ne3A_731 : i32
    %and3A_733 = arith.andi %ne3A_729, %ne3A_732 : i1
    %sub3A_734 = arith.constant 1 : i32
    %sub3A_735 = arith.subi %div3A_714, %sub3A_734 : i32
    %select_n3A_736 = arith.select %and3A_733, %sub3A_735, %div3A_714 : i32
    %mul3A_737 = arith.constant 128 : i32
    %mul3A_738 = arith.muli %select_n3A_736, %mul3A_737 : i32
    %multiple_of3A_739 = tpu.assume_multiple %mul3A_738, 128 : i32
    %dma_start3A_740 = arith.constant 5 : i32
    %dma_start3A_741 = arith.constant 0 : i32
    %dma_start3A_742 = arith.constant 0 : i32
    %dma_start3A_743 = tpu.memref_slice %arg12[%dma_start3A_740, %dma_start3A_741, %dma_start3A_742] : memref<8x32x128xf32, #tpu.memory_space<vmem>> -> memref<1x32x128xf32, #tpu.memory_space<vmem>>
    %dma_start3A_744 = tpu.memref_squeeze %dma_start3A_743 : memref<1x32x128xf32, #tpu.memory_space<vmem>> -> memref<32x128xf32, #tpu.memory_space<vmem>>
    %dma_start3A_745 = arith.constant 0 : i32
    %dma_start3A_746 = tpu.memref_slice %arg5[%dma_start3A_745, %multiple_of3A_739] : memref<32x1000000xf32, #tpu.memory_space<hbm>> -> memref<32x128xf32, #tpu.memory_space<hbm>>
    %dma_start3A_747 = arith.constant 0 : i32
    %dma_start3A_748 = arith.constant 0 : i32
    %dma_start3A_749 = tpu.memref_slice %arg12[%dma_start3A_740, %dma_start3A_747, %dma_start3A_748] : memref<8x32x128xf32, #tpu.memory_space<vmem>> -> memref<1x32x128xf32, #tpu.memory_space<vmem>>
    %dma_start3A_750 = tpu.memref_squeeze %dma_start3A_749 : memref<1x32x128xf32, #tpu.memory_space<vmem>> -> memref<32x128xf32, #tpu.memory_space<vmem>>
    %dma_start3A_751 = arith.constant 0 : i32
    %dma_start3A_752 = tpu.memref_slice %arg5[%dma_start3A_751, %multiple_of3A_739] : memref<32x1000000xf32, #tpu.memory_space<hbm>> -> memref<32x128xf32, #tpu.memory_space<hbm>>
    tpu.enqueue_dma source(%dma_start3A_752 : memref<32x128xf32, #tpu.memory_space<hbm>>) target(%dma_start3A_750 : memref<32x128xf32, #tpu.memory_space<vmem>>) target_semaphore(%arg17 : memref<!tpu.dma_semaphore, #tpu.memory_space<semaphore_mem>>)
    %jit3A_753 = arith.constant 128 : i32
    %div3A_754 = arith.divsi %squeeze3A_705, %jit3A_753 : i32
    %sign3A_755 = arith.constant 0 : i32
    %sign3A_756 = arith.cmpi sgt, %squeeze3A_705, %sign3A_755 : i32
    %sign3A_757 = arith.extui %sign3A_756 : i1 to i32
    %sign3A_758 = arith.constant 0 : i32
    %sign3A_759 = arith.cmpi slt, %squeeze3A_705, %sign3A_758 : i32
    %sign3A_760 = arith.extui %sign3A_759 : i1 to i32
    %sign3A_761 = arith.subi %sign3A_757, %sign3A_760 : i32
    %sign3A_762 = arith.constant 0 : i32
    %sign3A_763 = arith.cmpi sgt, %jit3A_753, %sign3A_762 : i32
    %sign3A_764 = arith.extui %sign3A_763 : i1 to i32
    %sign3A_765 = arith.constant 0 : i32
    %sign3A_766 = arith.cmpi slt, %jit3A_753, %sign3A_765 : i32
    %sign3A_767 = arith.extui %sign3A_766 : i1 to i32
    %sign3A_768 = arith.subi %sign3A_764, %sign3A_767 : i32
    %ne3A_769 = arith.cmpi ne, %sign3A_761, %sign3A_768 : i32
    %rem3A_770 = arith.remsi %squeeze3A_705, %jit3A_753 : i32
    %ne3A_771 = arith.constant 0 : i32
    %ne3A_772 = arith.cmpi ne, %rem3A_770, %ne3A_771 : i32
    %and3A_773 = arith.andi %ne3A_769, %ne3A_772 : i1
    %sub3A_774 = arith.constant 1 : i32
    %sub3A_775 = arith.subi %div3A_754, %sub3A_774 : i32
    %select_n3A_776 = arith.select %and3A_773, %sub3A_775, %div3A_754 : i32
    %mul3A_777 = arith.constant 128 : i32
    %mul3A_778 = arith.muli %select_n3A_776, %mul3A_777 : i32
    %multiple_of3A_779 = tpu.assume_multiple %mul3A_778, 128 : i32
    %dma_start3A_780 = arith.constant 5 : i32
    %dma_start3A_781 = arith.constant 0 : i32
    %dma_start3A_782 = arith.constant 0 : i32
    %dma_start3A_783 = tpu.memref_slice %arg13[%dma_start3A_780, %dma_start3A_781, %dma_start3A_782] : memref<8x32x128xf32, #tpu.memory_space<vmem>> -> memref<1x32x128xf32, #tpu.memory_space<vmem>>
    %dma_start3A_784 = tpu.memref_squeeze %dma_start3A_783 : memref<1x32x128xf32, #tpu.memory_space<vmem>> -> memref<32x128xf32, #tpu.memory_space<vmem>>
    %dma_start3A_785 = arith.constant 0 : i32
    %dma_start3A_786 = tpu.memref_slice %arg6[%dma_start3A_785, %multiple_of3A_779] : memref<32x1000000xf32, #tpu.memory_space<hbm>> -> memref<32x128xf32, #tpu.memory_space<hbm>>
    %dma_start3A_787 = arith.constant 0 : i32
    %dma_start3A_788 = arith.constant 0 : i32
    %dma_start3A_789 = tpu.memref_slice %arg13[%dma_start3A_780, %dma_start3A_787, %dma_start3A_788] : memref<8x32x128xf32, #tpu.memory_space<vmem>> -> memref<1x32x128xf32, #tpu.memory_space<vmem>>
    %dma_start3A_790 = tpu.memref_squeeze %dma_start3A_789 : memref<1x32x128xf32, #tpu.memory_space<vmem>> -> memref<32x128xf32, #tpu.memory_space<vmem>>
    %dma_start3A_791 = arith.constant 0 : i32
    %dma_start3A_792 = tpu.memref_slice %arg6[%dma_start3A_791, %multiple_of3A_779] : memref<32x1000000xf32, #tpu.memory_space<hbm>> -> memref<32x128xf32, #tpu.memory_space<hbm>>
    tpu.enqueue_dma source(%dma_start3A_792 : memref<32x128xf32, #tpu.memory_space<hbm>>) target(%dma_start3A_790 : memref<32x128xf32, #tpu.memory_space<vmem>>) target_semaphore(%arg18 : memref<!tpu.dma_semaphore, #tpu.memory_space<semaphore_mem>>)
    %jit3A_793 = arith.constant 128 : i32
    %div3A_794 = arith.divsi %squeeze3A_712, %jit3A_793 : i32
    %sign3A_795 = arith.constant 0 : i32
    %sign3A_796 = arith.cmpi sgt, %squeeze3A_712, %sign3A_795 : i32
    %sign3A_797 = arith.extui %sign3A_796 : i1 to i32
    %sign3A_798 = arith.constant 0 : i32
    %sign3A_799 = arith.cmpi slt, %squeeze3A_712, %sign3A_798 : i32
    %sign3A_800 = arith.extui %sign3A_799 : i1 to i32
    %sign3A_801 = arith.subi %sign3A_797, %sign3A_800 : i32
    %sign3A_802 = arith.constant 0 : i32
    %sign3A_803 = arith.cmpi sgt, %jit3A_793, %sign3A_802 : i32
    %sign3A_804 = arith.extui %sign3A_803 : i1 to i32
    %sign3A_805 = arith.constant 0 : i32
    %sign3A_806 = arith.cmpi slt, %jit3A_793, %sign3A_805 : i32
    %sign3A_807 = arith.extui %sign3A_806 : i1 to i32
    %sign3A_808 = arith.subi %sign3A_804, %sign3A_807 : i32
    %ne3A_809 = arith.cmpi ne, %sign3A_801, %sign3A_808 : i32
    %rem3A_810 = arith.remsi %squeeze3A_712, %jit3A_793 : i32
    %ne3A_811 = arith.constant 0 : i32
    %ne3A_812 = arith.cmpi ne, %rem3A_810, %ne3A_811 : i32
    %and3A_813 = arith.andi %ne3A_809, %ne3A_812 : i1
    %sub3A_814 = arith.constant 1 : i32
    %sub3A_815 = arith.subi %div3A_794, %sub3A_814 : i32
    %select_n3A_816 = arith.select %and3A_813, %sub3A_815, %div3A_794 : i32
    %mul3A_817 = arith.constant 128 : i32
    %mul3A_818 = arith.muli %select_n3A_816, %mul3A_817 : i32
    %multiple_of3A_819 = tpu.assume_multiple %mul3A_818, 128 : i32
    %dma_start3A_820 = arith.constant 5 : i32
    %dma_start3A_821 = arith.constant 0 : i32
    %dma_start3A_822 = arith.constant 0 : i32
    %dma_start3A_823 = tpu.memref_slice %arg14[%dma_start3A_820, %dma_start3A_821, %dma_start3A_822] : memref<8x32x128xf32, #tpu.memory_space<vmem>> -> memref<1x32x128xf32, #tpu.memory_space<vmem>>
    %dma_start3A_824 = tpu.memref_squeeze %dma_start3A_823 : memref<1x32x128xf32, #tpu.memory_space<vmem>> -> memref<32x128xf32, #tpu.memory_space<vmem>>
    %dma_start3A_825 = arith.constant 0 : i32
    %dma_start3A_826 = tpu.memref_slice %arg6[%dma_start3A_825, %multiple_of3A_819] : memref<32x1000000xf32, #tpu.memory_space<hbm>> -> memref<32x128xf32, #tpu.memory_space<hbm>>
    %dma_start3A_827 = arith.constant 0 : i32
    %dma_start3A_828 = arith.constant 0 : i32
    %dma_start3A_829 = tpu.memref_slice %arg14[%dma_start3A_820, %dma_start3A_827, %dma_start3A_828] : memref<8x32x128xf32, #tpu.memory_space<vmem>> -> memref<1x32x128xf32, #tpu.memory_space<vmem>>
    %dma_start3A_830 = tpu.memref_squeeze %dma_start3A_829 : memref<1x32x128xf32, #tpu.memory_space<vmem>> -> memref<32x128xf32, #tpu.memory_space<vmem>>
    %dma_start3A_831 = arith.constant 0 : i32
    %dma_start3A_832 = tpu.memref_slice %arg6[%dma_start3A_831, %multiple_of3A_819] : memref<32x1000000xf32, #tpu.memory_space<hbm>> -> memref<32x128xf32, #tpu.memory_space<hbm>>
    tpu.enqueue_dma source(%dma_start3A_832 : memref<32x128xf32, #tpu.memory_space<hbm>>) target(%dma_start3A_830 : memref<32x128xf32, #tpu.memory_space<vmem>>) target_semaphore(%arg19 : memref<!tpu.dma_semaphore, #tpu.memory_space<semaphore_mem>>)
    %broadcast_in_dim3A_833 = arith.constant 0 : i32
    %broadcast_in_dim3A_834 = vector.broadcast %broadcast_in_dim3A_833 : i32 to vector<16xi32>
    %broadcast_in_dim3A_835 = arith.constant 6 : i32
    %broadcast_in_dim3A_836 = vector.broadcast %broadcast_in_dim3A_835 : i32 to vector<16xi32>
    %gather3A_837 = tpu.vector_load_idx %arg9[%broadcast_in_dim3A_834, %broadcast_in_dim3A_836] : memref<4x128xi32, #tpu.memory_space<vmem>>[vector<16xi32>, vector<16xi32>], vector<16xi32>,
    %slice3A_838 = vector.extract_strided_slice %gather3A_837 {offsets = [0], sizes = [1], strides = [1]} : vector<16xi32> to vector<1xi32>
    %squeeze3A_839 = vector.extract %slice3A_838[0] : i32 from vector<1xi32>
    %broadcast_in_dim3A_840 = arith.constant 0 : i32
    %broadcast_in_dim3A_841 = vector.broadcast %broadcast_in_dim3A_840 : i32 to vector<16xi32>
    %broadcast_in_dim3A_842 = arith.constant 6 : i32
    %broadcast_in_dim3A_843 = vector.broadcast %broadcast_in_dim3A_842 : i32 to vector<16xi32>
    %gather3A_844 = tpu.vector_load_idx %arg10[%broadcast_in_dim3A_841, %broadcast_in_dim3A_843] : memref<4x128xi32, #tpu.memory_space<vmem>>[vector<16xi32>, vector<16xi32>], vector<16xi32>,
    %slice3A_845 = vector.extract_strided_slice %gather3A_844 {offsets = [0], sizes = [1], strides = [1]} : vector<16xi32> to vector<1xi32>
    %squeeze3A_846 = vector.extract %slice3A_845[0] : i32 from vector<1xi32>
    %broadcast_in_dim3A_847 = arith.constant 0 : i32
    %broadcast_in_dim3A_848 = vector.broadcast %broadcast_in_dim3A_847 : i32 to vector<16xi32>
    %broadcast_in_dim3A_849 = arith.constant 6 : i32
    %broadcast_in_dim3A_850 = vector.broadcast %broadcast_in_dim3A_849 : i32 to vector<16xi32>
    %gather3A_851 = tpu.vector_load_idx %arg11[%broadcast_in_dim3A_848, %broadcast_in_dim3A_850] : memref<4x128xi32, #tpu.memory_space<vmem>>[vector<16xi32>, vector<16xi32>], vector<16xi32>,
    %slice3A_852 = vector.extract_strided_slice %gather3A_851 {offsets = [0], sizes = [1], strides = [1]} : vector<16xi32> to vector<1xi32>
    %squeeze3A_853 = vector.extract %slice3A_852[0] : i32 from vector<1xi32>
    %jit3A_854 = arith.constant 128 : i32
    %div3A_855 = arith.divsi %squeeze3A_839, %jit3A_854 : i32
    %sign3A_856 = arith.constant 0 : i32
    %sign3A_857 = arith.cmpi sgt, %squeeze3A_839, %sign3A_856 : i32
    %sign3A_858 = arith.extui %sign3A_857 : i1 to i32
    %sign3A_859 = arith.constant 0 : i32
    %sign3A_860 = arith.cmpi slt, %squeeze3A_839, %sign3A_859 : i32
    %sign3A_861 = arith.extui %sign3A_860 : i1 to i32
    %sign3A_862 = arith.subi %sign3A_858, %sign3A_861 : i32
    %sign3A_863 = arith.constant 0 : i32
    %sign3A_864 = arith.cmpi sgt, %jit3A_854, %sign3A_863 : i32
    %sign3A_865 = arith.extui %sign3A_864 : i1 to i32
    %sign3A_866 = arith.constant 0 : i32
    %sign3A_867 = arith.cmpi slt, %jit3A_854, %sign3A_866 : i32
    %sign3A_868 = arith.extui %sign3A_867 : i1 to i32
    %sign3A_869 = arith.subi %sign3A_865, %sign3A_868 : i32
    %ne3A_870 = arith.cmpi ne, %sign3A_862, %sign3A_869 : i32
    %rem3A_871 = arith.remsi %squeeze3A_839, %jit3A_854 : i32
    %ne3A_872 = arith.constant 0 : i32
    %ne3A_873 = arith.cmpi ne, %rem3A_871, %ne3A_872 : i32
    %and3A_874 = arith.andi %ne3A_870, %ne3A_873 : i1
    %sub3A_875 = arith.constant 1 : i32
    %sub3A_876 = arith.subi %div3A_855, %sub3A_875 : i32
    %select_n3A_877 = arith.select %and3A_874, %sub3A_876, %div3A_855 : i32
    %mul3A_878 = arith.constant 128 : i32
    %mul3A_879 = arith.muli %select_n3A_877, %mul3A_878 : i32
    %multiple_of3A_880 = tpu.assume_multiple %mul3A_879, 128 : i32
    %dma_start3A_881 = arith.constant 6 : i32
    %dma_start3A_882 = arith.constant 0 : i32
    %dma_start3A_883 = arith.constant 0 : i32
    %dma_start3A_884 = tpu.memref_slice %arg12[%dma_start3A_881, %dma_start3A_882, %dma_start3A_883] : memref<8x32x128xf32, #tpu.memory_space<vmem>> -> memref<1x32x128xf32, #tpu.memory_space<vmem>>
    %dma_start3A_885 = tpu.memref_squeeze %dma_start3A_884 : memref<1x32x128xf32, #tpu.memory_space<vmem>> -> memref<32x128xf32, #tpu.memory_space<vmem>>
    %dma_start3A_886 = arith.constant 0 : i32
    %dma_start3A_887 = tpu.memref_slice %arg5[%dma_start3A_886, %multiple_of3A_880] : memref<32x1000000xf32, #tpu.memory_space<hbm>> -> memref<32x128xf32, #tpu.memory_space<hbm>>
    %dma_start3A_888 = arith.constant 0 : i32
    %dma_start3A_889 = arith.constant 0 : i32
    %dma_start3A_890 = tpu.memref_slice %arg12[%dma_start3A_881, %dma_start3A_888, %dma_start3A_889] : memref<8x32x128xf32, #tpu.memory_space<vmem>> -> memref<1x32x128xf32, #tpu.memory_space<vmem>>
    %dma_start3A_891 = tpu.memref_squeeze %dma_start3A_890 : memref<1x32x128xf32, #tpu.memory_space<vmem>> -> memref<32x128xf32, #tpu.memory_space<vmem>>
    %dma_start3A_892 = arith.constant 0 : i32
    %dma_start3A_893 = tpu.memref_slice %arg5[%dma_start3A_892, %multiple_of3A_880] : memref<32x1000000xf32, #tpu.memory_space<hbm>> -> memref<32x128xf32, #tpu.memory_space<hbm>>
    tpu.enqueue_dma source(%dma_start3A_893 : memref<32x128xf32, #tpu.memory_space<hbm>>) target(%dma_start3A_891 : memref<32x128xf32, #tpu.memory_space<vmem>>) target_semaphore(%arg17 : memref<!tpu.dma_semaphore, #tpu.memory_space<semaphore_mem>>)
    %jit3A_894 = arith.constant 128 : i32
    %div3A_895 = arith.divsi %squeeze3A_846, %jit3A_894 : i32
    %sign3A_896 = arith.constant 0 : i32
    %sign3A_897 = arith.cmpi sgt, %squeeze3A_846, %sign3A_896 : i32
    %sign3A_898 = arith.extui %sign3A_897 : i1 to i32
    %sign3A_899 = arith.constant 0 : i32
    %sign3A_900 = arith.cmpi slt, %squeeze3A_846, %sign3A_899 : i32
    %sign3A_901 = arith.extui %sign3A_900 : i1 to i32
    %sign3A_902 = arith.subi %sign3A_898, %sign3A_901 : i32
    %sign3A_903 = arith.constant 0 : i32
    %sign3A_904 = arith.cmpi sgt, %jit3A_894, %sign3A_903 : i32
    %sign3A_905 = arith.extui %sign3A_904 : i1 to i32
    %sign3A_906 = arith.constant 0 : i32
    %sign3A_907 = arith.cmpi slt, %jit3A_894, %sign3A_906 : i32
    %sign3A_908 = arith.extui %sign3A_907 : i1 to i32
    %sign3A_909 = arith.subi %sign3A_905, %sign3A_908 : i32
    %ne3A_910 = arith.cmpi ne, %sign3A_902, %sign3A_909 : i32
    %rem3A_911 = arith.remsi %squeeze3A_846, %jit3A_894 : i32
    %ne3A_912 = arith.constant 0 : i32
    %ne3A_913 = arith.cmpi ne, %rem3A_911, %ne3A_912 : i32
    %and3A_914 = arith.andi %ne3A_910, %ne3A_913 : i1
    %sub3A_915 = arith.constant 1 : i32
    %sub3A_916 = arith.subi %div3A_895, %sub3A_915 : i32
    %select_n3A_917 = arith.select %and3A_914, %sub3A_916, %div3A_895 : i32
    %mul3A_918 = arith.constant 128 : i32
    %mul3A_919 = arith.muli %select_n3A_917, %mul3A_918 : i32
    %multiple_of3A_920 = tpu.assume_multiple %mul3A_919, 128 : i32
    %dma_start3A_921 = arith.constant 6 : i32
    %dma_start3A_922 = arith.constant 0 : i32
    %dma_start3A_923 = arith.constant 0 : i32
    %dma_start3A_924 = tpu.memref_slice %arg13[%dma_start3A_921, %dma_start3A_922, %dma_start3A_923] : memref<8x32x128xf32, #tpu.memory_space<vmem>> -> memref<1x32x128xf32, #tpu.memory_space<vmem>>
    %dma_start3A_925 = tpu.memref_squeeze %dma_start3A_924 : memref<1x32x128xf32, #tpu.memory_space<vmem>> -> memref<32x128xf32, #tpu.memory_space<vmem>>
    %dma_start3A_926 = arith.constant 0 : i32
    %dma_start3A_927 = tpu.memref_slice %arg6[%dma_start3A_926, %multiple_of3A_920] : memref<32x1000000xf32, #tpu.memory_space<hbm>> -> memref<32x128xf32, #tpu.memory_space<hbm>>
    %dma_start3A_928 = arith.constant 0 : i32
    %dma_start3A_929 = arith.constant 0 : i32
    %dma_start3A_930 = tpu.memref_slice %arg13[%dma_start3A_921, %dma_start3A_928, %dma_start3A_929] : memref<8x32x128xf32, #tpu.memory_space<vmem>> -> memref<1x32x128xf32, #tpu.memory_space<vmem>>
    %dma_start3A_931 = tpu.memref_squeeze %dma_start3A_930 : memref<1x32x128xf32, #tpu.memory_space<vmem>> -> memref<32x128xf32, #tpu.memory_space<vmem>>
    %dma_start3A_932 = arith.constant 0 : i32
    %dma_start3A_933 = tpu.memref_slice %arg6[%dma_start3A_932, %multiple_of3A_920] : memref<32x1000000xf32, #tpu.memory_space<hbm>> -> memref<32x128xf32, #tpu.memory_space<hbm>>
    tpu.enqueue_dma source(%dma_start3A_933 : memref<32x128xf32, #tpu.memory_space<hbm>>) target(%dma_start3A_931 : memref<32x128xf32, #tpu.memory_space<vmem>>) target_semaphore(%arg18 : memref<!tpu.dma_semaphore, #tpu.memory_space<semaphore_mem>>)
    %jit3A_934 = arith.constant 128 : i32
    %div3A_935 = arith.divsi %squeeze3A_853, %jit3A_934 : i32
    %sign3A_936 = arith.constant 0 : i32
    %sign3A_937 = arith.cmpi sgt, %squeeze3A_853, %sign3A_936 : i32
    %sign3A_938 = arith.extui %sign3A_937 : i1 to i32
    %sign3A_939 = arith.constant 0 : i32
    %sign3A_940 = arith.cmpi slt, %squeeze3A_853, %sign3A_939 : i32
    %sign3A_941 = arith.extui %sign3A_940 : i1 to i32
    %sign3A_942 = arith.subi %sign3A_938, %sign3A_941 : i32
    %sign3A_943 = arith.constant 0 : i32
    %sign3A_944 = arith.cmpi sgt, %jit3A_934, %sign3A_943 : i32
    %sign3A_945 = arith.extui %sign3A_944 : i1 to i32
    %sign3A_946 = arith.constant 0 : i32
    %sign3A_947 = arith.cmpi slt, %jit3A_934, %sign3A_946 : i32
    %sign3A_948 = arith.extui %sign3A_947 : i1 to i32
    %sign3A_949 = arith.subi %sign3A_945, %sign3A_948 : i32
    %ne3A_950 = arith.cmpi ne, %sign3A_942, %sign3A_949 : i32
    %rem3A_951 = arith.remsi %squeeze3A_853, %jit3A_934 : i32
    %ne3A_952 = arith.constant 0 : i32
    %ne3A_953 = arith.cmpi ne, %rem3A_951, %ne3A_952 : i32
    %and3A_954 = arith.andi %ne3A_950, %ne3A_953 : i1
    %sub3A_955 = arith.constant 1 : i32
    %sub3A_956 = arith.subi %div3A_935, %sub3A_955 : i32
    %select_n3A_957 = arith.select %and3A_954, %sub3A_956, %div3A_935 : i32
    %mul3A_958 = arith.constant 128 : i32
    %mul3A_959 = arith.muli %select_n3A_957, %mul3A_958 : i32
    %multiple_of3A_960 = tpu.assume_multiple %mul3A_959, 128 : i32
    %dma_start3A_961 = arith.constant 6 : i32
    %dma_start3A_962 = arith.constant 0 : i32
    %dma_start3A_963 = arith.constant 0 : i32
    %dma_start3A_964 = tpu.memref_slice %arg14[%dma_start3A_961, %dma_start3A_962, %dma_start3A_963] : memref<8x32x128xf32, #tpu.memory_space<vmem>> -> memref<1x32x128xf32, #tpu.memory_space<vmem>>
    %dma_start3A_965 = tpu.memref_squeeze %dma_start3A_964 : memref<1x32x128xf32, #tpu.memory_space<vmem>> -> memref<32x128xf32, #tpu.memory_space<vmem>>
    %dma_start3A_966 = arith.constant 0 : i32
    %dma_start3A_967 = tpu.memref_slice %arg6[%dma_start3A_966, %multiple_of3A_960] : memref<32x1000000xf32, #tpu.memory_space<hbm>> -> memref<32x128xf32, #tpu.memory_space<hbm>>
    %dma_start3A_968 = arith.constant 0 : i32
    %dma_start3A_969 = arith.constant 0 : i32
    %dma_start3A_970 = tpu.memref_slice %arg14[%dma_start3A_961, %dma_start3A_968, %dma_start3A_969] : memref<8x32x128xf32, #tpu.memory_space<vmem>> -> memref<1x32x128xf32, #tpu.memory_space<vmem>>
    %dma_start3A_971 = tpu.memref_squeeze %dma_start3A_970 : memref<1x32x128xf32, #tpu.memory_space<vmem>> -> memref<32x128xf32, #tpu.memory_space<vmem>>
    %dma_start3A_972 = arith.constant 0 : i32
    %dma_start3A_973 = tpu.memref_slice %arg6[%dma_start3A_972, %multiple_of3A_960] : memref<32x1000000xf32, #tpu.memory_space<hbm>> -> memref<32x128xf32, #tpu.memory_space<hbm>>
    tpu.enqueue_dma source(%dma_start3A_973 : memref<32x128xf32, #tpu.memory_space<hbm>>) target(%dma_start3A_971 : memref<32x128xf32, #tpu.memory_space<vmem>>) target_semaphore(%arg19 : memref<!tpu.dma_semaphore, #tpu.memory_space<semaphore_mem>>)
    %broadcast_in_dim3A_974 = arith.constant 0 : i32
    %broadcast_in_dim3A_975 = vector.broadcast %broadcast_in_dim3A_974 : i32 to vector<16xi32>
    %broadcast_in_dim3A_976 = arith.constant 7 : i32
    %broadcast_in_dim3A_977 = vector.broadcast %broadcast_in_dim3A_976 : i32 to vector<16xi32>
    %gather3A_978 = tpu.vector_load_idx %arg9[%broadcast_in_dim3A_975, %broadcast_in_dim3A_977] : memref<4x128xi32, #tpu.memory_space<vmem>>[vector<16xi32>, vector<16xi32>], vector<16xi32>,
    %slice3A_979 = vector.extract_strided_slice %gather3A_978 {offsets = [0], sizes = [1], strides = [1]} : vector<16xi32> to vector<1xi32>
    %squeeze3A_980 = vector.extract %slice3A_979[0] : i32 from vector<1xi32>
    %broadcast_in_dim3A_981 = arith.constant 0 : i32
    %broadcast_in_dim3A_982 = vector.broadcast %broadcast_in_dim3A_981 : i32 to vector<16xi32>
    %broadcast_in_dim3A_983 = arith.constant 7 : i32
    %broadcast_in_dim3A_984 = vector.broadcast %broadcast_in_dim3A_983 : i32 to vector<16xi32>
    %gather3A_985 = tpu.vector_load_idx %arg10[%broadcast_in_dim3A_982, %broadcast_in_dim3A_984] : memref<4x128xi32, #tpu.memory_space<vmem>>[vector<16xi32>, vector<16xi32>], vector<16xi32>,
    %slice3A_986 = vector.extract_strided_slice %gather3A_985 {offsets = [0], sizes = [1], strides = [1]} : vector<16xi32> to vector<1xi32>
    %squeeze3A_987 = vector.extract %slice3A_986[0] : i32 from vector<1xi32>
    %broadcast_in_dim3A_988 = arith.constant 0 : i32
    %broadcast_in_dim3A_989 = vector.broadcast %broadcast_in_dim3A_988 : i32 to vector<16xi32>
    %broadcast_in_dim3A_990 = arith.constant 7 : i32
    %broadcast_in_dim3A_991 = vector.broadcast %broadcast_in_dim3A_990 : i32 to vector<16xi32>
    %gather3A_992 = tpu.vector_load_idx %arg11[%broadcast_in_dim3A_989, %broadcast_in_dim3A_991] : memref<4x128xi32, #tpu.memory_space<vmem>>[vector<16xi32>, vector<16xi32>], vector<16xi32>,
    %slice3A_993 = vector.extract_strided_slice %gather3A_992 {offsets = [0], sizes = [1], strides = [1]} : vector<16xi32> to vector<1xi32>
    %squeeze3A_994 = vector.extract %slice3A_993[0] : i32 from vector<1xi32>
    %jit3A_995 = arith.constant 128 : i32
    %div3A_996 = arith.divsi %squeeze3A_980, %jit3A_995 : i32
    %sign3A_997 = arith.constant 0 : i32
    %sign3A_998 = arith.cmpi sgt, %squeeze3A_980, %sign3A_997 : i32
    %sign3A_999 = arith.extui %sign3A_998 : i1 to i32
    %sign3A_1000 = arith.constant 0 : i32
    %sign3A_1001 = arith.cmpi slt, %squeeze3A_980, %sign3A_1000 : i32
    %sign3A_1002 = arith.extui %sign3A_1001 : i1 to i32
    %sign3A_1003 = arith.subi %sign3A_999, %sign3A_1002 : i32
    %sign3A_1004 = arith.constant 0 : i32
    %sign3A_1005 = arith.cmpi sgt, %jit3A_995, %sign3A_1004 : i32
    %sign3A_1006 = arith.extui %sign3A_1005 : i1 to i32
    %sign3A_1007 = arith.constant 0 : i32
    %sign3A_1008 = arith.cmpi slt, %jit3A_995, %sign3A_1007 : i32
    %sign3A_1009 = arith.extui %sign3A_1008 : i1 to i32
    %sign3A_1010 = arith.subi %sign3A_1006, %sign3A_1009 : i32
    %ne3A_1011 = arith.cmpi ne, %sign3A_1003, %sign3A_1010 : i32
    %rem3A_1012 = arith.remsi %squeeze3A_980, %jit3A_995 : i32
    %ne3A_1013 = arith.constant 0 : i32
    %ne3A_1014 = arith.cmpi ne, %rem3A_1012, %ne3A_1013 : i32
    %and3A_1015 = arith.andi %ne3A_1011, %ne3A_1014 : i1
    %sub3A_1016 = arith.constant 1 : i32
    %sub3A_1017 = arith.subi %div3A_996, %sub3A_1016 : i32
    %select_n3A_1018 = arith.select %and3A_1015, %sub3A_1017, %div3A_996 : i32
    %mul3A_1019 = arith.constant 128 : i32
    %mul3A_1020 = arith.muli %select_n3A_1018, %mul3A_1019 : i32
    %multiple_of3A_1021 = tpu.assume_multiple %mul3A_1020, 128 : i32
    %dma_start3A_1022 = arith.constant 7 : i32
    %dma_start3A_1023 = arith.constant 0 : i32
    %dma_start3A_1024 = arith.constant 0 : i32
    %dma_start3A_1025 = tpu.memref_slice %arg12[%dma_start3A_1022, %dma_start3A_1023, %dma_start3A_1024] : memref<8x32x128xf32, #tpu.memory_space<vmem>> -> memref<1x32x128xf32, #tpu.memory_space<vmem>>
    %dma_start3A_1026 = tpu.memref_squeeze %dma_start3A_1025 : memref<1x32x128xf32, #tpu.memory_space<vmem>> -> memref<32x128xf32, #tpu.memory_space<vmem>>
    %dma_start3A_1027 = arith.constant 0 : i32
    %dma_start3A_1028 = tpu.memref_slice %arg5[%dma_start3A_1027, %multiple_of3A_1021] : memref<32x1000000xf32, #tpu.memory_space<hbm>> -> memref<32x128xf32, #tpu.memory_space<hbm>>
    %dma_start3A_1029 = arith.constant 0 : i32
    %dma_start3A_1030 = arith.constant 0 : i32
    %dma_start3A_1031 = tpu.memref_slice %arg12[%dma_start3A_1022, %dma_start3A_1029, %dma_start3A_1030] : memref<8x32x128xf32, #tpu.memory_space<vmem>> -> memref<1x32x128xf32, #tpu.memory_space<vmem>>
    %dma_start3A_1032 = tpu.memref_squeeze %dma_start3A_1031 : memref<1x32x128xf32, #tpu.memory_space<vmem>> -> memref<32x128xf32, #tpu.memory_space<vmem>>
    %dma_start3A_1033 = arith.constant 0 : i32
    %dma_start3A_1034 = tpu.memref_slice %arg5[%dma_start3A_1033, %multiple_of3A_1021] : memref<32x1000000xf32, #tpu.memory_space<hbm>> -> memref<32x128xf32, #tpu.memory_space<hbm>>
    tpu.enqueue_dma source(%dma_start3A_1034 : memref<32x128xf32, #tpu.memory_space<hbm>>) target(%dma_start3A_1032 : memref<32x128xf32, #tpu.memory_space<vmem>>) target_semaphore(%arg17 : memref<!tpu.dma_semaphore, #tpu.memory_space<semaphore_mem>>)
    %jit3A_1035 = arith.constant 128 : i32
    %div3A_1036 = arith.divsi %squeeze3A_987, %jit3A_1035 : i32
    %sign3A_1037 = arith.constant 0 : i32
    %sign3A_1038 = arith.cmpi sgt, %squeeze3A_987, %sign3A_1037 : i32
    %sign3A_1039 = arith.extui %sign3A_1038 : i1 to i32
    %sign3A_1040 = arith.constant 0 : i32
    %sign3A_1041 = arith.cmpi slt, %squeeze3A_987, %sign3A_1040 : i32
    %sign3A_1042 = arith.extui %sign3A_1041 : i1 to i32
    %sign3A_1043 = arith.subi %sign3A_1039, %sign3A_1042 : i32
    %sign3A_1044 = arith.constant 0 : i32
    %sign3A_1045 = arith.cmpi sgt, %jit3A_1035, %sign3A_1044 : i32
    %sign3A_1046 = arith.extui %sign3A_1045 : i1 to i32
    %sign3A_1047 = arith.constant 0 : i32
    %sign3A_1048 = arith.cmpi slt, %jit3A_1035, %sign3A_1047 : i32
    %sign3A_1049 = arith.extui %sign3A_1048 : i1 to i32
    %sign3A_1050 = arith.subi %sign3A_1046, %sign3A_1049 : i32
    %ne3A_1051 = arith.cmpi ne, %sign3A_1043, %sign3A_1050 : i32
    %rem3A_1052 = arith.remsi %squeeze3A_987, %jit3A_1035 : i32
    %ne3A_1053 = arith.constant 0 : i32
    %ne3A_1054 = arith.cmpi ne, %rem3A_1052, %ne3A_1053 : i32
    %and3A_1055 = arith.andi %ne3A_1051, %ne3A_1054 : i1
    %sub3A_1056 = arith.constant 1 : i32
    %sub3A_1057 = arith.subi %div3A_1036, %sub3A_1056 : i32
    %select_n3A_1058 = arith.select %and3A_1055, %sub3A_1057, %div3A_1036 : i32
    %mul3A_1059 = arith.constant 128 : i32
    %mul3A_1060 = arith.muli %select_n3A_1058, %mul3A_1059 : i32
    %multiple_of3A_1061 = tpu.assume_multiple %mul3A_1060, 128 : i32
    %dma_start3A_1062 = arith.constant 7 : i32
    %dma_start3A_1063 = arith.constant 0 : i32
    %dma_start3A_1064 = arith.constant 0 : i32
    %dma_start3A_1065 = tpu.memref_slice %arg13[%dma_start3A_1062, %dma_start3A_1063, %dma_start3A_1064] : memref<8x32x128xf32, #tpu.memory_space<vmem>> -> memref<1x32x128xf32, #tpu.memory_space<vmem>>
    %dma_start3A_1066 = tpu.memref_squeeze %dma_start3A_1065 : memref<1x32x128xf32, #tpu.memory_space<vmem>> -> memref<32x128xf32, #tpu.memory_space<vmem>>
    %dma_start3A_1067 = arith.constant 0 : i32
    %dma_start3A_1068 = tpu.memref_slice %arg6[%dma_start3A_1067, %multiple_of3A_1061] : memref<32x1000000xf32, #tpu.memory_space<hbm>> -> memref<32x128xf32, #tpu.memory_space<hbm>>
    %dma_start3A_1069 = arith.constant 0 : i32
    %dma_start3A_1070 = arith.constant 0 : i32
    %dma_start3A_1071 = tpu.memref_slice %arg13[%dma_start3A_1062, %dma_start3A_1069, %dma_start3A_1070] : memref<8x32x128xf32, #tpu.memory_space<vmem>> -> memref<1x32x128xf32, #tpu.memory_space<vmem>>
    %dma_start3A_1072 = tpu.memref_squeeze %dma_start3A_1071 : memref<1x32x128xf32, #tpu.memory_space<vmem>> -> memref<32x128xf32, #tpu.memory_space<vmem>>
    %dma_start3A_1073 = arith.constant 0 : i32
    %dma_start3A_1074 = tpu.memref_slice %arg6[%dma_start3A_1073, %multiple_of3A_1061] : memref<32x1000000xf32, #tpu.memory_space<hbm>> -> memref<32x128xf32, #tpu.memory_space<hbm>>
    tpu.enqueue_dma source(%dma_start3A_1074 : memref<32x128xf32, #tpu.memory_space<hbm>>) target(%dma_start3A_1072 : memref<32x128xf32, #tpu.memory_space<vmem>>) target_semaphore(%arg18 : memref<!tpu.dma_semaphore, #tpu.memory_space<semaphore_mem>>)
    %jit3A_1075 = arith.constant 128 : i32
    %div3A_1076 = arith.divsi %squeeze3A_994, %jit3A_1075 : i32
    %sign3A_1077 = arith.constant 0 : i32
    %sign3A_1078 = arith.cmpi sgt, %squeeze3A_994, %sign3A_1077 : i32
    %sign3A_1079 = arith.extui %sign3A_1078 : i1 to i32
    %sign3A_1080 = arith.constant 0 : i32
    %sign3A_1081 = arith.cmpi slt, %squeeze3A_994, %sign3A_1080 : i32
    %sign3A_1082 = arith.extui %sign3A_1081 : i1 to i32
    %sign3A_1083 = arith.subi %sign3A_1079, %sign3A_1082 : i32
    %sign3A_1084 = arith.constant 0 : i32
    %sign3A_1085 = arith.cmpi sgt, %jit3A_1075, %sign3A_1084 : i32
    %sign3A_1086 = arith.extui %sign3A_1085 : i1 to i32
    %sign3A_1087 = arith.constant 0 : i32
    %sign3A_1088 = arith.cmpi slt, %jit3A_1075, %sign3A_1087 : i32
    %sign3A_1089 = arith.extui %sign3A_1088 : i1 to i32
    %sign3A_1090 = arith.subi %sign3A_1086, %sign3A_1089 : i32
    %ne3A_1091 = arith.cmpi ne, %sign3A_1083, %sign3A_1090 : i32
    %rem3A_1092 = arith.remsi %squeeze3A_994, %jit3A_1075 : i32
    %ne3A_1093 = arith.constant 0 : i32
    %ne3A_1094 = arith.cmpi ne, %rem3A_1092, %ne3A_1093 : i32
    %and3A_1095 = arith.andi %ne3A_1091, %ne3A_1094 : i1
    %sub3A_1096 = arith.constant 1 : i32
    %sub3A_1097 = arith.subi %div3A_1076, %sub3A_1096 : i32
    %select_n3A_1098 = arith.select %and3A_1095, %sub3A_1097, %div3A_1076 : i32
    %mul3A_1099 = arith.constant 128 : i32
    %mul3A_1100 = arith.muli %select_n3A_1098, %mul3A_1099 : i32
    %multiple_of3A_1101 = tpu.assume_multiple %mul3A_1100, 128 : i32
    %dma_start3A_1102 = arith.constant 7 : i32
    %dma_start3A_1103 = arith.constant 0 : i32
    %dma_start3A_1104 = arith.constant 0 : i32
    %dma_start3A_1105 = tpu.memref_slice %arg14[%dma_start3A_1102, %dma_start3A_1103, %dma_start3A_1104] : memref<8x32x128xf32, #tpu.memory_space<vmem>> -> memref<1x32x128xf32, #tpu.memory_space<vmem>>
    %dma_start3A_1106 = tpu.memref_squeeze %dma_start3A_1105 : memref<1x32x128xf32, #tpu.memory_space<vmem>> -> memref<32x128xf32, #tpu.memory_space<vmem>>
    %dma_start3A_1107 = arith.constant 0 : i32
    %dma_start3A_1108 = tpu.memref_slice %arg6[%dma_start3A_1107, %multiple_of3A_1101] : memref<32x1000000xf32, #tpu.memory_space<hbm>> -> memref<32x128xf32, #tpu.memory_space<hbm>>
    %dma_start3A_1109 = arith.constant 0 : i32
    %dma_start3A_1110 = arith.constant 0 : i32
    %dma_start3A_1111 = tpu.memref_slice %arg14[%dma_start3A_1102, %dma_start3A_1109, %dma_start3A_1110] : memref<8x32x128xf32, #tpu.memory_space<vmem>> -> memref<1x32x128xf32, #tpu.memory_space<vmem>>
    %dma_start3A_1112 = tpu.memref_squeeze %dma_start3A_1111 : memref<1x32x128xf32, #tpu.memory_space<vmem>> -> memref<32x128xf32, #tpu.memory_space<vmem>>
    %dma_start3A_1113 = arith.constant 0 : i32
    %dma_start3A_1114 = tpu.memref_slice %arg6[%dma_start3A_1113, %multiple_of3A_1101] : memref<32x1000000xf32, #tpu.memory_space<hbm>> -> memref<32x128xf32, #tpu.memory_space<hbm>>
    tpu.enqueue_dma source(%dma_start3A_1114 : memref<32x128xf32, #tpu.memory_space<hbm>>) target(%dma_start3A_1112 : memref<32x128xf32, #tpu.memory_space<vmem>>) target_semaphore(%arg19 : memref<!tpu.dma_semaphore, #tpu.memory_space<semaphore_mem>>)
    %broadcast_in_dim3A_1115 = arith.constant 0.000000e+00 : f32
    %broadcast_in_dim3A_1116 = vector.broadcast %broadcast_in_dim3A_1115 : f32 to vector<16xf32>
    %scan3A = arith.constant 0 : i32
    %scan3A_1117 = arith.constant 512 : i32
    %scan3A_1118 = arith.addi %scan3A, %scan3A_1117 : i32
    %scan3A_1119 = arith.constant 1 : i32
    %scan3A_1120:2 = scf.for %scan3A_1122 = %scan3A to %scan3A_1118 step %scan3A_1119 iter_args(%scan3A_1123 = %broadcast_in_dim3A_1116, %scan3A_1124 = %broadcast_in_dim3A_1116) -> (vector<16xf32>, vector<16xf32>)  : i32 {
      %jit3A_1125 = arith.constant 8 : i32
      %eq3A = arith.constant 0 : i32
      %eq3A_1126 = arith.cmpi eq, %jit3A_1125, %eq3A : i32
      %jit3A_1127 = arith.constant 1 : i32
      %select_n3A_1128 = arith.select %eq3A_1126, %jit3A_1127, %jit3A_1125 : i32
      %rem3A_1129 = arith.remsi %scan3A_1122, %select_n3A_1128 : i32
      %ne3A_1130 = arith.constant 0 : i32
      %ne3A_1131 = arith.cmpi ne, %rem3A_1129, %ne3A_1130 : i32
      %lt3A = arith.constant 0 : i32
      %lt3A_1132 = arith.cmpi slt, %rem3A_1129, %lt3A : i32
      %lt3A_1133 = arith.constant 0 : i32
      %lt3A_1134 = arith.cmpi slt, %select_n3A_1128, %lt3A_1133 : i32
      %ne3A_1135 = arith.xori %lt3A_1132, %lt3A_1134 : i1
      %and3A_1136 = arith.andi %ne3A_1135, %ne3A_1131 : i1
      %add3A_1137 = arith.addi %rem3A_1129, %select_n3A_1128 : i32
      %select_n3A_1138 = arith.select %and3A_1136, %add3A_1137, %rem3A_1129 : i32
      %dma_wait3A = arith.constant 0 : i32
      %dma_wait3A_1139 = arith.constant 0 : i32
      %dma_wait3A_1140 = tpu.memref_slice %arg12[%select_n3A_1138, %dma_wait3A, %dma_wait3A_1139] : memref<8x32x128xf32, #tpu.memory_space<vmem>> -> memref<1x32x128xf32, #tpu.memory_space<vmem>>
      %dma_wait3A_1141 = tpu.memref_squeeze %dma_wait3A_1140 : memref<1x32x128xf32, #tpu.memory_space<vmem>> -> memref<32x128xf32, #tpu.memory_space<vmem>>
      %dma_wait3A_1142 = arith.constant 0 : i32
      %dma_wait3A_1143 = arith.constant 0 : i32
      %dma_wait3A_1144 = tpu.memref_slice %arg5[%dma_wait3A_1142, %dma_wait3A_1143] : memref<32x1000000xf32, #tpu.memory_space<hbm>> -> memref<32x128xf32, #tpu.memory_space<hbm>>
      %dma_wait3A_1145 = arith.constant 0 : i32
      %dma_wait3A_1146 = arith.constant 0 : i32
      %dma_wait3A_1147 = tpu.memref_slice %arg12[%select_n3A_1138, %dma_wait3A_1145, %dma_wait3A_1146] : memref<8x32x128xf32, #tpu.memory_space<vmem>> -> memref<1x32x128xf32, #tpu.memory_space<vmem>>
      %dma_wait3A_1148 = tpu.memref_squeeze %dma_wait3A_1147 : memref<1x32x128xf32, #tpu.memory_space<vmem>> -> memref<32x128xf32, #tpu.memory_space<vmem>>
      %dma_wait3A_1149 = arith.constant 0 : i32
      %dma_wait3A_1150 = arith.constant 0 : i32
      %dma_wait3A_1151 = tpu.memref_slice %arg5[%dma_wait3A_1149, %dma_wait3A_1150] : memref<32x1000000xf32, #tpu.memory_space<hbm>> -> memref<32x128xf32, #tpu.memory_space<hbm>>
      tpu.wait_dma2 semaphore(%arg17 : memref<!tpu.dma_semaphore, #tpu.memory_space<semaphore_mem>>) src(%dma_wait3A_1151 : memref<32x128xf32, #tpu.memory_space<hbm>>) dst(%dma_wait3A_1148 : memref<32x128xf32, #tpu.memory_space<vmem>>)
      %dma_wait3A_1152 = arith.constant 0 : i32
      %dma_wait3A_1153 = arith.constant 0 : i32
      %dma_wait3A_1154 = tpu.memref_slice %arg13[%select_n3A_1138, %dma_wait3A_1152, %dma_wait3A_1153] : memref<8x32x128xf32, #tpu.memory_space<vmem>> -> memref<1x32x128xf32, #tpu.memory_space<vmem>>
      %dma_wait3A_1155 = tpu.memref_squeeze %dma_wait3A_1154 : memref<1x32x128xf32, #tpu.memory_space<vmem>> -> memref<32x128xf32, #tpu.memory_space<vmem>>
      %dma_wait3A_1156 = arith.constant 0 : i32
      %dma_wait3A_1157 = arith.constant 0 : i32
      %dma_wait3A_1158 = tpu.memref_slice %arg6[%dma_wait3A_1156, %dma_wait3A_1157] : memref<32x1000000xf32, #tpu.memory_space<hbm>> -> memref<32x128xf32, #tpu.memory_space<hbm>>
      %dma_wait3A_1159 = arith.constant 0 : i32
      %dma_wait3A_1160 = arith.constant 0 : i32
      %dma_wait3A_1161 = tpu.memref_slice %arg13[%select_n3A_1138, %dma_wait3A_1159, %dma_wait3A_1160] : memref<8x32x128xf32, #tpu.memory_space<vmem>> -> memref<1x32x128xf32, #tpu.memory_space<vmem>>
      %dma_wait3A_1162 = tpu.memref_squeeze %dma_wait3A_1161 : memref<1x32x128xf32, #tpu.memory_space<vmem>> -> memref<32x128xf32, #tpu.memory_space<vmem>>
      %dma_wait3A_1163 = arith.constant 0 : i32
      %dma_wait3A_1164 = arith.constant 0 : i32
      %dma_wait3A_1165 = tpu.memref_slice %arg6[%dma_wait3A_1163, %dma_wait3A_1164] : memref<32x1000000xf32, #tpu.memory_space<hbm>> -> memref<32x128xf32, #tpu.memory_space<hbm>>
      tpu.wait_dma2 semaphore(%arg18 : memref<!tpu.dma_semaphore, #tpu.memory_space<semaphore_mem>>) src(%dma_wait3A_1165 : memref<32x128xf32, #tpu.memory_space<hbm>>) dst(%dma_wait3A_1162 : memref<32x128xf32, #tpu.memory_space<vmem>>)
      %dma_wait3A_1166 = arith.constant 0 : i32
      %dma_wait3A_1167 = arith.constant 0 : i32
      %dma_wait3A_1168 = tpu.memref_slice %arg14[%select_n3A_1138, %dma_wait3A_1166, %dma_wait3A_1167] : memref<8x32x128xf32, #tpu.memory_space<vmem>> -> memref<1x32x128xf32, #tpu.memory_space<vmem>>
      %dma_wait3A_1169 = tpu.memref_squeeze %dma_wait3A_1168 : memref<1x32x128xf32, #tpu.memory_space<vmem>> -> memref<32x128xf32, #tpu.memory_space<vmem>>
      %dma_wait3A_1170 = arith.constant 0 : i32
      %dma_wait3A_1171 = arith.constant 0 : i32
      %dma_wait3A_1172 = tpu.memref_slice %arg6[%dma_wait3A_1170, %dma_wait3A_1171] : memref<32x1000000xf32, #tpu.memory_space<hbm>> -> memref<32x128xf32, #tpu.memory_space<hbm>>
      %dma_wait3A_1173 = arith.constant 0 : i32
      %dma_wait3A_1174 = arith.constant 0 : i32
      %dma_wait3A_1175 = tpu.memref_slice %arg14[%select_n3A_1138, %dma_wait3A_1173, %dma_wait3A_1174] : memref<8x32x128xf32, #tpu.memory_space<vmem>> -> memref<1x32x128xf32, #tpu.memory_space<vmem>>
      %dma_wait3A_1176 = tpu.memref_squeeze %dma_wait3A_1175 : memref<1x32x128xf32, #tpu.memory_space<vmem>> -> memref<32x128xf32, #tpu.memory_space<vmem>>
      %dma_wait3A_1177 = arith.constant 0 : i32
      %dma_wait3A_1178 = arith.constant 0 : i32
      %dma_wait3A_1179 = tpu.memref_slice %arg6[%dma_wait3A_1177, %dma_wait3A_1178] : memref<32x1000000xf32, #tpu.memory_space<hbm>> -> memref<32x128xf32, #tpu.memory_space<hbm>>
      tpu.wait_dma2 semaphore(%arg19 : memref<!tpu.dma_semaphore, #tpu.memory_space<semaphore_mem>>) src(%dma_wait3A_1179 : memref<32x128xf32, #tpu.memory_space<hbm>>) dst(%dma_wait3A_1176 : memref<32x128xf32, #tpu.memory_space<vmem>>)
      %jit3A_1180 = arith.constant 128 : i32
      %div3A_1181 = arith.divsi %scan3A_1122, %jit3A_1180 : i32
      %sign3A_1182 = arith.constant 0 : i32
      %sign3A_1183 = arith.cmpi sgt, %scan3A_1122, %sign3A_1182 : i32
      %sign3A_1184 = arith.extui %sign3A_1183 : i1 to i32
      %sign3A_1185 = arith.constant 0 : i32
      %sign3A_1186 = arith.cmpi slt, %scan3A_1122, %sign3A_1185 : i32
      %sign3A_1187 = arith.extui %sign3A_1186 : i1 to i32
      %sign3A_1188 = arith.subi %sign3A_1184, %sign3A_1187 : i32
      %sign3A_1189 = arith.constant 0 : i32
      %sign3A_1190 = arith.cmpi sgt, %jit3A_1180, %sign3A_1189 : i32
      %sign3A_1191 = arith.extui %sign3A_1190 : i1 to i32
      %sign3A_1192 = arith.constant 0 : i32
      %sign3A_1193 = arith.cmpi slt, %jit3A_1180, %sign3A_1192 : i32
      %sign3A_1194 = arith.extui %sign3A_1193 : i1 to i32
      %sign3A_1195 = arith.subi %sign3A_1191, %sign3A_1194 : i32
      %ne3A_1196 = arith.cmpi ne, %sign3A_1188, %sign3A_1195 : i32
      %rem3A_1197 = arith.remsi %scan3A_1122, %jit3A_1180 : i32
      %ne3A_1198 = arith.constant 0 : i32
      %ne3A_1199 = arith.cmpi ne, %rem3A_1197, %ne3A_1198 : i32
      %and3A_1200 = arith.andi %ne3A_1196, %ne3A_1199 : i1
      %sub3A_1201 = arith.constant 1 : i32
      %sub3A_1202 = arith.subi %div3A_1181, %sub3A_1201 : i32
      %select_n3A_1203 = arith.select %and3A_1200, %sub3A_1202, %div3A_1181 : i32
      %broadcast_in_dim3A_1204 = vector.broadcast %select_n3A_1203 : i32 to vector<16xi32>
      %jit3A_1205 = arith.constant 128 : i32
      %eq3A_1206 = arith.constant 0 : i32
      %eq3A_1207 = arith.cmpi eq, %jit3A_1205, %eq3A_1206 : i32
      %jit3A_1208 = arith.constant 1 : i32
      %select_n3A_1209 = arith.select %eq3A_1207, %jit3A_1208, %jit3A_1205 : i32
      %rem3A_1210 = arith.remsi %scan3A_1122, %select_n3A_1209 : i32
      %ne3A_1211 = arith.constant 0 : i32
      %ne3A_1212 = arith.cmpi ne, %rem3A_1210, %ne3A_1211 : i32
      %lt3A_1213 = arith.constant 0 : i32
      %lt3A_1214 = arith.cmpi slt, %rem3A_1210, %lt3A_1213 : i32
      %lt3A_1215 = arith.constant 0 : i32
      %lt3A_1216 = arith.cmpi slt, %select_n3A_1209, %lt3A_1215 : i32
      %ne3A_1217 = arith.xori %lt3A_1214, %lt3A_1216 : i1
      %and3A_1218 = arith.andi %ne3A_1217, %ne3A_1212 : i1
      %add3A_1219 = arith.addi %rem3A_1210, %select_n3A_1209 : i32
      %select_n3A_1220 = arith.select %and3A_1218, %add3A_1219, %rem3A_1210 : i32
      %broadcast_in_dim3A_1221 = vector.broadcast %select_n3A_1220 : i32 to vector<16xi32>
      %gather3A_1222 = tpu.vector_load_idx %arg9[%broadcast_in_dim3A_1204, %broadcast_in_dim3A_1221] : memref<4x128xi32, #tpu.memory_space<vmem>>[vector<16xi32>, vector<16xi32>], vector<16xi32>,
      %slice3A_1223 = vector.extract_strided_slice %gather3A_1222 {offsets = [0], sizes = [1], strides = [1]} : vector<16xi32> to vector<1xi32>
      %squeeze3A_1224 = vector.extract %slice3A_1223[0] : i32 from vector<1xi32>
      %jit3A_1225 = arith.constant 128 : i32
      %div3A_1226 = arith.divsi %scan3A_1122, %jit3A_1225 : i32
      %sign3A_1227 = arith.constant 0 : i32
      %sign3A_1228 = arith.cmpi sgt, %scan3A_1122, %sign3A_1227 : i32
      %sign3A_1229 = arith.extui %sign3A_1228 : i1 to i32
      %sign3A_1230 = arith.constant 0 : i32
      %sign3A_1231 = arith.cmpi slt, %scan3A_1122, %sign3A_1230 : i32
      %sign3A_1232 = arith.extui %sign3A_1231 : i1 to i32
      %sign3A_1233 = arith.subi %sign3A_1229, %sign3A_1232 : i32
      %sign3A_1234 = arith.constant 0 : i32
      %sign3A_1235 = arith.cmpi sgt, %jit3A_1225, %sign3A_1234 : i32
      %sign3A_1236 = arith.extui %sign3A_1235 : i1 to i32
      %sign3A_1237 = arith.constant 0 : i32
      %sign3A_1238 = arith.cmpi slt, %jit3A_1225, %sign3A_1237 : i32
      %sign3A_1239 = arith.extui %sign3A_1238 : i1 to i32
      %sign3A_1240 = arith.subi %sign3A_1236, %sign3A_1239 : i32
      %ne3A_1241 = arith.cmpi ne, %sign3A_1233, %sign3A_1240 : i32
      %rem3A_1242 = arith.remsi %scan3A_1122, %jit3A_1225 : i32
      %ne3A_1243 = arith.constant 0 : i32
      %ne3A_1244 = arith.cmpi ne, %rem3A_1242, %ne3A_1243 : i32
      %and3A_1245 = arith.andi %ne3A_1241, %ne3A_1244 : i1
      %sub3A_1246 = arith.constant 1 : i32
      %sub3A_1247 = arith.subi %div3A_1226, %sub3A_1246 : i32
      %select_n3A_1248 = arith.select %and3A_1245, %sub3A_1247, %div3A_1226 : i32
      %broadcast_in_dim3A_1249 = vector.broadcast %select_n3A_1248 : i32 to vector<16xi32>
      %jit3A_1250 = arith.constant 128 : i32
      %eq3A_1251 = arith.constant 0 : i32
      %eq3A_1252 = arith.cmpi eq, %jit3A_1250, %eq3A_1251 : i32
      %jit3A_1253 = arith.constant 1 : i32
      %select_n3A_1254 = arith.select %eq3A_1252, %jit3A_1253, %jit3A_1250 : i32
      %rem3A_1255 = arith.remsi %scan3A_1122, %select_n3A_1254 : i32
      %ne3A_1256 = arith.constant 0 : i32
      %ne3A_1257 = arith.cmpi ne, %rem3A_1255, %ne3A_1256 : i32
      %lt3A_1258 = arith.constant 0 : i32
      %lt3A_1259 = arith.cmpi slt, %rem3A_1255, %lt3A_1258 : i32
      %lt3A_1260 = arith.constant 0 : i32
      %lt3A_1261 = arith.cmpi slt, %select_n3A_1254, %lt3A_1260 : i32
      %ne3A_1262 = arith.xori %lt3A_1259, %lt3A_1261 : i1
      %and3A_1263 = arith.andi %ne3A_1262, %ne3A_1257 : i1
      %add3A_1264 = arith.addi %rem3A_1255, %select_n3A_1254 : i32
      %select_n3A_1265 = arith.select %and3A_1263, %add3A_1264, %rem3A_1255 : i32
      %broadcast_in_dim3A_1266 = vector.broadcast %select_n3A_1265 : i32 to vector<16xi32>
      %gather3A_1267 = tpu.vector_load_idx %arg10[%broadcast_in_dim3A_1249, %broadcast_in_dim3A_1266] : memref<4x128xi32, #tpu.memory_space<vmem>>[vector<16xi32>, vector<16xi32>], vector<16xi32>,
      %slice3A_1268 = vector.extract_strided_slice %gather3A_1267 {offsets = [0], sizes = [1], strides = [1]} : vector<16xi32> to vector<1xi32>
      %squeeze3A_1269 = vector.extract %slice3A_1268[0] : i32 from vector<1xi32>
      %jit3A_1270 = arith.constant 128 : i32
      %div3A_1271 = arith.divsi %scan3A_1122, %jit3A_1270 : i32
      %sign3A_1272 = arith.constant 0 : i32
      %sign3A_1273 = arith.cmpi sgt, %scan3A_1122, %sign3A_1272 : i32
      %sign3A_1274 = arith.extui %sign3A_1273 : i1 to i32
      %sign3A_1275 = arith.constant 0 : i32
      %sign3A_1276 = arith.cmpi slt, %scan3A_1122, %sign3A_1275 : i32
      %sign3A_1277 = arith.extui %sign3A_1276 : i1 to i32
      %sign3A_1278 = arith.subi %sign3A_1274, %sign3A_1277 : i32
      %sign3A_1279 = arith.constant 0 : i32
      %sign3A_1280 = arith.cmpi sgt, %jit3A_1270, %sign3A_1279 : i32
      %sign3A_1281 = arith.extui %sign3A_1280 : i1 to i32
      %sign3A_1282 = arith.constant 0 : i32
      %sign3A_1283 = arith.cmpi slt, %jit3A_1270, %sign3A_1282 : i32
      %sign3A_1284 = arith.extui %sign3A_1283 : i1 to i32
      %sign3A_1285 = arith.subi %sign3A_1281, %sign3A_1284 : i32
      %ne3A_1286 = arith.cmpi ne, %sign3A_1278, %sign3A_1285 : i32
      %rem3A_1287 = arith.remsi %scan3A_1122, %jit3A_1270 : i32
      %ne3A_1288 = arith.constant 0 : i32
      %ne3A_1289 = arith.cmpi ne, %rem3A_1287, %ne3A_1288 : i32
      %and3A_1290 = arith.andi %ne3A_1286, %ne3A_1289 : i1
      %sub3A_1291 = arith.constant 1 : i32
      %sub3A_1292 = arith.subi %div3A_1271, %sub3A_1291 : i32
      %select_n3A_1293 = arith.select %and3A_1290, %sub3A_1292, %div3A_1271 : i32
      %broadcast_in_dim3A_1294 = vector.broadcast %select_n3A_1293 : i32 to vector<16xi32>
      %jit3A_1295 = arith.constant 128 : i32
      %eq3A_1296 = arith.constant 0 : i32
      %eq3A_1297 = arith.cmpi eq, %jit3A_1295, %eq3A_1296 : i32
      %jit3A_1298 = arith.constant 1 : i32
      %select_n3A_1299 = arith.select %eq3A_1297, %jit3A_1298, %jit3A_1295 : i32
      %rem3A_1300 = arith.remsi %scan3A_1122, %select_n3A_1299 : i32
      %ne3A_1301 = arith.constant 0 : i32
      %ne3A_1302 = arith.cmpi ne, %rem3A_1300, %ne3A_1301 : i32
      %lt3A_1303 = arith.constant 0 : i32
      %lt3A_1304 = arith.cmpi slt, %rem3A_1300, %lt3A_1303 : i32
      %lt3A_1305 = arith.constant 0 : i32
      %lt3A_1306 = arith.cmpi slt, %select_n3A_1299, %lt3A_1305 : i32
      %ne3A_1307 = arith.xori %lt3A_1304, %lt3A_1306 : i1
      %and3A_1308 = arith.andi %ne3A_1307, %ne3A_1302 : i1
      %add3A_1309 = arith.addi %rem3A_1300, %select_n3A_1299 : i32
      %select_n3A_1310 = arith.select %and3A_1308, %add3A_1309, %rem3A_1300 : i32
      %broadcast_in_dim3A_1311 = vector.broadcast %select_n3A_1310 : i32 to vector<16xi32>
      %gather3A_1312 = tpu.vector_load_idx %arg11[%broadcast_in_dim3A_1294, %broadcast_in_dim3A_1311] : memref<4x128xi32, #tpu.memory_space<vmem>>[vector<16xi32>, vector<16xi32>], vector<16xi32>,
      %slice3A_1313 = vector.extract_strided_slice %gather3A_1312 {offsets = [0], sizes = [1], strides = [1]} : vector<16xi32> to vector<1xi32>
      %squeeze3A_1314 = vector.extract %slice3A_1313[0] : i32 from vector<1xi32>
      %jit3A_1315 = arith.constant 128 : i32
      %eq3A_1316 = arith.constant 0 : i32
      %eq3A_1317 = arith.cmpi eq, %jit3A_1315, %eq3A_1316 : i32
      %jit3A_1318 = arith.constant 1 : i32
      %select_n3A_1319 = arith.select %eq3A_1317, %jit3A_1318, %jit3A_1315 : i32
      %rem3A_1320 = arith.remsi %squeeze3A_1224, %select_n3A_1319 : i32
      %ne3A_1321 = arith.constant 0 : i32
      %ne3A_1322 = arith.cmpi ne, %rem3A_1320, %ne3A_1321 : i32
      %lt3A_1323 = arith.constant 0 : i32
      %lt3A_1324 = arith.cmpi slt, %rem3A_1320, %lt3A_1323 : i32
      %lt3A_1325 = arith.constant 0 : i32
      %lt3A_1326 = arith.cmpi slt, %select_n3A_1319, %lt3A_1325 : i32
      %ne3A_1327 = arith.xori %lt3A_1324, %lt3A_1326 : i1
      %and3A_1328 = arith.andi %ne3A_1327, %ne3A_1322 : i1
      %add3A_1329 = arith.addi %rem3A_1320, %select_n3A_1319 : i32
      %select_n3A_1330 = arith.select %and3A_1328, %add3A_1329, %rem3A_1320 : i32
      %broadcast_in_dim3A_1331 = vector.broadcast %select_n3A_1138 : i32 to vector<16xi32>
      %iota3A = tpu.iota {dimensions = array<i32: 0>} : vector<16xi32>
      %broadcast_in_dim3A_1332 = vector.broadcast %select_n3A_1330 : i32 to vector<16xi32>
      %gather3A_1333 = tpu.vector_load_idx %arg12[%broadcast_in_dim3A_1331, %iota3A, %broadcast_in_dim3A_1332] : memref<8x32x128xf32, #tpu.memory_space<vmem>>[vector<16xi32>, vector<16xi32>, vector<16xi32>], vector<16xf32>,
      %broadcast_in_dim3A_1334 = vector.broadcast %select_n3A_1138 : i32 to vector<16xi32>
      %iota3A_1335 = tpu.iota {dimensions = array<i32: 0>} : vector<16xi32>
      %add3A_1336 = arith.constant 16 : i32
      %add3A_1337 = vector.broadcast %add3A_1336 : i32 to vector<16xi32>
      %add3A_1338 = arith.addi %add3A_1337, %iota3A_1335 : vector<16xi32>
      %broadcast_in_dim3A_1339 = vector.broadcast %select_n3A_1330 : i32 to vector<16xi32>
      %gather3A_1340 = tpu.vector_load_idx %arg12[%broadcast_in_dim3A_1334, %add3A_1338, %broadcast_in_dim3A_1339] : memref<8x32x128xf32, #tpu.memory_space<vmem>>[vector<16xi32>, vector<16xi32>, vector<16xi32>], vector<16xf32>,
      %jit3A_1341 = arith.constant 128 : i32
      %eq3A_1342 = arith.constant 0 : i32
      %eq3A_1343 = arith.cmpi eq, %jit3A_1341, %eq3A_1342 : i32
      %jit3A_1344 = arith.constant 1 : i32
      %select_n3A_1345 = arith.select %eq3A_1343, %jit3A_1344, %jit3A_1341 : i32
      %rem3A_1346 = arith.remsi %squeeze3A_1269, %select_n3A_1345 : i32
      %ne3A_1347 = arith.constant 0 : i32
      %ne3A_1348 = arith.cmpi ne, %rem3A_1346, %ne3A_1347 : i32
      %lt3A_1349 = arith.constant 0 : i32
      %lt3A_1350 = arith.cmpi slt, %rem3A_1346, %lt3A_1349 : i32
      %lt3A_1351 = arith.constant 0 : i32
      %lt3A_1352 = arith.cmpi slt, %select_n3A_1345, %lt3A_1351 : i32
      %ne3A_1353 = arith.xori %lt3A_1350, %lt3A_1352 : i1
      %and3A_1354 = arith.andi %ne3A_1353, %ne3A_1348 : i1
      %add3A_1355 = arith.addi %rem3A_1346, %select_n3A_1345 : i32
      %select_n3A_1356 = arith.select %and3A_1354, %add3A_1355, %rem3A_1346 : i32
      %broadcast_in_dim3A_1357 = vector.broadcast %select_n3A_1138 : i32 to vector<16xi32>
      %iota3A_1358 = tpu.iota {dimensions = array<i32: 0>} : vector<16xi32>
      %broadcast_in_dim3A_1359 = vector.broadcast %select_n3A_1356 : i32 to vector<16xi32>
      %gather3A_1360 = tpu.vector_load_idx %arg13[%broadcast_in_dim3A_1357, %iota3A_1358, %broadcast_in_dim3A_1359] : memref<8x32x128xf32, #tpu.memory_space<vmem>>[vector<16xi32>, vector<16xi32>, vector<16xi32>], vector<16xf32>,
      %broadcast_in_dim3A_1361 = vector.broadcast %select_n3A_1138 : i32 to vector<16xi32>
      %iota3A_1362 = tpu.iota {dimensions = array<i32: 0>} : vector<16xi32>
      %add3A_1363 = arith.constant 16 : i32
      %add3A_1364 = vector.broadcast %add3A_1363 : i32 to vector<16xi32>
      %add3A_1365 = arith.addi %add3A_1364, %iota3A_1362 : vector<16xi32>
      %broadcast_in_dim3A_1366 = vector.broadcast %select_n3A_1356 : i32 to vector<16xi32>
      %gather3A_1367 = tpu.vector_load_idx %arg13[%broadcast_in_dim3A_1361, %add3A_1365, %broadcast_in_dim3A_1366] : memref<8x32x128xf32, #tpu.memory_space<vmem>>[vector<16xi32>, vector<16xi32>, vector<16xi32>], vector<16xf32>,
      %jit3A_1368 = arith.constant 128 : i32
      %eq3A_1369 = arith.constant 0 : i32
      %eq3A_1370 = arith.cmpi eq, %jit3A_1368, %eq3A_1369 : i32
      %jit3A_1371 = arith.constant 1 : i32
      %select_n3A_1372 = arith.select %eq3A_1370, %jit3A_1371, %jit3A_1368 : i32
      %rem3A_1373 = arith.remsi %squeeze3A_1314, %select_n3A_1372 : i32
      %ne3A_1374 = arith.constant 0 : i32
      %ne3A_1375 = arith.cmpi ne, %rem3A_1373, %ne3A_1374 : i32
      %lt3A_1376 = arith.constant 0 : i32
      %lt3A_1377 = arith.cmpi slt, %rem3A_1373, %lt3A_1376 : i32
      %lt3A_1378 = arith.constant 0 : i32
      %lt3A_1379 = arith.cmpi slt, %select_n3A_1372, %lt3A_1378 : i32
      %ne3A_1380 = arith.xori %lt3A_1377, %lt3A_1379 : i1
      %and3A_1381 = arith.andi %ne3A_1380, %ne3A_1375 : i1
      %add3A_1382 = arith.addi %rem3A_1373, %select_n3A_1372 : i32
      %select_n3A_1383 = arith.select %and3A_1381, %add3A_1382, %rem3A_1373 : i32
      %broadcast_in_dim3A_1384 = vector.broadcast %select_n3A_1138 : i32 to vector<16xi32>
      %iota3A_1385 = tpu.iota {dimensions = array<i32: 0>} : vector<16xi32>
      %broadcast_in_dim3A_1386 = vector.broadcast %select_n3A_1383 : i32 to vector<16xi32>
      %gather3A_1387 = tpu.vector_load_idx %arg14[%broadcast_in_dim3A_1384, %iota3A_1385, %broadcast_in_dim3A_1386] : memref<8x32x128xf32, #tpu.memory_space<vmem>>[vector<16xi32>, vector<16xi32>, vector<16xi32>], vector<16xf32>,
      %broadcast_in_dim3A_1388 = vector.broadcast %select_n3A_1138 : i32 to vector<16xi32>
      %iota3A_1389 = tpu.iota {dimensions = array<i32: 0>} : vector<16xi32>
      %add3A_1390 = arith.constant 16 : i32
      %add3A_1391 = vector.broadcast %add3A_1390 : i32 to vector<16xi32>
      %add3A_1392 = arith.addi %add3A_1391, %iota3A_1389 : vector<16xi32>
      %broadcast_in_dim3A_1393 = vector.broadcast %select_n3A_1383 : i32 to vector<16xi32>
      %gather3A_1394 = tpu.vector_load_idx %arg14[%broadcast_in_dim3A_1388, %add3A_1392, %broadcast_in_dim3A_1393] : memref<8x32x128xf32, #tpu.memory_space<vmem>>[vector<16xi32>, vector<16xi32>, vector<16xi32>], vector<16xf32>,
      %add3A_1395 = arith.constant 8 : i32
      %add3A_1396 = arith.addi %scan3A_1122, %add3A_1395 : i32
      %lt3A_1397 = arith.constant 512 : i32
      %lt3A_1398 = arith.cmpi slt, %add3A_1396, %lt3A_1397 : i32
      %convert_element_type3A = arith.extui %lt3A_1398 : i1 to i32
      %cond3A = arith.constant 0 : i32
      %cond3A_1399 = arith.cmpi ne, %convert_element_type3A, %cond3A : i32
      scf.if %cond3A_1399 {
        %add3A_1457 = arith.constant 8 : i32
        %add3A_1458 = arith.addi %scan3A_1122, %add3A_1457 : i32
        %jit3A_1459 = arith.constant 128 : i32
        %div3A_1460 = arith.divsi %add3A_1458, %jit3A_1459 : i32
        %sign3A_1461 = arith.constant 0 : i32
        %sign3A_1462 = arith.cmpi sgt, %add3A_1458, %sign3A_1461 : i32
        %sign3A_1463 = arith.extui %sign3A_1462 : i1 to i32
        %sign3A_1464 = arith.constant 0 : i32
        %sign3A_1465 = arith.cmpi slt, %add3A_1458, %sign3A_1464 : i32
        %sign3A_1466 = arith.extui %sign3A_1465 : i1 to i32
        %sign3A_1467 = arith.subi %sign3A_1463, %sign3A_1466 : i32
        %sign3A_1468 = arith.constant 0 : i32
        %sign3A_1469 = arith.cmpi sgt, %jit3A_1459, %sign3A_1468 : i32
        %sign3A_1470 = arith.extui %sign3A_1469 : i1 to i32
        %sign3A_1471 = arith.constant 0 : i32
        %sign3A_1472 = arith.cmpi slt, %jit3A_1459, %sign3A_1471 : i32
        %sign3A_1473 = arith.extui %sign3A_1472 : i1 to i32
        %sign3A_1474 = arith.subi %sign3A_1470, %sign3A_1473 : i32
        %ne3A_1475 = arith.cmpi ne, %sign3A_1467, %sign3A_1474 : i32
        %rem3A_1476 = arith.remsi %add3A_1458, %jit3A_1459 : i32
        %ne3A_1477 = arith.constant 0 : i32
        %ne3A_1478 = arith.cmpi ne, %rem3A_1476, %ne3A_1477 : i32
        %and3A_1479 = arith.andi %ne3A_1475, %ne3A_1478 : i1
        %sub3A_1480 = arith.constant 1 : i32
        %sub3A_1481 = arith.subi %div3A_1460, %sub3A_1480 : i32
        %select_n3A_1482 = arith.select %and3A_1479, %sub3A_1481, %div3A_1460 : i32
        %broadcast_in_dim3A_1483 = vector.broadcast %select_n3A_1482 : i32 to vector<16xi32>
        %jit3A_1484 = arith.constant 128 : i32
        %eq3A_1485 = arith.constant 0 : i32
        %eq3A_1486 = arith.cmpi eq, %jit3A_1484, %eq3A_1485 : i32
        %jit3A_1487 = arith.constant 1 : i32
        %select_n3A_1488 = arith.select %eq3A_1486, %jit3A_1487, %jit3A_1484 : i32
        %rem3A_1489 = arith.remsi %add3A_1458, %select_n3A_1488 : i32
        %ne3A_1490 = arith.constant 0 : i32
        %ne3A_1491 = arith.cmpi ne, %rem3A_1489, %ne3A_1490 : i32
        %lt3A_1492 = arith.constant 0 : i32
        %lt3A_1493 = arith.cmpi slt, %rem3A_1489, %lt3A_1492 : i32
        %lt3A_1494 = arith.constant 0 : i32
        %lt3A_1495 = arith.cmpi slt, %select_n3A_1488, %lt3A_1494 : i32
        %ne3A_1496 = arith.xori %lt3A_1493, %lt3A_1495 : i1
        %and3A_1497 = arith.andi %ne3A_1496, %ne3A_1491 : i1
        %add3A_1498 = arith.addi %rem3A_1489, %select_n3A_1488 : i32
        %select_n3A_1499 = arith.select %and3A_1497, %add3A_1498, %rem3A_1489 : i32
        %broadcast_in_dim3A_1500 = vector.broadcast %select_n3A_1499 : i32 to vector<16xi32>
        %gather3A_1501 = tpu.vector_load_idx %arg9[%broadcast_in_dim3A_1483, %broadcast_in_dim3A_1500] : memref<4x128xi32, #tpu.memory_space<vmem>>[vector<16xi32>, vector<16xi32>], vector<16xi32>,
        %slice3A_1502 = vector.extract_strided_slice %gather3A_1501 {offsets = [0], sizes = [1], strides = [1]} : vector<16xi32> to vector<1xi32>
        %squeeze3A_1503 = vector.extract %slice3A_1502[0] : i32 from vector<1xi32>
        %jit3A_1504 = arith.constant 128 : i32
        %div3A_1505 = arith.divsi %add3A_1458, %jit3A_1504 : i32
        %sign3A_1506 = arith.constant 0 : i32
        %sign3A_1507 = arith.cmpi sgt, %add3A_1458, %sign3A_1506 : i32
        %sign3A_1508 = arith.extui %sign3A_1507 : i1 to i32
        %sign3A_1509 = arith.constant 0 : i32
        %sign3A_1510 = arith.cmpi slt, %add3A_1458, %sign3A_1509 : i32
        %sign3A_1511 = arith.extui %sign3A_1510 : i1 to i32
        %sign3A_1512 = arith.subi %sign3A_1508, %sign3A_1511 : i32
        %sign3A_1513 = arith.constant 0 : i32
        %sign3A_1514 = arith.cmpi sgt, %jit3A_1504, %sign3A_1513 : i32
        %sign3A_1515 = arith.extui %sign3A_1514 : i1 to i32
        %sign3A_1516 = arith.constant 0 : i32
        %sign3A_1517 = arith.cmpi slt, %jit3A_1504, %sign3A_1516 : i32
        %sign3A_1518 = arith.extui %sign3A_1517 : i1 to i32
        %sign3A_1519 = arith.subi %sign3A_1515, %sign3A_1518 : i32
        %ne3A_1520 = arith.cmpi ne, %sign3A_1512, %sign3A_1519 : i32
        %rem3A_1521 = arith.remsi %add3A_1458, %jit3A_1504 : i32
        %ne3A_1522 = arith.constant 0 : i32
        %ne3A_1523 = arith.cmpi ne, %rem3A_1521, %ne3A_1522 : i32
        %and3A_1524 = arith.andi %ne3A_1520, %ne3A_1523 : i1
        %sub3A_1525 = arith.constant 1 : i32
        %sub3A_1526 = arith.subi %div3A_1505, %sub3A_1525 : i32
        %select_n3A_1527 = arith.select %and3A_1524, %sub3A_1526, %div3A_1505 : i32
        %broadcast_in_dim3A_1528 = vector.broadcast %select_n3A_1527 : i32 to vector<16xi32>
        %jit3A_1529 = arith.constant 128 : i32
        %eq3A_1530 = arith.constant 0 : i32
        %eq3A_1531 = arith.cmpi eq, %jit3A_1529, %eq3A_1530 : i32
        %jit3A_1532 = arith.constant 1 : i32
        %select_n3A_1533 = arith.select %eq3A_1531, %jit3A_1532, %jit3A_1529 : i32
        %rem3A_1534 = arith.remsi %add3A_1458, %select_n3A_1533 : i32
        %ne3A_1535 = arith.constant 0 : i32
        %ne3A_1536 = arith.cmpi ne, %rem3A_1534, %ne3A_1535 : i32
        %lt3A_1537 = arith.constant 0 : i32
        %lt3A_1538 = arith.cmpi slt, %rem3A_1534, %lt3A_1537 : i32
        %lt3A_1539 = arith.constant 0 : i32
        %lt3A_1540 = arith.cmpi slt, %select_n3A_1533, %lt3A_1539 : i32
        %ne3A_1541 = arith.xori %lt3A_1538, %lt3A_1540 : i1
        %and3A_1542 = arith.andi %ne3A_1541, %ne3A_1536 : i1
        %add3A_1543 = arith.addi %rem3A_1534, %select_n3A_1533 : i32
        %select_n3A_1544 = arith.select %and3A_1542, %add3A_1543, %rem3A_1534 : i32
        %broadcast_in_dim3A_1545 = vector.broadcast %select_n3A_1544 : i32 to vector<16xi32>
        %gather3A_1546 = tpu.vector_load_idx %arg10[%broadcast_in_dim3A_1528, %broadcast_in_dim3A_1545] : memref<4x128xi32, #tpu.memory_space<vmem>>[vector<16xi32>, vector<16xi32>], vector<16xi32>,
        %slice3A_1547 = vector.extract_strided_slice %gather3A_1546 {offsets = [0], sizes = [1], strides = [1]} : vector<16xi32> to vector<1xi32>
        %squeeze3A_1548 = vector.extract %slice3A_1547[0] : i32 from vector<1xi32>
        %jit3A_1549 = arith.constant 128 : i32
        %div3A_1550 = arith.divsi %add3A_1458, %jit3A_1549 : i32
        %sign3A_1551 = arith.constant 0 : i32
        %sign3A_1552 = arith.cmpi sgt, %add3A_1458, %sign3A_1551 : i32
        %sign3A_1553 = arith.extui %sign3A_1552 : i1 to i32
        %sign3A_1554 = arith.constant 0 : i32
        %sign3A_1555 = arith.cmpi slt, %add3A_1458, %sign3A_1554 : i32
        %sign3A_1556 = arith.extui %sign3A_1555 : i1 to i32
        %sign3A_1557 = arith.subi %sign3A_1553, %sign3A_1556 : i32
        %sign3A_1558 = arith.constant 0 : i32
        %sign3A_1559 = arith.cmpi sgt, %jit3A_1549, %sign3A_1558 : i32
        %sign3A_1560 = arith.extui %sign3A_1559 : i1 to i32
        %sign3A_1561 = arith.constant 0 : i32
        %sign3A_1562 = arith.cmpi slt, %jit3A_1549, %sign3A_1561 : i32
        %sign3A_1563 = arith.extui %sign3A_1562 : i1 to i32
        %sign3A_1564 = arith.subi %sign3A_1560, %sign3A_1563 : i32
        %ne3A_1565 = arith.cmpi ne, %sign3A_1557, %sign3A_1564 : i32
        %rem3A_1566 = arith.remsi %add3A_1458, %jit3A_1549 : i32
        %ne3A_1567 = arith.constant 0 : i32
        %ne3A_1568 = arith.cmpi ne, %rem3A_1566, %ne3A_1567 : i32
        %and3A_1569 = arith.andi %ne3A_1565, %ne3A_1568 : i1
        %sub3A_1570 = arith.constant 1 : i32
        %sub3A_1571 = arith.subi %div3A_1550, %sub3A_1570 : i32
        %select_n3A_1572 = arith.select %and3A_1569, %sub3A_1571, %div3A_1550 : i32
        %broadcast_in_dim3A_1573 = vector.broadcast %select_n3A_1572 : i32 to vector<16xi32>
        %jit3A_1574 = arith.constant 128 : i32
        %eq3A_1575 = arith.constant 0 : i32
        %eq3A_1576 = arith.cmpi eq, %jit3A_1574, %eq3A_1575 : i32
        %jit3A_1577 = arith.constant 1 : i32
        %select_n3A_1578 = arith.select %eq3A_1576, %jit3A_1577, %jit3A_1574 : i32
        %rem3A_1579 = arith.remsi %add3A_1458, %select_n3A_1578 : i32
        %ne3A_1580 = arith.constant 0 : i32
        %ne3A_1581 = arith.cmpi ne, %rem3A_1579, %ne3A_1580 : i32
        %lt3A_1582 = arith.constant 0 : i32
        %lt3A_1583 = arith.cmpi slt, %rem3A_1579, %lt3A_1582 : i32
        %lt3A_1584 = arith.constant 0 : i32
        %lt3A_1585 = arith.cmpi slt, %select_n3A_1578, %lt3A_1584 : i32
        %ne3A_1586 = arith.xori %lt3A_1583, %lt3A_1585 : i1
        %and3A_1587 = arith.andi %ne3A_1586, %ne3A_1581 : i1
        %add3A_1588 = arith.addi %rem3A_1579, %select_n3A_1578 : i32
        %select_n3A_1589 = arith.select %and3A_1587, %add3A_1588, %rem3A_1579 : i32
        %broadcast_in_dim3A_1590 = vector.broadcast %select_n3A_1589 : i32 to vector<16xi32>
        %gather3A_1591 = tpu.vector_load_idx %arg11[%broadcast_in_dim3A_1573, %broadcast_in_dim3A_1590] : memref<4x128xi32, #tpu.memory_space<vmem>>[vector<16xi32>, vector<16xi32>], vector<16xi32>,
        %slice3A_1592 = vector.extract_strided_slice %gather3A_1591 {offsets = [0], sizes = [1], strides = [1]} : vector<16xi32> to vector<1xi32>
        %squeeze3A_1593 = vector.extract %slice3A_1592[0] : i32 from vector<1xi32>
        %jit3A_1594 = arith.constant 128 : i32
        %div3A_1595 = arith.divsi %squeeze3A_1503, %jit3A_1594 : i32
        %sign3A_1596 = arith.constant 0 : i32
        %sign3A_1597 = arith.cmpi sgt, %squeeze3A_1503, %sign3A_1596 : i32
        %sign3A_1598 = arith.extui %sign3A_1597 : i1 to i32
        %sign3A_1599 = arith.constant 0 : i32
        %sign3A_1600 = arith.cmpi slt, %squeeze3A_1503, %sign3A_1599 : i32
        %sign3A_1601 = arith.extui %sign3A_1600 : i1 to i32
        %sign3A_1602 = arith.subi %sign3A_1598, %sign3A_1601 : i32
        %sign3A_1603 = arith.constant 0 : i32
        %sign3A_1604 = arith.cmpi sgt, %jit3A_1594, %sign3A_1603 : i32
        %sign3A_1605 = arith.extui %sign3A_1604 : i1 to i32
        %sign3A_1606 = arith.constant 0 : i32
        %sign3A_1607 = arith.cmpi slt, %jit3A_1594, %sign3A_1606 : i32
        %sign3A_1608 = arith.extui %sign3A_1607 : i1 to i32
        %sign3A_1609 = arith.subi %sign3A_1605, %sign3A_1608 : i32
        %ne3A_1610 = arith.cmpi ne, %sign3A_1602, %sign3A_1609 : i32
        %rem3A_1611 = arith.remsi %squeeze3A_1503, %jit3A_1594 : i32
        %ne3A_1612 = arith.constant 0 : i32
        %ne3A_1613 = arith.cmpi ne, %rem3A_1611, %ne3A_1612 : i32
        %and3A_1614 = arith.andi %ne3A_1610, %ne3A_1613 : i1
        %sub3A_1615 = arith.constant 1 : i32
        %sub3A_1616 = arith.subi %div3A_1595, %sub3A_1615 : i32
        %select_n3A_1617 = arith.select %and3A_1614, %sub3A_1616, %div3A_1595 : i32
        %mul3A_1618 = arith.constant 128 : i32
        %mul3A_1619 = arith.muli %select_n3A_1617, %mul3A_1618 : i32
        %multiple_of3A_1620 = tpu.assume_multiple %mul3A_1619, 128 : i32
        %dma_start3A_1621 = arith.constant 0 : i32
        %dma_start3A_1622 = arith.constant 0 : i32
        %dma_start3A_1623 = tpu.memref_slice %arg12[%select_n3A_1138, %dma_start3A_1621, %dma_start3A_1622] : memref<8x32x128xf32, #tpu.memory_space<vmem>> -> memref<1x32x128xf32, #tpu.memory_space<vmem>>
        %dma_start3A_1624 = tpu.memref_squeeze %dma_start3A_1623 : memref<1x32x128xf32, #tpu.memory_space<vmem>> -> memref<32x128xf32, #tpu.memory_space<vmem>>
        %dma_start3A_1625 = arith.constant 0 : i32
        %dma_start3A_1626 = tpu.memref_slice %arg5[%dma_start3A_1625, %multiple_of3A_1620] : memref<32x1000000xf32, #tpu.memory_space<hbm>> -> memref<32x128xf32, #tpu.memory_space<hbm>>
        %dma_start3A_1627 = arith.constant 0 : i32
        %dma_start3A_1628 = arith.constant 0 : i32
        %dma_start3A_1629 = tpu.memref_slice %arg12[%select_n3A_1138, %dma_start3A_1627, %dma_start3A_1628] : memref<8x32x128xf32, #tpu.memory_space<vmem>> -> memref<1x32x128xf32, #tpu.memory_space<vmem>>
        %dma_start3A_1630 = tpu.memref_squeeze %dma_start3A_1629 : memref<1x32x128xf32, #tpu.memory_space<vmem>> -> memref<32x128xf32, #tpu.memory_space<vmem>>
        %dma_start3A_1631 = arith.constant 0 : i32
        %dma_start3A_1632 = tpu.memref_slice %arg5[%dma_start3A_1631, %multiple_of3A_1620] : memref<32x1000000xf32, #tpu.memory_space<hbm>> -> memref<32x128xf32, #tpu.memory_space<hbm>>
        tpu.enqueue_dma source(%dma_start3A_1632 : memref<32x128xf32, #tpu.memory_space<hbm>>) target(%dma_start3A_1630 : memref<32x128xf32, #tpu.memory_space<vmem>>) target_semaphore(%arg17 : memref<!tpu.dma_semaphore, #tpu.memory_space<semaphore_mem>>)
        %jit3A_1633 = arith.constant 128 : i32
        %div3A_1634 = arith.divsi %squeeze3A_1548, %jit3A_1633 : i32
        %sign3A_1635 = arith.constant 0 : i32
        %sign3A_1636 = arith.cmpi sgt, %squeeze3A_1548, %sign3A_1635 : i32
        %sign3A_1637 = arith.extui %sign3A_1636 : i1 to i32
        %sign3A_1638 = arith.constant 0 : i32
        %sign3A_1639 = arith.cmpi slt, %squeeze3A_1548, %sign3A_1638 : i32
        %sign3A_1640 = arith.extui %sign3A_1639 : i1 to i32
        %sign3A_1641 = arith.subi %sign3A_1637, %sign3A_1640 : i32
        %sign3A_1642 = arith.constant 0 : i32
        %sign3A_1643 = arith.cmpi sgt, %jit3A_1633, %sign3A_1642 : i32
        %sign3A_1644 = arith.extui %sign3A_1643 : i1 to i32
        %sign3A_1645 = arith.constant 0 : i32
        %sign3A_1646 = arith.cmpi slt, %jit3A_1633, %sign3A_1645 : i32
        %sign3A_1647 = arith.extui %sign3A_1646 : i1 to i32
        %sign3A_1648 = arith.subi %sign3A_1644, %sign3A_1647 : i32
        %ne3A_1649 = arith.cmpi ne, %sign3A_1641, %sign3A_1648 : i32
        %rem3A_1650 = arith.remsi %squeeze3A_1548, %jit3A_1633 : i32
        %ne3A_1651 = arith.constant 0 : i32
        %ne3A_1652 = arith.cmpi ne, %rem3A_1650, %ne3A_1651 : i32
        %and3A_1653 = arith.andi %ne3A_1649, %ne3A_1652 : i1
        %sub3A_1654 = arith.constant 1 : i32
        %sub3A_1655 = arith.subi %div3A_1634, %sub3A_1654 : i32
        %select_n3A_1656 = arith.select %and3A_1653, %sub3A_1655, %div3A_1634 : i32
        %mul3A_1657 = arith.constant 128 : i32
        %mul3A_1658 = arith.muli %select_n3A_1656, %mul3A_1657 : i32
        %multiple_of3A_1659 = tpu.assume_multiple %mul3A_1658, 128 : i32
        %dma_start3A_1660 = arith.constant 0 : i32
        %dma_start3A_1661 = arith.constant 0 : i32
        %dma_start3A_1662 = tpu.memref_slice %arg13[%select_n3A_1138, %dma_start3A_1660, %dma_start3A_1661] : memref<8x32x128xf32, #tpu.memory_space<vmem>> -> memref<1x32x128xf32, #tpu.memory_space<vmem>>
        %dma_start3A_1663 = tpu.memref_squeeze %dma_start3A_1662 : memref<1x32x128xf32, #tpu.memory_space<vmem>> -> memref<32x128xf32, #tpu.memory_space<vmem>>
        %dma_start3A_1664 = arith.constant 0 : i32
        %dma_start3A_1665 = tpu.memref_slice %arg6[%dma_start3A_1664, %multiple_of3A_1659] : memref<32x1000000xf32, #tpu.memory_space<hbm>> -> memref<32x128xf32, #tpu.memory_space<hbm>>
        %dma_start3A_1666 = arith.constant 0 : i32
        %dma_start3A_1667 = arith.constant 0 : i32
        %dma_start3A_1668 = tpu.memref_slice %arg13[%select_n3A_1138, %dma_start3A_1666, %dma_start3A_1667] : memref<8x32x128xf32, #tpu.memory_space<vmem>> -> memref<1x32x128xf32, #tpu.memory_space<vmem>>
        %dma_start3A_1669 = tpu.memref_squeeze %dma_start3A_1668 : memref<1x32x128xf32, #tpu.memory_space<vmem>> -> memref<32x128xf32, #tpu.memory_space<vmem>>
        %dma_start3A_1670 = arith.constant 0 : i32
        %dma_start3A_1671 = tpu.memref_slice %arg6[%dma_start3A_1670, %multiple_of3A_1659] : memref<32x1000000xf32, #tpu.memory_space<hbm>> -> memref<32x128xf32, #tpu.memory_space<hbm>>
        tpu.enqueue_dma source(%dma_start3A_1671 : memref<32x128xf32, #tpu.memory_space<hbm>>) target(%dma_start3A_1669 : memref<32x128xf32, #tpu.memory_space<vmem>>) target_semaphore(%arg18 : memref<!tpu.dma_semaphore, #tpu.memory_space<semaphore_mem>>)
        %jit3A_1672 = arith.constant 128 : i32
        %div3A_1673 = arith.divsi %squeeze3A_1593, %jit3A_1672 : i32
        %sign3A_1674 = arith.constant 0 : i32
        %sign3A_1675 = arith.cmpi sgt, %squeeze3A_1593, %sign3A_1674 : i32
        %sign3A_1676 = arith.extui %sign3A_1675 : i1 to i32
        %sign3A_1677 = arith.constant 0 : i32
        %sign3A_1678 = arith.cmpi slt, %squeeze3A_1593, %sign3A_1677 : i32
        %sign3A_1679 = arith.extui %sign3A_1678 : i1 to i32
        %sign3A_1680 = arith.subi %sign3A_1676, %sign3A_1679 : i32
        %sign3A_1681 = arith.constant 0 : i32
        %sign3A_1682 = arith.cmpi sgt, %jit3A_1672, %sign3A_1681 : i32
        %sign3A_1683 = arith.extui %sign3A_1682 : i1 to i32
        %sign3A_1684 = arith.constant 0 : i32
        %sign3A_1685 = arith.cmpi slt, %jit3A_1672, %sign3A_1684 : i32
        %sign3A_1686 = arith.extui %sign3A_1685 : i1 to i32
        %sign3A_1687 = arith.subi %sign3A_1683, %sign3A_1686 : i32
        %ne3A_1688 = arith.cmpi ne, %sign3A_1680, %sign3A_1687 : i32
        %rem3A_1689 = arith.remsi %squeeze3A_1593, %jit3A_1672 : i32
        %ne3A_1690 = arith.constant 0 : i32
        %ne3A_1691 = arith.cmpi ne, %rem3A_1689, %ne3A_1690 : i32
        %and3A_1692 = arith.andi %ne3A_1688, %ne3A_1691 : i1
        %sub3A_1693 = arith.constant 1 : i32
        %sub3A_1694 = arith.subi %div3A_1673, %sub3A_1693 : i32
        %select_n3A_1695 = arith.select %and3A_1692, %sub3A_1694, %div3A_1673 : i32
        %mul3A_1696 = arith.constant 128 : i32
        %mul3A_1697 = arith.muli %select_n3A_1695, %mul3A_1696 : i32
        %multiple_of3A_1698 = tpu.assume_multiple %mul3A_1697, 128 : i32
        %dma_start3A_1699 = arith.constant 0 : i32
        %dma_start3A_1700 = arith.constant 0 : i32
        %dma_start3A_1701 = tpu.memref_slice %arg14[%select_n3A_1138, %dma_start3A_1699, %dma_start3A_1700] : memref<8x32x128xf32, #tpu.memory_space<vmem>> -> memref<1x32x128xf32, #tpu.memory_space<vmem>>
        %dma_start3A_1702 = tpu.memref_squeeze %dma_start3A_1701 : memref<1x32x128xf32, #tpu.memory_space<vmem>> -> memref<32x128xf32, #tpu.memory_space<vmem>>
        %dma_start3A_1703 = arith.constant 0 : i32
        %dma_start3A_1704 = tpu.memref_slice %arg6[%dma_start3A_1703, %multiple_of3A_1698] : memref<32x1000000xf32, #tpu.memory_space<hbm>> -> memref<32x128xf32, #tpu.memory_space<hbm>>
        %dma_start3A_1705 = arith.constant 0 : i32
        %dma_start3A_1706 = arith.constant 0 : i32
        %dma_start3A_1707 = tpu.memref_slice %arg14[%select_n3A_1138, %dma_start3A_1705, %dma_start3A_1706] : memref<8x32x128xf32, #tpu.memory_space<vmem>> -> memref<1x32x128xf32, #tpu.memory_space<vmem>>
        %dma_start3A_1708 = tpu.memref_squeeze %dma_start3A_1707 : memref<1x32x128xf32, #tpu.memory_space<vmem>> -> memref<32x128xf32, #tpu.memory_space<vmem>>
        %dma_start3A_1709 = arith.constant 0 : i32
        %dma_start3A_1710 = tpu.memref_slice %arg6[%dma_start3A_1709, %multiple_of3A_1698] : memref<32x1000000xf32, #tpu.memory_space<hbm>> -> memref<32x128xf32, #tpu.memory_space<hbm>>
        tpu.enqueue_dma source(%dma_start3A_1710 : memref<32x128xf32, #tpu.memory_space<hbm>>) target(%dma_start3A_1708 : memref<32x128xf32, #tpu.memory_space<vmem>>) target_semaphore(%arg19 : memref<!tpu.dma_semaphore, #tpu.memory_space<semaphore_mem>>)
      } else {
      }
      %mul3A_1400 = arith.mulf %gather3A_1333, %gather3A_1360 : vector<16xf32>
      %mul3A_1401 = arith.mulf %gather3A_1340, %gather3A_1367 : vector<16xf32>
      %add3A_1402 = arith.addf %mul3A_1400, %mul3A_1401 : vector<16xf32>
      %reduce_sum3A = arith.constant true
      %reduce_sum3A_1403 = vector.broadcast %reduce_sum3A : i1 to vector<16xi1>
      %reduce_sum3A_1404 = tpu.scan <sum>, %add3A_1402 masked %reduce_sum3A_1403 : vector<16xf32>, vector<16xi1> -> vector<16xf32>
      %reduce_sum3A_1405 = vector.extract %reduce_sum3A_1404[15] : f32 from vector<16xf32>
      %mul3A_1406 = arith.mulf %gather3A_1333, %gather3A_1387 : vector<16xf32>
      %mul3A_1407 = arith.mulf %gather3A_1340, %gather3A_1394 : vector<16xf32>
      %add3A_1408 = arith.addf %mul3A_1406, %mul3A_1407 : vector<16xf32>
      %reduce_sum3A_1409 = arith.constant true
      %reduce_sum3A_1410 = vector.broadcast %reduce_sum3A_1409 : i1 to vector<16xi1>
      %reduce_sum3A_1411 = tpu.scan <sum>, %add3A_1408 masked %reduce_sum3A_1410 : vector<16xf32>, vector<16xi1> -> vector<16xf32>
      %reduce_sum3A_1412 = vector.extract %reduce_sum3A_1411[15] : f32 from vector<16xf32>
      %iota3A_1413 = tpu.iota {dimensions = array<i32: 0>} : vector<16xi32>
      %jit3A_1414 = arith.constant 16 : i32
      %eq3A_1415 = arith.constant 0 : i32
      %eq3A_1416 = arith.cmpi eq, %jit3A_1414, %eq3A_1415 : i32
      %jit3A_1417 = arith.constant 1 : i32
      %select_n3A_1418 = arith.select %eq3A_1416, %jit3A_1417, %jit3A_1414 : i32
      %rem3A_1419 = arith.remsi %scan3A_1122, %select_n3A_1418 : i32
      %ne3A_1420 = arith.constant 0 : i32
      %ne3A_1421 = arith.cmpi ne, %rem3A_1419, %ne3A_1420 : i32
      %lt3A_1422 = arith.constant 0 : i32
      %lt3A_1423 = arith.cmpi slt, %rem3A_1419, %lt3A_1422 : i32
      %lt3A_1424 = arith.constant 0 : i32
      %lt3A_1425 = arith.cmpi slt, %select_n3A_1418, %lt3A_1424 : i32
      %ne3A_1426 = arith.xori %lt3A_1423, %lt3A_1425 : i1
      %and3A_1427 = arith.andi %ne3A_1426, %ne3A_1421 : i1
      %add3A_1428 = arith.addi %rem3A_1419, %select_n3A_1418 : i32
      %select_n3A_1429 = arith.select %and3A_1427, %add3A_1428, %rem3A_1419 : i32
      %broadcast_in_dim3A_1430 = vector.broadcast %select_n3A_1429 : i32 to vector<16xi32>
      %eq3A_1431 = arith.cmpi eq, %iota3A_1413, %broadcast_in_dim3A_1430 : vector<16xi32>
      %broadcast_in_dim3A_1432 = vector.broadcast %reduce_sum3A_1405 : f32 to vector<16xf32>
      %select_n3A_1433 = arith.select %eq3A_1431, %broadcast_in_dim3A_1432, %scan3A_1123 : vector<16xi1>, vector<16xf32>
      %broadcast_in_dim3A_1434 = vector.broadcast %reduce_sum3A_1412 : f32 to vector<16xf32>
      %select_n3A_1435 = arith.select %eq3A_1431, %broadcast_in_dim3A_1434, %scan3A_1124 : vector<16xi1>, vector<16xf32>
      %jit3A_1436 = arith.constant 16 : i32
      %eq3A_1437 = arith.constant 0 : i32
      %eq3A_1438 = arith.cmpi eq, %jit3A_1436, %eq3A_1437 : i32
      %jit3A_1439 = arith.constant 1 : i32
      %select_n3A_1440 = arith.select %eq3A_1438, %jit3A_1439, %jit3A_1436 : i32
      %rem3A_1441 = arith.remsi %scan3A_1122, %select_n3A_1440 : i32
      %ne3A_1442 = arith.constant 0 : i32
      %ne3A_1443 = arith.cmpi ne, %rem3A_1441, %ne3A_1442 : i32
      %lt3A_1444 = arith.constant 0 : i32
      %lt3A_1445 = arith.cmpi slt, %rem3A_1441, %lt3A_1444 : i32
      %lt3A_1446 = arith.constant 0 : i32
      %lt3A_1447 = arith.cmpi slt, %select_n3A_1440, %lt3A_1446 : i32
      %ne3A_1448 = arith.xori %lt3A_1445, %lt3A_1447 : i1
      %and3A_1449 = arith.andi %ne3A_1448, %ne3A_1443 : i1
      %add3A_1450 = arith.addi %rem3A_1441, %select_n3A_1440 : i32
      %select_n3A_1451 = arith.select %and3A_1449, %add3A_1450, %rem3A_1441 : i32
      %eq3A_1452 = arith.constant 15 : i32
      %eq3A_1453 = arith.cmpi eq, %select_n3A_1451, %eq3A_1452 : i32
      %convert_element_type3A_1454 = arith.extui %eq3A_1453 : i1 to i32
      %cond3A_1455 = arith.constant 0 : i32
      %cond3A_1456 = arith.cmpi ne, %convert_element_type3A_1454, %cond3A_1455 : i32
      scf.if %cond3A_1456 {
        %jit3A_1457 = arith.constant 16 : i32
        %div3A_1458 = arith.divsi %scan3A_1122, %jit3A_1457 : i32
        %sign3A_1459 = arith.constant 0 : i32
        %sign3A_1460 = arith.cmpi sgt, %scan3A_1122, %sign3A_1459 : i32
        %sign3A_1461 = arith.extui %sign3A_1460 : i1 to i32
        %sign3A_1462 = arith.constant 0 : i32
        %sign3A_1463 = arith.cmpi slt, %scan3A_1122, %sign3A_1462 : i32
        %sign3A_1464 = arith.extui %sign3A_1463 : i1 to i32
        %sign3A_1465 = arith.subi %sign3A_1461, %sign3A_1464 : i32
        %sign3A_1466 = arith.constant 0 : i32
        %sign3A_1467 = arith.cmpi sgt, %jit3A_1457, %sign3A_1466 : i32
        %sign3A_1468 = arith.extui %sign3A_1467 : i1 to i32
        %sign3A_1469 = arith.constant 0 : i32
        %sign3A_1470 = arith.cmpi slt, %jit3A_1457, %sign3A_1469 : i32
        %sign3A_1471 = arith.extui %sign3A_1470 : i1 to i32
        %sign3A_1472 = arith.subi %sign3A_1468, %sign3A_1471 : i32
        %ne3A_1473 = arith.cmpi ne, %sign3A_1465, %sign3A_1472 : i32
        %rem3A_1474 = arith.remsi %scan3A_1122, %jit3A_1457 : i32
        %ne3A_1475 = arith.constant 0 : i32
        %ne3A_1476 = arith.cmpi ne, %rem3A_1474, %ne3A_1475 : i32
        %and3A_1477 = arith.andi %ne3A_1473, %ne3A_1476 : i1
        %sub3A_1478 = arith.constant 1 : i32
        %sub3A_1479 = arith.subi %div3A_1458, %sub3A_1478 : i32
        %select_n3A_1480 = arith.select %and3A_1477, %sub3A_1479, %div3A_1458 : i32
        %jit3A_1481 = arith.constant 8 : i32
        %div3A_1482 = arith.divsi %select_n3A_1480, %jit3A_1481 : i32
        %sign3A_1483 = arith.constant 0 : i32
        %sign3A_1484 = arith.cmpi sgt, %select_n3A_1480, %sign3A_1483 : i32
        %sign3A_1485 = arith.extui %sign3A_1484 : i1 to i32
        %sign3A_1486 = arith.constant 0 : i32
        %sign3A_1487 = arith.cmpi slt, %select_n3A_1480, %sign3A_1486 : i32
        %sign3A_1488 = arith.extui %sign3A_1487 : i1 to i32
        %sign3A_1489 = arith.subi %sign3A_1485, %sign3A_1488 : i32
        %sign3A_1490 = arith.constant 0 : i32
        %sign3A_1491 = arith.cmpi sgt, %jit3A_1481, %sign3A_1490 : i32
        %sign3A_1492 = arith.extui %sign3A_1491 : i1 to i32
        %sign3A_1493 = arith.constant 0 : i32
        %sign3A_1494 = arith.cmpi slt, %jit3A_1481, %sign3A_1493 : i32
        %sign3A_1495 = arith.extui %sign3A_1494 : i1 to i32
        %sign3A_1496 = arith.subi %sign3A_1492, %sign3A_1495 : i32
        %ne3A_1497 = arith.cmpi ne, %sign3A_1489, %sign3A_1496 : i32
        %rem3A_1498 = arith.remsi %select_n3A_1480, %jit3A_1481 : i32
        %ne3A_1499 = arith.constant 0 : i32
        %ne3A_1500 = arith.cmpi ne, %rem3A_1498, %ne3A_1499 : i32
        %and3A_1501 = arith.andi %ne3A_1497, %ne3A_1500 : i1
        %sub3A_1502 = arith.constant 1 : i32
        %sub3A_1503 = arith.subi %div3A_1482, %sub3A_1502 : i32
        %select_n3A_1504 = arith.select %and3A_1501, %sub3A_1503, %div3A_1482 : i32
        %jit3A_1505 = arith.constant 8 : i32
        %eq3A_1506 = arith.constant 0 : i32
        %eq3A_1507 = arith.cmpi eq, %jit3A_1505, %eq3A_1506 : i32
        %jit3A_1508 = arith.constant 1 : i32
        %select_n3A_1509 = arith.select %eq3A_1507, %jit3A_1508, %jit3A_1505 : i32
        %rem3A_1510 = arith.remsi %select_n3A_1480, %select_n3A_1509 : i32
        %ne3A_1511 = arith.constant 0 : i32
        %ne3A_1512 = arith.cmpi ne, %rem3A_1510, %ne3A_1511 : i32
        %lt3A_1513 = arith.constant 0 : i32
        %lt3A_1514 = arith.cmpi slt, %rem3A_1510, %lt3A_1513 : i32
        %lt3A_1515 = arith.constant 0 : i32
        %lt3A_1516 = arith.cmpi slt, %select_n3A_1509, %lt3A_1515 : i32
        %ne3A_1517 = arith.xori %lt3A_1514, %lt3A_1516 : i1
        %and3A_1518 = arith.andi %ne3A_1517, %ne3A_1512 : i1
        %add3A_1519 = arith.addi %rem3A_1510, %select_n3A_1509 : i32
        %select_n3A_1520 = arith.select %and3A_1518, %add3A_1519, %rem3A_1510 : i32
        %mul3A_1521 = arith.constant 16 : i32
        %mul3A_1522 = arith.muli %select_n3A_1520, %mul3A_1521 : i32
        %swap3A = arith.index_cast %select_n3A_1504 : i32 to index
        %swap3A_1523 = arith.index_cast %mul3A_1522 : i32 to index
        %swap3A_1524 = tpu.vector_load %arg15[%swap3A, %swap3A_1523] {strides = array<i32>} : memref<4x128xf32, #tpu.memory_space<vmem>>, vector<16xf32>,
        tpu.vector_store %arg15[%swap3A, %swap3A_1523], %select_n3A_1433 {strides = array<i32>} : memref<4x128xf32, #tpu.memory_space<vmem>>, vector<16xf32>,
        %jit3A_1525 = arith.constant 8 : i32
        %div3A_1526 = arith.divsi %select_n3A_1480, %jit3A_1525 : i32
        %sign3A_1527 = arith.constant 0 : i32
        %sign3A_1528 = arith.cmpi sgt, %select_n3A_1480, %sign3A_1527 : i32
        %sign3A_1529 = arith.extui %sign3A_1528 : i1 to i32
        %sign3A_1530 = arith.constant 0 : i32
        %sign3A_1531 = arith.cmpi slt, %select_n3A_1480, %sign3A_1530 : i32
        %sign3A_1532 = arith.extui %sign3A_1531 : i1 to i32
        %sign3A_1533 = arith.subi %sign3A_1529, %sign3A_1532 : i32
        %sign3A_1534 = arith.constant 0 : i32
        %sign3A_1535 = arith.cmpi sgt, %jit3A_1525, %sign3A_1534 : i32
        %sign3A_1536 = arith.extui %sign3A_1535 : i1 to i32
        %sign3A_1537 = arith.constant 0 : i32
        %sign3A_1538 = arith.cmpi slt, %jit3A_1525, %sign3A_1537 : i32
        %sign3A_1539 = arith.extui %sign3A_1538 : i1 to i32
        %sign3A_1540 = arith.subi %sign3A_1536, %sign3A_1539 : i32
        %ne3A_1541 = arith.cmpi ne, %sign3A_1533, %sign3A_1540 : i32
        %rem3A_1542 = arith.remsi %select_n3A_1480, %jit3A_1525 : i32
        %ne3A_1543 = arith.constant 0 : i32
        %ne3A_1544 = arith.cmpi ne, %rem3A_1542, %ne3A_1543 : i32
        %and3A_1545 = arith.andi %ne3A_1541, %ne3A_1544 : i1
        %sub3A_1546 = arith.constant 1 : i32
        %sub3A_1547 = arith.subi %div3A_1526, %sub3A_1546 : i32
        %select_n3A_1548 = arith.select %and3A_1545, %sub3A_1547, %div3A_1526 : i32
        %jit3A_1549 = arith.constant 8 : i32
        %eq3A_1550 = arith.constant 0 : i32
        %eq3A_1551 = arith.cmpi eq, %jit3A_1549, %eq3A_1550 : i32
        %jit3A_1552 = arith.constant 1 : i32
        %select_n3A_1553 = arith.select %eq3A_1551, %jit3A_1552, %jit3A_1549 : i32
        %rem3A_1554 = arith.remsi %select_n3A_1480, %select_n3A_1553 : i32
        %ne3A_1555 = arith.constant 0 : i32
        %ne3A_1556 = arith.cmpi ne, %rem3A_1554, %ne3A_1555 : i32
        %lt3A_1557 = arith.constant 0 : i32
        %lt3A_1558 = arith.cmpi slt, %rem3A_1554, %lt3A_1557 : i32
        %lt3A_1559 = arith.constant 0 : i32
        %lt3A_1560 = arith.cmpi slt, %select_n3A_1553, %lt3A_1559 : i32
        %ne3A_1561 = arith.xori %lt3A_1558, %lt3A_1560 : i1
        %and3A_1562 = arith.andi %ne3A_1561, %ne3A_1556 : i1
        %add3A_1563 = arith.addi %rem3A_1554, %select_n3A_1553 : i32
        %select_n3A_1564 = arith.select %and3A_1562, %add3A_1563, %rem3A_1554 : i32
        %mul3A_1565 = arith.constant 16 : i32
        %mul3A_1566 = arith.muli %select_n3A_1564, %mul3A_1565 : i32
        %swap3A_1567 = arith.index_cast %select_n3A_1548 : i32 to index
        %swap3A_1568 = arith.index_cast %mul3A_1566 : i32 to index
        %swap3A_1569 = tpu.vector_load %arg16[%swap3A_1567, %swap3A_1568] {strides = array<i32>} : memref<4x128xf32, #tpu.memory_space<vmem>>, vector<16xf32>,
        tpu.vector_store %arg16[%swap3A_1567, %swap3A_1568], %select_n3A_1435 {strides = array<i32>} : memref<4x128xf32, #tpu.memory_space<vmem>>, vector<16xf32>,
      } else {
      }
      scf.yield %select_n3A_1433, %select_n3A_1435 : vector<16xf32>, vector<16xf32>
    }
    %scan3A_1121 = arith.constant 512 : i32
    "tpu.region"() ({
      %run_scoped3A = tpu.sem_alloc : memref<!tpu.dma_semaphore, #tpu.memory_space<semaphore_mem>>
      %dma_start3A_1122 = arith.constant 0 : i32
      %dma_start3A_1123 = arith.constant 0 : i32
      %dma_start3A_1124 = tpu.memref_slice %arg7[%add3A, %dma_start3A_1122, %dma_start3A_1123] : memref<32x4x128xf32, #tpu.memory_space<hbm>> -> memref<1x4x128xf32, #tpu.memory_space<hbm>>
      %dma_start3A_1125 = tpu.memref_squeeze %dma_start3A_1124 : memref<1x4x128xf32, #tpu.memory_space<hbm>> -> memref<4x128xf32, #tpu.memory_space<hbm>>
      %dma_start3A_1126 = arith.constant 0 : i32
      %dma_start3A_1127 = arith.constant 0 : i32
      %dma_start3A_1128 = tpu.memref_slice %arg7[%add3A, %dma_start3A_1126, %dma_start3A_1127] : memref<32x4x128xf32, #tpu.memory_space<hbm>> -> memref<1x4x128xf32, #tpu.memory_space<hbm>>
      %dma_start3A_1129 = tpu.memref_squeeze %dma_start3A_1128 : memref<1x4x128xf32, #tpu.memory_space<hbm>> -> memref<4x128xf32, #tpu.memory_space<hbm>>
      tpu.enqueue_dma source(%arg15 : memref<4x128xf32, #tpu.memory_space<vmem>>) target(%dma_start3A_1129 : memref<4x128xf32, #tpu.memory_space<hbm>>) target_semaphore(%run_scoped3A : memref<!tpu.dma_semaphore, #tpu.memory_space<semaphore_mem>>)
      %dma_wait3A = arith.constant 0 : i32
      %dma_wait3A_1130 = arith.constant 0 : i32
      %dma_wait3A_1131 = tpu.memref_slice %arg7[%add3A, %dma_wait3A, %dma_wait3A_1130] : memref<32x4x128xf32, #tpu.memory_space<hbm>> -> memref<1x4x128xf32, #tpu.memory_space<hbm>>
      %dma_wait3A_1132 = tpu.memref_squeeze %dma_wait3A_1131 : memref<1x4x128xf32, #tpu.memory_space<hbm>> -> memref<4x128xf32, #tpu.memory_space<hbm>>
      %dma_wait3A_1133 = arith.constant 0 : i32
      %dma_wait3A_1134 = arith.constant 0 : i32
      %dma_wait3A_1135 = tpu.memref_slice %arg7[%add3A, %dma_wait3A_1133, %dma_wait3A_1134] : memref<32x4x128xf32, #tpu.memory_space<hbm>> -> memref<1x4x128xf32, #tpu.memory_space<hbm>>
      %dma_wait3A_1136 = tpu.memref_squeeze %dma_wait3A_1135 : memref<1x4x128xf32, #tpu.memory_space<hbm>> -> memref<4x128xf32, #tpu.memory_space<hbm>>
      tpu.wait_dma2 semaphore(%run_scoped3A : memref<!tpu.dma_semaphore, #tpu.memory_space<semaphore_mem>>) src(%arg15 : memref<4x128xf32, #tpu.memory_space<vmem>>) dst(%dma_wait3A_1136 : memref<4x128xf32, #tpu.memory_space<hbm>>)
      tpu.yield
    }) : () -> ()
    "tpu.region"() ({
      %run_scoped3A = tpu.sem_alloc : memref<!tpu.dma_semaphore, #tpu.memory_space<semaphore_mem>>
      %dma_start3A_1122 = arith.constant 0 : i32
      %dma_start3A_1123 = arith.constant 0 : i32
      %dma_start3A_1124 = tpu.memref_slice %arg8[%add3A, %dma_start3A_1122, %dma_start3A_1123] : memref<32x4x128xf32, #tpu.memory_space<hbm>> -> memref<1x4x128xf32, #tpu.memory_space<hbm>>
      %dma_start3A_1125 = tpu.memref_squeeze %dma_start3A_1124 : memref<1x4x128xf32, #tpu.memory_space<hbm>> -> memref<4x128xf32, #tpu.memory_space<hbm>>
      %dma_start3A_1126 = arith.constant 0 : i32
      %dma_start3A_1127 = arith.constant 0 : i32
      %dma_start3A_1128 = tpu.memref_slice %arg8[%add3A, %dma_start3A_1126, %dma_start3A_1127] : memref<32x4x128xf32, #tpu.memory_space<hbm>> -> memref<1x4x128xf32, #tpu.memory_space<hbm>>
      %dma_start3A_1129 = tpu.memref_squeeze %dma_start3A_1128 : memref<1x4x128xf32, #tpu.memory_space<hbm>> -> memref<4x128xf32, #tpu.memory_space<hbm>>
      tpu.enqueue_dma source(%arg16 : memref<4x128xf32, #tpu.memory_space<vmem>>) target(%dma_start3A_1129 : memref<4x128xf32, #tpu.memory_space<hbm>>) target_semaphore(%run_scoped3A : memref<!tpu.dma_semaphore, #tpu.memory_space<semaphore_mem>>)
      %dma_wait3A = arith.constant 0 : i32
      %dma_wait3A_1130 = arith.constant 0 : i32
      %dma_wait3A_1131 = tpu.memref_slice %arg8[%add3A, %dma_wait3A, %dma_wait3A_1130] : memref<32x4x128xf32, #tpu.memory_space<hbm>> -> memref<1x4x128xf32, #tpu.memory_space<hbm>>
      %dma_wait3A_1132 = tpu.memref_squeeze %dma_wait3A_1131 : memref<1x4x128xf32, #tpu.memory_space<hbm>> -> memref<4x128xf32, #tpu.memory_space<hbm>>
      %dma_wait3A_1133 = arith.constant 0 : i32
      %dma_wait3A_1134 = arith.constant 0 : i32
      %dma_wait3A_1135 = tpu.memref_slice %arg8[%add3A, %dma_wait3A_1133, %dma_wait3A_1134] : memref<32x4x128xf32, #tpu.memory_space<hbm>> -> memref<1x4x128xf32, #tpu.memory_space<hbm>>
      %dma_wait3A_1136 = tpu.memref_squeeze %dma_wait3A_1135 : memref<1x4x128xf32, #tpu.memory_space<hbm>> -> memref<4x128xf32, #tpu.memory_space<hbm>>
      tpu.wait_dma2 semaphore(%run_scoped3A : memref<!tpu.dma_semaphore, #tpu.memory_space<semaphore_mem>>) src(%arg16 : memref<4x128xf32, #tpu.memory_space<vmem>>) dst(%dma_wait3A_1136 : memref<4x128xf32, #tpu.memory_space<hbm>>)
      tpu.yield
    }) : () -> ()
    return
  }
}

module attributes {stable_mosaic.version = 14 : i64} {
  func.func @_loss_body(%arg0: memref<128x128xf32, #tpu.memory_space<vmem>>, %arg1: memref<128x128xf32, #tpu.memory_space<vmem>>, %arg2: memref<1x1xf32, #tpu.memory_space<smem>>) attributes {dimension_semantics = [], scalar_prefetch = 0 : i64, scratch_operands = 0 : i64, tpu.core_type = #tpu.core_type<tc>} {
    %get3A = arith.constant 0 : index
    %get3A_0 = arith.constant 0 : index
    %get3A_1 = vector.load %arg0[%get3A, %get3A_0] : memref<128x128xf32, #tpu.memory_space<vmem>>, vector<128x128xf32>
    %get3A_2 = arith.constant 0 : index
    %get3A_3 = arith.constant 0 : index
    %get3A_4 = vector.load %arg1[%get3A_2, %get3A_3] : memref<128x128xf32, #tpu.memory_space<vmem>>, vector<128x128xf32>
    %neg3A = arith.constant 0.000000e+00 : f32
    %neg3A_5 = vector.broadcast %neg3A : f32 to vector<128x128xf32>
    %neg3A_6 = arith.subf %neg3A_5, %get3A_4 : vector<128x128xf32>
    %min3A = arith.constant 0.000000e+00 : f32
    %min3A_7 = vector.broadcast %min3A : f32 to vector<128x128xf32>
    %min3A_8 = arith.minimumf %get3A_1, %min3A_7 : vector<128x128xf32>
    %abs3A = math.absf %get3A_1 : vector<128x128xf32>
    %neg3A_9 = arith.constant 0.000000e+00 : f32
    %neg3A_10 = vector.broadcast %neg3A_9 : f32 to vector<128x128xf32>
    %neg3A_11 = arith.subf %neg3A_10, %abs3A : vector<128x128xf32>
    %exp3A = math.exp %neg3A_11 : vector<128x128xf32>
    %log1p3A = math.log1p %exp3A : vector<128x128xf32>
    %sub3A = arith.subf %min3A_8, %log1p3A : vector<128x128xf32>
    %min3A_12 = arith.constant 0.000000e+00 : f32
    %min3A_13 = vector.broadcast %min3A_12 : f32 to vector<128x128xf32>
    %min3A_14 = arith.minimumf %neg3A_6, %min3A_13 : vector<128x128xf32>
    %add3A = arith.addf %sub3A, %min3A_14 : vector<128x128xf32>
    %abs3A_15 = math.absf %neg3A_6 : vector<128x128xf32>
    %neg3A_16 = arith.constant 0.000000e+00 : f32
    %neg3A_17 = vector.broadcast %neg3A_16 : f32 to vector<128x128xf32>
    %neg3A_18 = arith.subf %neg3A_17, %abs3A_15 : vector<128x128xf32>
    %exp3A_19 = math.exp %neg3A_18 : vector<128x128xf32>
    %log1p3A_20 = math.log1p %exp3A_19 : vector<128x128xf32>
    %sub3A_21 = arith.subf %add3A, %log1p3A_20 : vector<128x128xf32>
    %reduce_sum3A = vector.shape_cast %sub3A_21 : vector<128x128xf32> to vector<1x128x128xf32>
    %reduce_sum3A_22 = arith.constant dense<0.000000e+00> : vector<1xf32>
    %reduce_sum3A_23 = vector.multi_reduction <add>, %reduce_sum3A, %reduce_sum3A_22 [1, 2] : vector<1x128x128xf32> to vector<1xf32>
    %reduce_sum3A_24 = vector.shape_cast %reduce_sum3A_23 : vector<1xf32> to vector<1x1x1xf32>
    %reduce_sum3A_25 = vector.extract %reduce_sum3A_24[0, 0, 0] : f32 from vector<1x1x1xf32>
    %neg3A_26 = arith.constant 0.000000e+00 : f32
    %neg3A_27 = arith.subf %neg3A_26, %reduce_sum3A_25 : f32
    %div3A = arith.constant 1.638400e+04 : f32
    %div3A_28 = arith.divf %neg3A_27, %div3A : f32
    %swap3A = arith.constant 0 : index
    %swap3A_29 = arith.constant 0 : index
    %swap3A_30 = memref.load %arg2[%swap3A, %swap3A_29] : memref<1x1xf32, #tpu.memory_space<smem>>
    memref.store %div3A_28, %arg2[%swap3A, %swap3A_29] : memref<1x1xf32, #tpu.memory_space<smem>>
    return
  }
}

</mosaic_0001>

<sc_bundles>
// kernel: kernel.4.cloned.1.call-start
scs
__scs_entry_jumppad:
0x0: {  	(pc) =	sbr.rel $0x88, $3  }
0x1: {  	(tag) =	ssettag $0x0;
	lr =	simm.s32 $0x1  }
0x2: {  	[smem:$0x3F9C] =	sst lr;
	_ =	strace $0xD0000000  }
0x3: {  	_ = 	snop  }
0x4: {  	_ = 	snop  }
0x5: {  	_ = 	snop  }
0x6: {  	_ = 	snop  }
0x7: {  	_ = 	snop  }
__scs_overlays_trampoline_lowered:
0x8: {  	[smem:$0x3FAB] =	sst s0  }
0x9: {  	[smem:$0x3FAC] =	sst s1  }
0xa: {  	[smem:$0x3FAD] =	sst s2  }
0xb: {  	[smem:$0x3FAE] =	sst s3  }
0xc: {  	[smem:$0x3FAF] =	sst s4  }
0xd: {  	[smem:$0x3FB0] =	sst s5  }
0xe: {  	[smem:$0x3FB1] =	sst s6  }
0xf: {  	[smem:$0x3FB2] =	sst s7  }
0x10: {  	[smem:$0x3FB3] =	sst s8  }
0x11: {  	[smem:$0x3FB4] =	sst s9;
	s0 =	simm.s32 @!p0 $0x0  }
0x12: {  	s1 =	sld [smem:$0x3F9A];
	s0 =	simm.s32 @p0 $0x1  }
0x13: {  	[smem:$0x3FB5] =	sst s0;
	s0 =	simm.s32 @!p1 $0x0  }
0x14: {  	s2 =	sld [smem:$0x3F99];
	s0 =	simm.s32 @p1 $0x1  }
0x15: {  	[smem:$0x3FB6] =	sst s0;
	s0 =	simm.s32 @!p2 $0x0  }
0x16: {  	s3 =	sld [smem:$0x3FDB];
	s0 =	simm.s32 @p2 $0x1  }
0x17: {  	s4 =	simm.s32 $0x1BF5;
	[smem:$0x3FB8] =	sst s0  }
0x18: {  	s0 =	sld [smem:$0x3F9B];
	_ =	swait.ge [sflag:s4], $0x0  }
0x19: {  	s7 =	sld [smem:$0x3F9C]  }
0x1a: {  	s8 =	sadd.s32 $0xFFFFE003, lr  }
0x1b: {  	s9 =	sadd.s32 $0xFFFFFEF7, lr;
	s5 =	simm.s32 $0xFFFFFFFF;
	p2 =	slt.u32 s8, $0xFFFFF086  }
0x1c: {  	p1 =	slt.u32 s9, $0xF7A;
	s5 =	simm.s32 @!p2 $0x0  }
0x1d: {  	s5 =	simm.s32 @p1 $0x1;
	p0 =	seq.s32 s7, s2  }
0x1e: {  	s7 =	smul.u32 @!p0 $0xF7A, s2;
	p2 =	seq.s32 @!p0 s5, $0x0  }
0x1f: {  	s9 =	smul.u32 $0xF7A, s1;
	s8 =	simm.s32 @!p0 $0x1BF5;
	p2 =	por !p2, p0  }
0x20: {  	[sflag:s8] =	ssyncset.s32 @!p0 $0xFFFFF086;
	s6 =	sadd.s32 @!p0 s3, s7;
	s7 =	simm.s32 @!p0 $0x108  }
0x21: {  	s3 =	sadd.s32 s3, s9;
	s6 =	sadd.s32 @!p0 $0x88, s6;
	s7 =	simm.s32 @p2 $0x1082  }
0x22: {  	[simem:s7], [sflag:s8] =	dma.local @!p0 [hbm:s6], $0xF7A  }
0x23: {  	s9 =	sor.u32 $0xD0000000, s2;
	s6 =	simm.s32 $0x108;
	_ =	swait.ge @!p0 [sflag:s8], $0x0  }
0x24: {  	s3 =	sadd.s32 $0x88, s3;
	s6 =	simm.s32 @!p1 $0x1082;
	[sflag:s4] =	ssyncset.s32 $0xFFFFF086  }
0x25: {  	[simem:s6], [sflag:s4] =	dma.local [hbm:s3], $0xF7A  }
0x26: {  	[smem:$0x3F9C] =	sst s1;
	(tag) =	ssettag s2;
	_ =	strace s9  }
0x27: {  	s1 =	sld [smem:$0x3FAC]  }
0x28: {  	s2 =	sld [smem:$0x3FAD]  }
0x29: {  	s4 =	sld [smem:$0x3FAF]  }
0x2a: {  	p0 =	seq.s32 s5, $0x0;
	s5 =	sld [smem:$0x3FB0]  }
0x2b: {  	s6 =	sld [smem:$0x3FB1]  }
0x2c: {  	s7 =	sld [smem:$0x3FB2]  }
0x2d: {  	s3 =	simm.s32 $0x108;
	s8 =	sld [smem:$0x3FB3]  }
0x2e: {  	s3 =	simm.s32 @!p0 $0x1082;
	s9 =	sld [smem:$0x3FB4]  }
0x2f: {  	lr =	sadd.s32 s0, s3;
	s0 =	sld [smem:$0x3FAB]  }
0x30: {  	s3 =	sld [smem:$0x3FAE]  }
0x31: {  	[smem:$0x3FB7] =	sst s10  }
0x32: {  	s10 =	sld [smem:$0x3FB5];
	_ =	sdelay $0x3  }
0x33: {  	p0 =	seq.s32 s10, $0x1;
	s10 =	sld [smem:$0x3FB7];
	_ =	sdelay $0x3  }
0x34: {  	[smem:$0x3FB7] =	sst s10  }
0x35: {  	s10 =	sld [smem:$0x3FB6];
	_ =	sdelay $0x3  }
0x36: {  	p1 =	seq.s32 s10, $0x1;
	s10 =	sld [smem:$0x3FB7];
	_ =	sdelay $0x3  }
0x37: {  	[smem:$0x3FB7] =	sst s10  }
0x38: {  	s10 =	sld [smem:$0x3FB8]  }
0x39: {  	_ = 	snop;
	(pc) =	sbr.ind lr, $3  }
0x3a: {  	_ = 	snop  }
0x3b: {  	_ = 	snop  }
0x3c: {  	p2 =	seq.s32 s10, $0x1;
	s10 =	sld [smem:$0x3FB7]  }
0x3d: {  	_ =	shalt  }
0x3e: {  	_ =	shalt  }
0x3f: {  	_ =	shalt  }
0x40: {  	_ =	shalt  }
0x41: {  	_ =	shalt  }
0x42: {  	_ =	shalt  }
0x43: {  	_ =	shalt  }
0x44: {  	_ =	shalt  }
0x45: {  	_ =	shalt  }
0x46: {  	_ =	shalt  }
0x47: {  	_ =	shalt  }
0x48: {  	_ =	shalt  }
0x49: {  	_ =	shalt  }
0x4a: {  	_ =	shalt  }
0x4b: {  	_ =	shalt  }
0x4c: {  	_ =	shalt  }
0x4d: {  	_ =	shalt  }
0x4e: {  	_ =	shalt  }
0x4f: {  	_ =	shalt  }
0x50: {  	_ =	shalt  }
0x51: {  	_ =	shalt  }
0x52: {  	_ =	shalt  }
0x53: {  	_ =	shalt  }
0x54: {  	_ =	shalt  }
0x55: {  	_ =	shalt  }
0x56: {  	_ =	shalt  }
0x57: {  	_ =	shalt  }
0x58: {  	_ =	shalt  }
0x59: {  	_ =	shalt  }
0x5a: {  	_ =	shalt  }
0x5b: {  	_ =	shalt  }
0x5c: {  	_ =	shalt  }
0x5d: {  	_ =	shalt  }
0x5e: {  	_ =	shalt  }
0x5f: {  	_ =	shalt  }
0x60: {  	_ =	shalt  }
0x61: {  	_ =	shalt  }
0x62: {  	_ =	shalt  }
0x63: {  	_ =	shalt  }
0x64: {  	_ =	shalt  }
0x65: {  	_ =	shalt  }
0x66: {  	_ =	shalt  }
0x67: {  	_ =	shalt  }
0x68: {  	_ =	shalt  }
0x69: {  	_ =	shalt  }
0x6a: {  	_ =	shalt  }
0x6b: {  	_ =	shalt  }
0x6c: {  	_ =	shalt  }
0x6d: {  	_ =	shalt  }
0x6e: {  	_ =	shalt  }
0x6f: {  	_ =	shalt  }
0x70: {  	_ =	shalt  }
0x71: {  	_ =	shalt  }
0x72: {  	_ =	shalt  }
0x73: {  	_ =	shalt  }
0x74: {  	_ =	shalt  }
0x75: {  	_ =	shalt  }
0x76: {  	_ =	shalt  }
0x77: {  	_ =	shalt  }
0x78: {  	_ =	shalt  }
0x79: {  	_ =	shalt  }
0x7a: {  	_ =	shalt  }
0x7b: {  	_ =	shalt  }
0x7c: {  	_ =	shalt  }
0x7d: {  	_ =	shalt  }
0x7e: {  	_ =	shalt  }
0x7f: {  	_ =	shalt  }
0x80: {  	_ =	shalt  }
0x81: {  	_ =	shalt  }
0x82: {  	_ =	shalt  }
0x83: {  	_ =	shalt  }
0x84: {  	_ =	shalt  }
0x85: {  	_ =	shalt  }
0x86: {  	_ =	shalt  }
0x87: {  	_ =	shalt  }
.Lfunc_end0:
.L_simem_size_0:
called_computation_lowered:
.L_overlay_start_0:
0x88: {  	s2 =	sld [smem:$0x3FD9]  }
0x89: {  	s3 =	sld [smem:$0x3FFE];
	_ =	sdelay $0x1  }
0x8a: {  	s1 =	srdreg.scid  }
0x8b: {  	s0 =	sand.u32 $0x1, s1  }
0x8c: {  	s17 =	sshll.u32 s0, $0xA;
	s2 =	sadd.s32 s3, s2  }
0x8d: {  	s2 =	sadd.s32 s2, s17  }
0x8e: {  	[smem:$0x3FC3] =	sst s2  }
0x8f: {  	_ = 	snop  }
0x90: {  	s2 =	sld [smem:$0x3FC9]  }
0x91: {  	s18 =	sld [smem:$0x3FC8]  }
0x92: {  	s4 =	sld [smem:$0x3FC7]  }
0x93: {  	s5 =	sld [smem:$0x3FC6]  }
0x94: {  	s6 =	sld [smem:$0x3FC5];
	(tm) =	ssettm $0x1  }
0x95: {  	s7 =	sld [smem:$0x3FFB];
	_ =	sdelay $0x3  }
0x96: {  	_ =	strace s7  }
0x97: {  	s7 =	sld [smem:$0x3FFC];
	_ =	sdelay $0x3  }
0x98: {  	_ =	strace s7  }
0x99: {  	s7 =	sld [smem:$0x3FFD];
	_ =	sdelay $0x3  }
0x9a: {  	_ =	strace s7  }
0x9b: {  	_ =	strace $0x8FFFFFFF  }
0x9c: {  	s19 =	sld [smem:$0x3FDB];
	_ =	sdelay $0x1  }
0x9d: {  	s8 =	simm.s32 $_scs_section_size  }
0x9e: {  	s9 =	simm.s32 $_size__tile_overlayer_lowered;
	s10 =	simm.s32 $_tile_overlayer_lowered  }
0x9f: {  	s22 =	simm.s32 $0x1BFF;
	s21 =	sshll.u32 s10, $0x1;
	s7 =	sadd.s32 s8, s19  }
0xa0: {  	s11 =	simm.s32 $0x0;
	s20 =	sshll.u32 s9, $0x1;
	s9 =	sadd.s32 s21, s7  }
0xa1: {  	[timem:s11], [sflag:s22] =	dma.local [hbm:s9], s20  }
0xa2: {  	_ =	swait.ge [sflag:s22], s20  }
0xa3: {  	s8 =	ssub.s32 $0x0, s20;
	[sflag:s22] =	ssyncset.done $0x0  }
0xa4: {  	[sflag:s22] =	ssyncadd.s32 s8;
	_ =	sdelay $0x1  }
0xa5: {  	s23 =	simm.s32 $0x1B8B  }
0xa6: {  	_ =	swait.ge [sflag:s23], $0x1  }
0xa7: {  	[sflag:s23] =	ssyncset.done $0x0  }
0xa8: {  	s25 =	simm.s32 $0x1B8E;
	s24 =	sld [smem:$0x3FFE];
	[sflag:s23] =	ssyncadd.s32 $0xFFFFFFFF  }
0xa9: {  	s26 =	simm.s32 $execute0_lowered;
	[smem:$0x3FD2] =	sst s25  }
0xaa: {  	s9 =	sshll.u32 s26, $0x1;
	_ =	strace $0x80000046;
	[dreg:$0x1] =	wrdreg $0xFFFFFFFF  }
0xab: {  	s28 =	simm.s32 $_size_execute0_lowered;
	s7 =	sadd.s32 s7, s9;
	[dreg:$0x0] =	wrdreg $0x0  }
0xac: {  	s9 =	sshll.u32 s28, $0x1;
	[dreg:$0x2] =	wrdreg s7  }
0xad: {  	[dreg:$0x3] =	wrdreg s9  }
0xae: {  	[dreg:$0x4] =	wrdreg $0xC0  }
0xaf: {  	_ =	task [dreg:s11], $0x5FFFF  }
0xb0: {  	[dreg:$0x1] =	wrdreg $0xFFFFFFFF  }
0xb1: {  	[dreg:$0x0] =	wrdreg $0x60  }
0xb2: {  	[dreg:$0x2] =	wrdreg s2  }
0xb3: {  	[dreg:$0x3] =	wrdreg s18  }
0xb4: {  	[dreg:$0x4] =	wrdreg s4  }
0xb5: {  	[dreg:$0x5] =	wrdreg s5  }
0xb6: {  	[dreg:$0x6] =	wrdreg s6  }
0xb7: {  	[dreg:$0x7] =	wrdreg s24  }
0xb8: {  	[dreg:$0x8] =	wrdreg $0x9  }
0xb9: {  	_ =	task.clear_ibuf [dreg:s11], $0x9FFFF;
	_ =	strace $0x90000046  }
0xba: {  	s29 =	simm.s32 $0x9;
	_ =	strace $0x80000048  }
0xbb: {  	_ =	swait.ge [sflag:s29], $0x1  }
0xbc: {  	[sflag:s29] =	ssyncadd.s32 $0xFFFFFFFF  }
0xbd: {  	_ =	strace $0x90000048  }
0xbe: {  	_ =	sfence  }
0xbf: {  	s30 =	sld [smem:$0x0];
	_ =	sdelay $0x2  }
0xc0: {  	s31 =	sshll.u32 s1, $0xD;
	s1 =	sshrl.u32 s1, $0x2  }
0xc1: {  	s3 =	sand.u32 $0x4000, s31;
	s1 =	sadd.s32 s1, s30  }
0xc2: {  	s0 =	sor.u32 s3, s0;
	s1 =	sshll.u32 s1, $0x11  }
0xc3: {  	s0 =	sor.u32 s1, s0  }
0xc4: {  	s0 =	sadd.s32 $0x8F2B, s0  }
0xc5: {  	[sflag:s0] =	ssyncadd.remote.s32 $0x1  }
0xc6: {  	_ =	sfence.sel $0xFFFF  }
0xc7: {  	[dreg:$0x0] =	wrdreg $0xFFFFFFFF;
	(pc) =	sbr.abs _section_cstart, $3  }
0xc8: {  	[dreg:$0x1] =	wrdreg $0xFFFFFFFF  }
0xc9: {  	_ =	task.clear_ibuf [dreg:s11], $0x2FFFF;
	_ =	strace $0x9FFFFFFF  }
0xca: {  	(tm) =	ssettm $0x7FFFFFFF  }
0xcb: {  	_ =	shalt  }
tec
execute0_lowered:
.L_overlay_start_1:
0x0: {  	(tag) =	ssettag $0x1  }
0x1: {  	s0 =	rddreg [dreg:$0x0]  }
0x2: {  	s3 =	rddreg [dreg:$0x1]  }
0x3: {  	s7 =	rddreg [dreg:$0x2]  }
0x4: {  	s1 =	rddreg [dreg:$0x3]  }
0x5: {  	s2 =	rddreg [dreg:$0x4]  }
0x6: {  	s5 =	rddreg [dreg:$0x5]  }
0x7: {  	s4 =	simm.s32 $0x0;
	s6 =	srdreg.scid;
	s8 =	stileid.u32  }
0x8: {  	s12 =	simm.s32 $0x200;
	s13 =	simm.s32 $0x400;
	s14 =	simm.s32 $0x1  }
0x9: {  	s15 =	simm.s32 $0x7A1400;
	s16 =	simm.s32 $0x600;
	s17 =	simm.s32 $0x8600  }
0xa: {  	s18 =	simm.s32 $0x10600;
	s23 =	simm.s32 $0x7600;
	s24 =	simm.s32 $0xF600  }
0xb: {  	s25 =	simm.s32 $0x17600;
	s28 =	simm.s32 $0x3;
	s29 =	simm.s32 $0x18600  }
0xc: {  	s30 =	simm.s32 $0x18800;
	s31 =	simm.s32 $0x0;
	s6 =	sand.u32 $0x1, s6  }
0xd: {  	[smem:$0x7FF] =	sst s4;
	s8 =	sshll.u32 s8, $0x7;
	s9 =	sshll.u32 s6, $0x6  }
.Ltmp0:
0xe: {  	s6 =	ssub.s32 $0x2, s6;
	s8 =	sor.u32 s9, s8;
	(pc) =	sbr.rel .LBB2_1-.Ltmp0, $4  }
0xf: {  	v0 =	vlaneseq.u32;
	_ =	strace $0x80000047;
	s26 =	sshrl.u32 s6, $0x1;
	s10 =	sadd.s32 s8, s5  }
0x10: {  	v1 =	vimm.s32 $0x1;
	v2 =	vimm.s32 $0x2;
	v3 =	vmul.u32 $0x80, v0;
	s11 =	ssub.s32 s6, s26;
	s5 =	sadd.s32 s0, s8;
	s6 =	sadd.s32 s3, s8  }
0x11: {  	v4 =	vimm.s32 $0x3;
	v5 =	vimm.s32 $0x4;
	v6 =	vimm.s32 $0x5;
	s7 =	sadd.s32 s7, s8;
	s26 =	simm.s32 $0x2;
	s8 =	sadd.s32 $0xC00, s10  }
0x12: {  	v7 =	vimm.s32 $0x6;
	v8 =	vimm.s32 $0x7;
	v9 =	vor.u32 $0x800, v3;
	s9 =	sadd.s32 $0x1400, s10;
	s10 =	smax.u32 s11, $0x1;
	s11 =	simm.s32 $0x4  }
.LBB2_5:
0x13: {  	[hbm4b:s8+s4] =	stream.linear.scatter [tilespmem:s29], [sflag:$0x4], $0x200, $0x38;
	[tilespmem:$0x18A00] =	vst v63  }
0x14: {  	s31 =	sadd.s32 $0x1, s31;
	_ =	swait.ge [sflag:s11], $0x200  }
0x15: {  	p0 =	sne.s32 s31, s10;
	[sflag:s11] =	ssyncset.done $0x0  }
.Ltmp1:
0x16: {  	[sflag:s11] =	ssyncadd.s32 $0xFFFFFE00;
	(pc) =	sbr.rel @!p0 .LBB2_6-.Ltmp1, $4  }
0x17: {  	[hbm4b:s9+s4] =	stream.linear.scatter [tilespmem:s30], [sflag:$0x4], $0x200, $0x38;
	[tilespmem:$0x18A00] =	vst v63  }
0x18: {  	_ =	swait.ge [sflag:s11], $0x200  }
0x19: {  	[sflag:s11] =	ssyncset.done $0x0  }
0x1a: {  	[sflag:s11] =	ssyncadd.s32 $0xFFFFFE00  }
.LBB2_1:
0x1b: {  	[tilespmem:s4], [sflag:$0x4] =	stream.linear.gather [hbm4b:s5+s4], $0x200, $0x38;
	[tilespmem:$0x18A00] =	vst v63  }
0x1c: {  	_ =	swait.ge [sflag:s11], $0x200  }
0x1d: {  	[sflag:s11] =	ssyncset.done $0x0  }
0x1e: {  	[sflag:s11] =	ssyncadd.s32 $0xFFFFFE00  }
0x1f: {  	[tilespmem:s12], [sflag:$0x4] =	stream.linear.gather [hbm4b:s6+s4], $0x200, $0x38;
	[tilespmem:$0x18A00] =	vst v63  }
0x20: {  	_ =	swait.ge [sflag:s11], $0x200  }
0x21: {  	[sflag:s11] =	ssyncset.done $0x0  }
0x22: {  	[sflag:s11] =	ssyncadd.s32 $0xFFFFFE00  }
0x23: {  	[tilespmem:s13], [sflag:$0x4] =	stream.linear.gather [hbm4b:s7+s4], $0x200, $0x38;
	[tilespmem:$0x18A00] =	vst v63  }
0x24: {  	_ =	swait.ge [sflag:s11], $0x200  }
0x25: {  	[sflag:s11] =	ssyncset.done $0x0  }
0x26: {  	[sflag:s11] =	ssyncadd.s32 $0xFFFFFE00  }
0x27: {  	v10 =	vld.msk [tilespmem:s13+$0x0], $0xffff  }
0x28: {  	v11 =	vld.msk [tilespmem:s4+$0x0], $0xffff;
	_ =	sdelay $0x3  }
0x29: {  	(v2sf) =	vpush v10, $0x0  }
0x2a: {  	(v2sf) =	vpush v11, $0x0  }
0x2b: {  	v10 =	vld.msk [tilespmem:s12+$0x0], $0xffff;
	_ =	sdelay $0x4  }
0x2c: {  	(v2sf) =	vpush v10, $0x0;
	_ =	sdelay $0x7  }
0x2d: {  	s0 =	spop (v2sf)  }
0x2e: {  	s3 =	spop (v2sf)  }
0x2f: {  	s19 =	sand.u32 $0x7F, s3  }
0x30: {  	s22 =	sshra.s32 s3, $0x1F;
	p1 =	slt.s32 s3, $0x1;
	p0 =	sne.s32 s19, $0x0  }
0x31: {  	s19 =	sshrl.u32 s22, $0x19;
	p0 =	por !p1, !p0  }
0x32: {  	s3 =	sadd.s32 s19, s3;
	s19 =	simm.s32 $0x1;
	p0 =	por !p0, !p0  }
0x33: {  	s3 =	sshrl.u32 s3, $0x7;
	s19 =	simm.s32 @!p0 $0x0  }
0x34: {  	s20 =	spop (v2sf);
	s3 =	ssub.s32 s3, s19  }
0x35: {  	s21 =	sand.u32 $0x7F, s20;
	s22 =	sshra.s32 s20, $0x1F;
	s3 =	sshll.u32 s3, $0x7  }
0x36: {  	p4 =	slt.s32 s20, $0x1;
	p3 =	sne.s32 s21, $0x0;
	s3 =	sand.u32 $0x1FFFFF80, s3  }
0x37: {  	s19 =	sshrl.u32 s22, $0x19;
	p0 =	por !p4, !p3;
	s3 =	sadd.s32 s1, s3  }
0x38: {  	[tilespmem:s16], [sflag:$0x1] =	stream.strided.gather [hbm4b:s3+s13], $0x1000, s15, s13, $0x38;
	[tilespmem:$0x18A00] =	vst v63  }
0x39: {  	p0 =	por !p0, !p0;
	s3 =	sadd.s32 s19, s20;
	s19 =	simm.s32 $0x1  }
0x3a: {  	s3 =	sshrl.u32 s3, $0x7;
	s19 =	simm.s32 @!p0 $0x0  }
0x3b: {  	s3 =	ssub.s32 s3, s19  }
0x3c: {  	p5 =	slt.s32 s0, $0x1;
	s19 =	sand.u32 $0x7F, s0;
	s3 =	sshll.u32 s3, $0x7  }
0x3d: {  	s20 =	sshra.s32 s0, $0x1F;
	p6 =	sne.s32 s19, $0x0;
	s3 =	sand.u32 $0x1FFFFF80, s3  }
0x3e: {  	s21 =	sshrl.u32 s20, $0x19;
	p0 =	por !p5, !p6;
	s3 =	sadd.s32 s2, s3  }
0x3f: {  	[tilespmem:s17], [sflag:$0x2] =	stream.strided.gather [hbm4b:s3+s13], $0x1000, s15, s13, $0x38;
	[tilespmem:$0x18A00] =	vst v63  }
0x40: {  	s0 =	sadd.s32 s21, s0;
	p0 =	por !p0, !p0;
	s3 =	simm.s32 $0x1  }
0x41: {  	s0 =	sshrl.u32 s0, $0x7;
	s3 =	simm.s32 @!p0 $0x0  }
0x42: {  	s0 =	ssub.s32 s0, s3  }
0x43: {  	s0 =	sshll.u32 s0, $0x7  }
0x44: {  	s0 =	sand.u32 $0x1FFFFF80, s0  }
0x45: {  	s0 =	sadd.s32 s2, s0  }
0x46: {  	[tilespmem:s18], [sflag:$0x3] =	stream.strided.gather [hbm4b:s0+s13], $0x1000, s15, s13, $0x38;
	[tilespmem:$0x18A00] =	vst v63  }
0x47: {  	v10 =	vld.idx.msk [tilespmem:v1+s13+$0x0], $0xffff  }
0x48: {  	v11 =	vld.idx.msk [tilespmem:v1+s4+$0x0], $0xffff;
	_ =	sdelay $0x3  }
0x49: {  	(v2sf) =	vpush v10, $0x0  }
0x4a: {  	(v2sf) =	vpush v11, $0x0;
	_ =	sdelay $0x2  }
0x4b: {  	v10 =	vld.idx.msk [tilespmem:v1+s12+$0x0], $0xffff;
	_ =	sdelay $0x4  }
0x4c: {  	(v2sf) =	vpush v10, $0x0;
	_ =	sdelay $0x5  }
0x4d: {  	s0 =	spop (v2sf)  }
0x4e: {  	s22 =	spop (v2sf)  }
0x4f: {  	s20 =	sand.u32 $0x7F, s22  }
0x50: {  	s21 =	sshra.s32 s22, $0x1F;
	p2 =	slt.s32 s22, $0x1;
	p1 =	sne.s32 s20, $0x0  }
0x51: {  	s19 =	sshrl.u32 s21, $0x19;
	p0 =	por !p2, !p1  }
0x52: {  	s3 =	sadd.s32 s19, s22;
	s19 =	simm.s32 $0x1;
	p0 =	por !p0, !p0  }
0x53: {  	s3 =	sshrl.u32 s3, $0x7;
	s19 =	simm.s32 @!p0 $0x0  }
0x54: {  	s3 =	ssub.s32 s3, s19  }
0x55: {  	s3 =	sshll.u32 s3, $0x7  }
0x56: {  	s20 =	spop (v2sf);
	s3 =	sand.u32 $0x1FFFFF80, s3  }
0x57: {  	s22 =	simm.s32 $0x1600;
	s21 =	sand.u32 $0x7F, s20;
	s3 =	sadd.s32 s1, s3  }
0x58: {  	[tilespmem:s22], [sflag:$0x1] =	stream.strided.gather [hbm4b:s3+s13], $0x1000, s15, s13, $0x38;
	[tilespmem:$0x18A00] =	vst v63  }
0x59: {  	p4 =	slt.s32 s20, $0x1;
	p3 =	sne.s32 s21, $0x0;
	s22 =	sshra.s32 s20, $0x1F  }
0x5a: {  	p0 =	por !p4, !p3;
	s19 =	sshrl.u32 s22, $0x19  }
0x5b: {  	p0 =	por !p0, !p0;
	s3 =	sadd.s32 s19, s20;
	s19 =	simm.s32 $0x1  }
0x5c: {  	s3 =	sshrl.u32 s3, $0x7;
	s19 =	simm.s32 @!p0 $0x0  }
0x5d: {  	s3 =	ssub.s32 s3, s19  }
0x5e: {  	s21 =	sand.u32 $0x7F, s0;
	s3 =	sshll.u32 s3, $0x7  }
0x5f: {  	p5 =	slt.s32 s0, $0x1;
	p6 =	sne.s32 s21, $0x0;
	s3 =	sand.u32 $0x1FFFFF80, s3  }
0x60: {  	s22 =	sshra.s32 s0, $0x1F;
	s20 =	simm.s32 $0x9600;
	s3 =	sadd.s32 s2, s3  }
0x61: {  	[tilespmem:s20], [sflag:$0x2] =	stream.strided.gather [hbm4b:s3+s13], $0x1000, s15, s13, $0x38;
	[tilespmem:$0x18A00] =	vst v63  }
0x62: {  	p0 =	por !p5, !p6;
	s20 =	sshrl.u32 s22, $0x19  }
0x63: {  	p0 =	por !p0, !p0;
	s3 =	simm.s32 $0x1;
	s0 =	sadd.s32 s20, s0  }
0x64: {  	s3 =	simm.s32 @!p0 $0x0;
	s0 =	sshrl.u32 s0, $0x7  }
0x65: {  	s0 =	ssub.s32 s0, s3  }
0x66: {  	s0 =	sshll.u32 s0, $0x7  }
0x67: {  	s0 =	sand.u32 $0x1FFFFF80, s0  }
0x68: {  	s21 =	simm.s32 $0x11600;
	s0 =	sadd.s32 s2, s0  }
0x69: {  	[tilespmem:s21], [sflag:$0x3] =	stream.strided.gather [hbm4b:s0+s13], $0x1000, s15, s13, $0x38;
	[tilespmem:$0x18A00] =	vst v63  }
0x6a: {  	v10 =	vld.idx.msk [tilespmem:v2+s13+$0x0], $0xffff  }
0x6b: {  	v11 =	vld.idx.msk [tilespmem:v2+s4+$0x0], $0xffff;
	_ =	sdelay $0x3  }
0x6c: {  	(v2sf) =	vpush v10, $0x0  }
0x6d: {  	(v2sf) =	vpush v11, $0x0;
	_ =	sdelay $0x2  }
0x6e: {  	v10 =	vld.idx.msk [tilespmem:v2+s12+$0x0], $0xffff;
	_ =	sdelay $0x4  }
0x6f: {  	(v2sf) =	vpush v10, $0x0;
	_ =	sdelay $0x5  }
0x70: {  	s0 =	spop (v2sf)  }
0x71: {  	s22 =	spop (v2sf)  }
0x72: {  	s20 =	sand.u32 $0x7F, s22  }
0x73: {  	s21 =	sshra.s32 s22, $0x1F;
	p2 =	slt.s32 s22, $0x1;
	p1 =	sne.s32 s20, $0x0  }
0x74: {  	s19 =	sshrl.u32 s21, $0x19;
	p0 =	por !p2, !p1  }
0x75: {  	s3 =	sadd.s32 s19, s22;
	s19 =	simm.s32 $0x1;
	p0 =	por !p0, !p0  }
0x76: {  	s3 =	sshrl.u32 s3, $0x7;
	s19 =	simm.s32 @!p0 $0x0  }
0x77: {  	s3 =	ssub.s32 s3, s19  }
0x78: {  	s3 =	sshll.u32 s3, $0x7  }
0x79: {  	s20 =	spop (v2sf);
	s3 =	sand.u32 $0x1FFFFF80, s3  }
0x7a: {  	s22 =	simm.s32 $0x2600;
	s21 =	sand.u32 $0x7F, s20;
	s3 =	sadd.s32 s1, s3  }
0x7b: {  	[tilespmem:s22], [sflag:$0x1] =	stream.strided.gather [hbm4b:s3+s13], $0x1000, s15, s13, $0x38;
	[tilespmem:$0x18A00] =	vst v63  }
0x7c: {  	p4 =	slt.s32 s20, $0x1;
	p3 =	sne.s32 s21, $0x0;
	s22 =	sshra.s32 s20, $0x1F  }
0x7d: {  	p0 =	por !p4, !p3;
	s19 =	sshrl.u32 s22, $0x19  }
0x7e: {  	p0 =	por !p0, !p0;
	s3 =	sadd.s32 s19, s20;
	s19 =	simm.s32 $0x1  }
0x7f: {  	s3 =	sshrl.u32 s3, $0x7;
	s19 =	simm.s32 @!p0 $0x0  }
0x80: {  	s3 =	ssub.s32 s3, s19  }
0x81: {  	s21 =	sand.u32 $0x7F, s0;
	s3 =	sshll.u32 s3, $0x7  }
0x82: {  	p5 =	slt.s32 s0, $0x1;
	p6 =	sne.s32 s21, $0x0;
	s3 =	sand.u32 $0x1FFFFF80, s3  }
0x83: {  	s22 =	sshra.s32 s0, $0x1F;
	s20 =	simm.s32 $0xA600;
	s3 =	sadd.s32 s2, s3  }
0x84: {  	[tilespmem:s20], [sflag:$0x2] =	stream.strided.gather [hbm4b:s3+s13], $0x1000, s15, s13, $0x38;
	[tilespmem:$0x18A00] =	vst v63  }
0x85: {  	p0 =	por !p5, !p6;
	s20 =	sshrl.u32 s22, $0x19  }
0x86: {  	p0 =	por !p0, !p0;
	s3 =	simm.s32 $0x1;
	s0 =	sadd.s32 s20, s0  }
0x87: {  	s3 =	simm.s32 @!p0 $0x0;
	s0 =	sshrl.u32 s0, $0x7  }
0x88: {  	s0 =	ssub.s32 s0, s3  }
0x89: {  	s0 =	sshll.u32 s0, $0x7  }
0x8a: {  	s0 =	sand.u32 $0x1FFFFF80, s0  }
0x8b: {  	s21 =	simm.s32 $0x12600;
	s0 =	sadd.s32 s2, s0  }
0x8c: {  	[tilespmem:s21], [sflag:$0x3] =	stream.strided.gather [hbm4b:s0+s13], $0x1000, s15, s13, $0x38;
	[tilespmem:$0x18A00] =	vst v63  }
0x8d: {  	v10 =	vld.idx.msk [tilespmem:v4+s13+$0x0], $0xffff  }
0x8e: {  	v11 =	vld.idx.msk [tilespmem:v4+s4+$0x0], $0xffff;
	_ =	sdelay $0x3  }
0x8f: {  	(v2sf) =	vpush v10, $0x0  }
0x90: {  	(v2sf) =	vpush v11, $0x0;
	_ =	sdelay $0x2  }
0x91: {  	v10 =	vld.idx.msk [tilespmem:v4+s12+$0x0], $0xffff;
	_ =	sdelay $0x4  }
0x92: {  	(v2sf) =	vpush v10, $0x0;
	_ =	sdelay $0x5  }
0x93: {  	s0 =	spop (v2sf)  }
0x94: {  	s22 =	spop (v2sf)  }
0x95: {  	s20 =	sand.u32 $0x7F, s22  }
0x96: {  	s21 =	sshra.s32 s22, $0x1F;
	p2 =	slt.s32 s22, $0x1;
	p1 =	sne.s32 s20, $0x0  }
0x97: {  	s19 =	sshrl.u32 s21, $0x19;
	p0 =	por !p2, !p1  }
0x98: {  	s3 =	sadd.s32 s19, s22;
	s19 =	simm.s32 $0x1;
	p0 =	por !p0, !p0  }
0x99: {  	s3 =	sshrl.u32 s3, $0x7;
	s19 =	simm.s32 @!p0 $0x0  }
0x9a: {  	s3 =	ssub.s32 s3, s19  }
0x9b: {  	s3 =	sshll.u32 s3, $0x7  }
0x9c: {  	s20 =	spop (v2sf);
	s3 =	sand.u32 $0x1FFFFF80, s3  }
0x9d: {  	s22 =	simm.s32 $0x3600;
	s21 =	sand.u32 $0x7F, s20;
	s3 =	sadd.s32 s1, s3  }
0x9e: {  	[tilespmem:s22], [sflag:$0x1] =	stream.strided.gather [hbm4b:s3+s13], $0x1000, s15, s13, $0x38;
	[tilespmem:$0x18A00] =	vst v63  }
0x9f: {  	p4 =	slt.s32 s20, $0x1;
	p3 =	sne.s32 s21, $0x0;
	s22 =	sshra.s32 s20, $0x1F  }
0xa0: {  	p0 =	por !p4, !p3;
	s19 =	sshrl.u32 s22, $0x19  }
0xa1: {  	p0 =	por !p0, !p0;
	s3 =	sadd.s32 s19, s20;
	s19 =	simm.s32 $0x1  }
0xa2: {  	s3 =	sshrl.u32 s3, $0x7;
	s19 =	simm.s32 @!p0 $0x0  }
0xa3: {  	s3 =	ssub.s32 s3, s19  }
0xa4: {  	s21 =	sand.u32 $0x7F, s0;
	s3 =	sshll.u32 s3, $0x7  }
0xa5: {  	p5 =	slt.s32 s0, $0x1;
	p6 =	sne.s32 s21, $0x0;
	s3 =	sand.u32 $0x1FFFFF80, s3  }
0xa6: {  	s22 =	sshra.s32 s0, $0x1F;
	s20 =	simm.s32 $0xB600;
	s3 =	sadd.s32 s2, s3  }
0xa7: {  	[tilespmem:s20], [sflag:$0x2] =	stream.strided.gather [hbm4b:s3+s13], $0x1000, s15, s13, $0x38;
	[tilespmem:$0x18A00] =	vst v63  }
0xa8: {  	p0 =	por !p5, !p6;
	s20 =	sshrl.u32 s22, $0x19  }
0xa9: {  	p0 =	por !p0, !p0;
	s3 =	simm.s32 $0x1;
	s0 =	sadd.s32 s20, s0  }
0xaa: {  	s3 =	simm.s32 @!p0 $0x0;
	s0 =	sshrl.u32 s0, $0x7  }
0xab: {  	s0 =	ssub.s32 s0, s3  }
0xac: {  	s0 =	sshll.u32 s0, $0x7  }
0xad: {  	s0 =	sand.u32 $0x1FFFFF80, s0  }
0xae: {  	s21 =	simm.s32 $0x13600;
	s0 =	sadd.s32 s2, s0  }
0xaf: {  	[tilespmem:s21], [sflag:$0x3] =	stream.strided.gather [hbm4b:s0+s13], $0x1000, s15, s13, $0x38;
	[tilespmem:$0x18A00] =	vst v63  }
0xb0: {  	v10 =	vld.idx.msk [tilespmem:v5+s13+$0x0], $0xffff  }
0xb1: {  	v11 =	vld.idx.msk [tilespmem:v5+s4+$0x0], $0xffff;
	_ =	sdelay $0x3  }
0xb2: {  	(v2sf) =	vpush v10, $0x0  }
0xb3: {  	(v2sf) =	vpush v11, $0x0;
	_ =	sdelay $0x2  }
0xb4: {  	v10 =	vld.idx.msk [tilespmem:v5+s12+$0x0], $0xffff;
	_ =	sdelay $0x4  }
0xb5: {  	(v2sf) =	vpush v10, $0x0;
	_ =	sdelay $0x5  }
0xb6: {  	s0 =	spop (v2sf)  }
0xb7: {  	s22 =	spop (v2sf)  }
0xb8: {  	s20 =	sand.u32 $0x7F, s22  }
0xb9: {  	s21 =	sshra.s32 s22, $0x1F;
	p2 =	slt.s32 s22, $0x1;
	p1 =	sne.s32 s20, $0x0  }
0xba: {  	s19 =	sshrl.u32 s21, $0x19;
	p0 =	por !p2, !p1  }
0xbb: {  	s3 =	sadd.s32 s19, s22;
	s19 =	simm.s32 $0x1;
	p0 =	por !p0, !p0  }
0xbc: {  	s3 =	sshrl.u32 s3, $0x7;
	s19 =	simm.s32 @!p0 $0x0  }
0xbd: {  	s3 =	ssub.s32 s3, s19  }
0xbe: {  	s3 =	sshll.u32 s3, $0x7  }
0xbf: {  	s20 =	spop (v2sf);
	s3 =	sand.u32 $0x1FFFFF80, s3  }
0xc0: {  	s22 =	simm.s32 $0x4600;
	s21 =	sand.u32 $0x7F, s20;
	s3 =	sadd.s32 s1, s3  }
0xc1: {  	[tilespmem:s22], [sflag:$0x1] =	stream.strided.gather [hbm4b:s3+s13], $0x1000, s15, s13, $0x38;
	[tilespmem:$0x18A00] =	vst v63  }
0xc2: {  	p4 =	slt.s32 s20, $0x1;
	p3 =	sne.s32 s21, $0x0;
	s22 =	sshra.s32 s20, $0x1F  }
0xc3: {  	p0 =	por !p4, !p3;
	s19 =	sshrl.u32 s22, $0x19  }
0xc4: {  	p0 =	por !p0, !p0;
	s3 =	sadd.s32 s19, s20;
	s19 =	simm.s32 $0x1  }
0xc5: {  	s3 =	sshrl.u32 s3, $0x7;
	s19 =	simm.s32 @!p0 $0x0  }
0xc6: {  	s3 =	ssub.s32 s3, s19  }
0xc7: {  	s21 =	sand.u32 $0x7F, s0;
	s3 =	sshll.u32 s3, $0x7  }
0xc8: {  	p5 =	slt.s32 s0, $0x1;
	p6 =	sne.s32 s21, $0x0;
	s3 =	sand.u32 $0x1FFFFF80, s3  }
0xc9: {  	s22 =	sshra.s32 s0, $0x1F;
	s20 =	simm.s32 $0xC600;
	s3 =	sadd.s32 s2, s3  }
0xca: {  	[tilespmem:s20], [sflag:$0x2] =	stream.strided.gather [hbm4b:s3+s13], $0x1000, s15, s13, $0x38;
	[tilespmem:$0x18A00] =	vst v63  }
0xcb: {  	p0 =	por !p5, !p6;
	s20 =	sshrl.u32 s22, $0x19  }
0xcc: {  	p0 =	por !p0, !p0;
	s3 =	simm.s32 $0x1;
	s0 =	sadd.s32 s20, s0  }
0xcd: {  	s3 =	simm.s32 @!p0 $0x0;
	s0 =	sshrl.u32 s0, $0x7  }
0xce: {  	s0 =	ssub.s32 s0, s3  }
0xcf: {  	s0 =	sshll.u32 s0, $0x7  }
0xd0: {  	s0 =	sand.u32 $0x1FFFFF80, s0  }
0xd1: {  	s21 =	simm.s32 $0x14600;
	s0 =	sadd.s32 s2, s0  }
0xd2: {  	[tilespmem:s21], [sflag:$0x3] =	stream.strided.gather [hbm4b:s0+s13], $0x1000, s15, s13, $0x38;
	[tilespmem:$0x18A00] =	vst v63  }
0xd3: {  	v10 =	vld.idx.msk [tilespmem:v6+s13+$0x0], $0xffff  }
0xd4: {  	v11 =	vld.idx.msk [tilespmem:v6+s4+$0x0], $0xffff;
	_ =	sdelay $0x3  }
0xd5: {  	(v2sf) =	vpush v10, $0x0  }
0xd6: {  	(v2sf) =	vpush v11, $0x0;
	_ =	sdelay $0x2  }
0xd7: {  	v10 =	vld.idx.msk [tilespmem:v6+s12+$0x0], $0xffff;
	_ =	sdelay $0x4  }
0xd8: {  	(v2sf) =	vpush v10, $0x0;
	_ =	sdelay $0x5  }
0xd9: {  	s0 =	spop (v2sf)  }
0xda: {  	s22 =	spop (v2sf)  }
0xdb: {  	s20 =	sand.u32 $0x7F, s22  }
0xdc: {  	s21 =	sshra.s32 s22, $0x1F;
	p2 =	slt.s32 s22, $0x1;
	p1 =	sne.s32 s20, $0x0  }
0xdd: {  	s19 =	sshrl.u32 s21, $0x19;
	p0 =	por !p2, !p1  }
0xde: {  	s3 =	sadd.s32 s19, s22;
	s19 =	simm.s32 $0x1;
	p0 =	por !p0, !p0  }
0xdf: {  	s3 =	sshrl.u32 s3, $0x7;
	s19 =	simm.s32 @!p0 $0x0  }
0xe0: {  	s3 =	ssub.s32 s3, s19  }
0xe1: {  	s3 =	sshll.u32 s3, $0x7  }
0xe2: {  	s20 =	spop (v2sf);
	s3 =	sand.u32 $0x1FFFFF80, s3  }
0xe3: {  	s22 =	simm.s32 $0x5600;
	s21 =	sand.u32 $0x7F, s20;
	s3 =	sadd.s32 s1, s3  }
0xe4: {  	[tilespmem:s22], [sflag:$0x1] =	stream.strided.gather [hbm4b:s3+s13], $0x1000, s15, s13, $0x38;
	[tilespmem:$0x18A00] =	vst v63  }
0xe5: {  	p4 =	slt.s32 s20, $0x1;
	p3 =	sne.s32 s21, $0x0;
	s22 =	sshra.s32 s20, $0x1F  }
0xe6: {  	p0 =	por !p4, !p3;
	s19 =	sshrl.u32 s22, $0x19  }
0xe7: {  	p0 =	por !p0, !p0;
	s3 =	sadd.s32 s19, s20;
	s19 =	simm.s32 $0x1  }
0xe8: {  	s3 =	sshrl.u32 s3, $0x7;
	s19 =	simm.s32 @!p0 $0x0  }
0xe9: {  	s3 =	ssub.s32 s3, s19  }
0xea: {  	s21 =	sand.u32 $0x7F, s0;
	s3 =	sshll.u32 s3, $0x7  }
0xeb: {  	p5 =	slt.s32 s0, $0x1;
	p6 =	sne.s32 s21, $0x0;
	s3 =	sand.u32 $0x1FFFFF80, s3  }
0xec: {  	s22 =	sshra.s32 s0, $0x1F;
	s20 =	simm.s32 $0xD600;
	s3 =	sadd.s32 s2, s3  }
0xed: {  	[tilespmem:s20], [sflag:$0x2] =	stream.strided.gather [hbm4b:s3+s13], $0x1000, s15, s13, $0x38;
	[tilespmem:$0x18A00] =	vst v63  }
0xee: {  	p0 =	por !p5, !p6;
	s20 =	sshrl.u32 s22, $0x19  }
0xef: {  	p0 =	por !p0, !p0;
	s3 =	simm.s32 $0x1;
	s0 =	sadd.s32 s20, s0  }
0xf0: {  	s3 =	simm.s32 @!p0 $0x0;
	s0 =	sshrl.u32 s0, $0x7  }
0xf1: {  	s0 =	ssub.s32 s0, s3  }
0xf2: {  	s0 =	sshll.u32 s0, $0x7  }
0xf3: {  	s0 =	sand.u32 $0x1FFFFF80, s0  }
0xf4: {  	s21 =	simm.s32 $0x15600;
	s0 =	sadd.s32 s2, s0  }
0xf5: {  	[tilespmem:s21], [sflag:$0x3] =	stream.strided.gather [hbm4b:s0+s13], $0x1000, s15, s13, $0x38;
	[tilespmem:$0x18A00] =	vst v63  }
0xf6: {  	v10 =	vld.idx.msk [tilespmem:v7+s13+$0x0], $0xffff  }
0xf7: {  	v11 =	vld.idx.msk [tilespmem:v7+s4+$0x0], $0xffff;
	_ =	sdelay $0x3  }
0xf8: {  	(v2sf) =	vpush v10, $0x0  }
0xf9: {  	(v2sf) =	vpush v11, $0x0;
	_ =	sdelay $0x2  }
0xfa: {  	v10 =	vld.idx.msk [tilespmem:v7+s12+$0x0], $0xffff;
	_ =	sdelay $0x4  }
0xfb: {  	(v2sf) =	vpush v10, $0x0;
	_ =	sdelay $0x5  }
0xfc: {  	s0 =	spop (v2sf)  }
0xfd: {  	s22 =	spop (v2sf)  }
0xfe: {  	s20 =	sand.u32 $0x7F, s22  }
0xff: {  	s21 =	sshra.s32 s22, $0x1F;
	p2 =	slt.s32 s22, $0x1;
	p1 =	sne.s32 s20, $0x0  }
0x100: {  	s19 =	sshrl.u32 s21, $0x19;
	p0 =	por !p2, !p1  }
0x101: {  	s3 =	sadd.s32 s19, s22;
	s19 =	simm.s32 $0x1;
	p0 =	por !p0, !p0  }
0x102: {  	s3 =	sshrl.u32 s3, $0x7;
	s19 =	simm.s32 @!p0 $0x0  }
0x103: {  	s3 =	ssub.s32 s3, s19  }
0x104: {  	s3 =	sshll.u32 s3, $0x7  }
0x105: {  	s20 =	spop (v2sf);
	s3 =	sand.u32 $0x1FFFFF80, s3  }
0x106: {  	s22 =	simm.s32 $0x6600;
	s21 =	sand.u32 $0x7F, s20;
	s3 =	sadd.s32 s1, s3  }
0x107: {  	[tilespmem:s22], [sflag:$0x1] =	stream.strided.gather [hbm4b:s3+s13], $0x1000, s15, s13, $0x38;
	[tilespmem:$0x18A00] =	vst v63  }
0x108: {  	p4 =	slt.s32 s20, $0x1;
	p3 =	sne.s32 s21, $0x0;
	s22 =	sshra.s32 s20, $0x1F  }
0x109: {  	p0 =	por !p4, !p3;
	s19 =	sshrl.u32 s22, $0x19  }
0x10a: {  	p0 =	por !p0, !p0;
	s3 =	sadd.s32 s19, s20;
	s19 =	simm.s32 $0x1  }
0x10b: {  	s3 =	sshrl.u32 s3, $0x7;
	s19 =	simm.s32 @!p0 $0x0  }
0x10c: {  	s21 =	sand.u32 $0x7F, s0;
	s3 =	ssub.s32 s3, s19  }
0x10d: {  	p5 =	slt.s32 s0, $0x1;
	p6 =	sne.s32 s21, $0x0;
	s3 =	sshll.u32 s3, $0x7  }
0x10e: {  	s22 =	sshra.s32 s0, $0x1F;
	s20 =	simm.s32 $0xE600;
	s3 =	sand.u32 $0x1FFFFF80, s3  }
0x10f: {  	p0 =	por !p5, !p6;
	s19 =	sshrl.u32 s22, $0x19;
	s3 =	sadd.s32 s2, s3  }
0x110: {  	[tilespmem:s20], [sflag:$0x2] =	stream.strided.gather [hbm4b:s3+s13], $0x1000, s15, s13, $0x38;
	[tilespmem:$0x18A00] =	vst v63  }
0x111: {  	p0 =	por !p0, !p0;
	s0 =	sadd.s32 s19, s0;
	s3 =	simm.s32 $0x1  }
0x112: {  	s0 =	sshrl.u32 s0, $0x7;
	s3 =	simm.s32 @!p0 $0x0  }
0x113: {  	s0 =	ssub.s32 s0, s3  }
0x114: {  	s0 =	sshll.u32 s0, $0x7  }
0x115: {  	s0 =	sand.u32 $0x1FFFFF80, s0  }
0x116: {  	s20 =	simm.s32 $0x16600;
	s0 =	sadd.s32 s2, s0  }
0x117: {  	[tilespmem:s20], [sflag:$0x3] =	stream.strided.gather [hbm4b:s0+s13], $0x1000, s15, s13, $0x38;
	[tilespmem:$0x18A00] =	vst v63  }
0x118: {  	v10 =	vld.idx.msk [tilespmem:v8+s13+$0x0], $0xffff  }
0x119: {  	v11 =	vld.idx.msk [tilespmem:v8+s4+$0x0], $0xffff;
	_ =	sdelay $0x3  }
0x11a: {  	(v2sf) =	vpush v10, $0x0  }
0x11b: {  	(v2sf) =	vpush v11, $0x0  }
0x11c: {  	v10 =	vld.idx.msk [tilespmem:v8+s12+$0x0], $0xffff;
	_ =	sdelay $0x4  }
0x11d: {  	(v2sf) =	vpush v10, $0x0;
	_ =	sdelay $0x7  }
0x11e: {  	s0 =	spop (v2sf)  }
0x11f: {  	s21 =	spop (v2sf)  }
0x120: {  	s22 =	sand.u32 $0x7F, s21  }
0x121: {  	s20 =	sshra.s32 s21, $0x1F;
	p2 =	slt.s32 s21, $0x1;
	p1 =	sne.s32 s22, $0x0  }
0x122: {  	s19 =	sshrl.u32 s20, $0x19;
	p0 =	por !p2, !p1  }
0x123: {  	s3 =	sadd.s32 s19, s21;
	s19 =	simm.s32 $0x1;
	p0 =	por !p0, !p0  }
0x124: {  	s3 =	sshrl.u32 s3, $0x7;
	s19 =	simm.s32 @!p0 $0x0  }
0x125: {  	s21 =	spop (v2sf);
	s3 =	ssub.s32 s3, s19  }
0x126: {  	s22 =	sand.u32 $0x7F, s21;
	s20 =	sshra.s32 s21, $0x1F;
	s3 =	sshll.u32 s3, $0x7  }
0x127: {  	p4 =	slt.s32 s21, $0x1;
	p3 =	sne.s32 s22, $0x0;
	s3 =	sand.u32 $0x1FFFFF80, s3  }
0x128: {  	s19 =	sshrl.u32 s20, $0x19;
	p0 =	por !p4, !p3;
	s3 =	sadd.s32 s1, s3  }
0x129: {  	[tilespmem:s23], [sflag:$0x1] =	stream.strided.gather [hbm4b:s3+s13], $0x1000, s15, s13, $0x38;
	[tilespmem:$0x18A00] =	vst v63  }
0x12a: {  	p0 =	por !p0, !p0;
	s3 =	sadd.s32 s19, s21;
	s19 =	simm.s32 $0x1  }
0x12b: {  	s3 =	sshrl.u32 s3, $0x7;
	s19 =	simm.s32 @!p0 $0x0  }
0x12c: {  	s3 =	ssub.s32 s3, s19  }
0x12d: {  	s3 =	sshll.u32 s3, $0x7  }
0x12e: {  	p6 =	slt.s32 s0, $0x1;
	s21 =	sand.u32 $0x7F, s0;
	s3 =	sand.u32 $0x1FFFFF80, s3  }
0x12f: {  	s22 =	sshra.s32 s0, $0x1F;
	p5 =	sne.s32 s21, $0x0;
	s3 =	sadd.s32 s2, s3  }
0x130: {  	[tilespmem:s24], [sflag:$0x2] =	stream.strided.gather [hbm4b:s3+s13], $0x1000, s15, s13, $0x38;
	[tilespmem:$0x18A00] =	vst v63  }
0x131: {  	p0 =	por !p6, !p5;
	s3 =	sshrl.u32 s22, $0x19  }
0x132: {  	p0 =	por !p0, !p0;
	s0 =	sadd.s32 s3, s0;
	s3 =	simm.s32 $0x1  }
0x133: {  	s0 =	sshrl.u32 s0, $0x7;
	s3 =	simm.s32 @!p0 $0x0  }
0x134: {  	s0 =	ssub.s32 s0, s3  }
.Ltmp2:
0x135: {  	s0 =	sshll.u32 s0, $0x7;
	(pc) =	sbr.rel .LBB2_2-.Ltmp2, $4  }
0x136: {  	s0 =	sand.u32 $0x1FFFFF80, s0  }
0x137: {  	s0 =	sadd.s32 s2, s0  }
0x138: {  	[tilespmem:s25], [sflag:$0x3] =	stream.strided.gather [hbm4b:s0+s13], $0x1000, s15, s13, $0x38;
	[tilespmem:$0x18A00] =	vst v63  }
0x139: {  	v11 =	vimm.f32 $0.0e+00;
	v10 =	vimm.f32 $0.0e+00;
	s0 =	simm.s32 $0x0  }
.LBB2_4:
0x13a: {  	s3 =	sand.u32 $0xF, s0  }
0x13b: {  	v15 =	vmul.f32 v15, v12;
	v16 =	vmul.f32 v16, v13;
	p0 =	sne.s32 s3, $0xF  }
0x13c: {  	v58 =	vmul.f32 v14, v12;
	v59 =	vmul.f32 v17, v13;
	p1 =	seq.s32 @!p0 s0, $0x0  }
0x13d: {  	v60 =	vadd.f32 v16, v15;
	s19 =	simm.s32 @!p0 $0x1;
	p1 =	por !p1, p0  }
0x13e: {  	v12 =	vadd.f32 v59, v58;
	s20 =	sshrl.u32 @!p0 s0, $0x4;
	s19 =	simm.s32 @p1 $0x0  }
0x13f: {  	(xrf2) =	vadd.scan.msk.f32 $0xffff, v60;
	s19 =	ssub.s32 @!p0 s20, s19  }
0x140: {  	(xrf2) =	vadd.scan.msk.f32 $0xffff, v12;
	s20 =	sshll.u32 @!p0 s19, $0x18  }
0x141: {  	s20 =	sshra.s32 @!p0 s20, $0x1F  }
0x142: {  	s20 =	sand.u32 @!p0 $0x7, s20  }
0x143: {  	s20 =	sadd.s32 @!p0 s20, s19  }
0x144: {  	s21 =	sand.u32 @!p0 $0xFF, s19;
	s22 =	sand.u32 @!p0 $0xF8, s20  }
0x145: {  	p1 =	slt.s32 @!p0 s19, $0x1;
	p2 =	sne.s32 @!p0 s21, s22  }
0x146: {  	p1 =	por @!p0 !p1, !p2  }
0x147: {  	s0 =	sadd.s32 $0x1, s0;
	p1 =	por @!p0 !p1, !p1  }
0x148: {  	s20 =	sshll.u32 @!p0 s20, $0x18;
	s21 =	simm.s32 @!p0 $0x1;
	p1 =	por !p1, p0  }
0x149: {  	s20 =	sshra.s32 @!p0 s20, $0x1B;
	v61, _, _ =	vpop (xrf2);
	s21 =	simm.s32 @p1 $0x0;
	p1 =	sne.s32 s0, $0x200  }
.Ltmp3:
0x14a: {  	v63 =	vmov s3;
	s19 =	sshll.u32 @!p0 s19, $0x4;
	v62, _, _ =	vpop (xrf2);
	v12 =	vbroadcast v61, $0xF;
	s3 =	ssub.s32 @!p0 s20, s21;
	(pc) =	sbr.rel @!p1 .LBB2_5-.Ltmp3, $4  }
0x14b: {  	vm0 =	veq.s32 v63, v0;
	s19 =	sand.u32 @!p0 $0x70, s19;
	v13 =	vbroadcast v62, $0xF;
	s3 =	sshll.u32 @!p0 s3, $0x7  }
0x14c: {  	v11 =	vsel vm0, v12, v11;
	s3 =	sor.u32 @!p0 s19, s3  }
0x14d: {  	v10 =	vsel vm0, v13, v10;
	[tilespmem:s3+$0x18600] =	vst @!p0 v11  }
0x14e: {  	[tilespmem:s3+$0x18800] =	vst @!p0 v10  }
.LBB2_2:
0x14f: {  	_ =	swait.ge [sflag:s14], $0x1000  }
0x150: {  	[sflag:s14] =	ssyncset.done $0x0  }
0x151: {  	[sflag:s14] =	ssyncadd.s32 $0xFFFFF000  }
0x152: {  	_ =	swait.ge [sflag:s26], $0x1000  }
0x153: {  	v12 =	vmov s0;
	[sflag:s26] =	ssyncset.done $0x0  }
0x154: {  	[sflag:s26] =	ssyncadd.s32 $0xFFFFF000  }
0x155: {  	_ =	swait.ge [sflag:s28], $0x1000  }
0x156: {  	[sflag:s28] =	ssyncset.done $0x0  }
0x157: {  	[sflag:s28] =	ssyncadd.s32 $0xFFFFF000  }
0x158: {  	v13 =	vld.idx.msk [tilespmem:v12+s4+$0x0], $0xffff;
	_ =	sdelay $0x1  }
0x159: {  	v14 =	vld.idx.msk [tilespmem:v12+s12+$0x0], $0xffff;
	_ =	sdelay $0x1  }
0x15a: {  	v12 =	vld.idx.msk [tilespmem:v12+s13+$0x0], $0xffff  }
0x15b: {  	(v2sf) =	vpush v13, $0x0;
	_ =	sdelay $0x1  }
0x15c: {  	(v2sf) =	vpush v14, $0x0;
	_ =	sdelay $0x1  }
0x15d: {  	(v2sf) =	vpush v12, $0x0;
	_ =	sdelay $0x9  }
0x15e: {  	s3 =	sand.u32 $0x7, s0  }
0x15f: {  	s3 =	sshll.u32 s3, $0xC;
	s19 =	spop (v2sf)  }
0x160: {  	v12 =	vor.u32 s3, v3;
	s19 =	sand.u32 $0x7F, s19  }
0x161: {  	v14 =	vor.u32 s3, v9;
	s20 =	spop (v2sf);
	v13 =	vor.u32 s19, v12  }
0x162: {  	v15 =	vor.u32 s19, v14;
	s20 =	sand.u32 $0x7F, s20  }
0x163: {  	s21 =	spop (v2sf);
	v16 =	vor.u32 s20, v12  }
0x164: {  	v17 =	vor.u32 s20, v14;
	s22 =	sand.u32 $0x7F, s21  }
0x165: {  	v18 =	vor.u32 s22, v12  }
0x166: {  	v19 =	vor.u32 s22, v14;
	v12 =	vld.idx.msk [tilespmem:v13+s16+$0x0], $0xffff  }
0x167: {  	v13 =	vld.idx.msk [tilespmem:v15+s16+$0x0], $0xffff  }
0x168: {  	p0 =	sgt.u32 s0, $0x1F7;
	v15 =	vld.idx.msk [tilespmem:v16+s17+$0x0], $0xffff  }
.Ltmp4:
0x169: {  	v16 =	vld.idx.msk [tilespmem:v17+s17+$0x0], $0xffff;
	(pc) =	sbr.rel @p0 .LBB2_4-.Ltmp4, $2  }
0x16a: {  	v14 =	vld.idx.msk [tilespmem:v18+s18+$0x0], $0xffff  }
0x16b: {  	v17 =	vld.idx.msk [tilespmem:v19+s18+$0x0], $0xffff;
	_ =	sdelay $0x2  }
0x16c: {  	s19 =	sadd.s32 $0x8, s0  }
0x16d: {  	v18 =	vmov s19;
	_ =	sdelay $0x4  }
0x16e: {  	v19 =	vld.idx.msk [tilespmem:v18+s13+$0x0], $0xffff  }
0x16f: {  	v20 =	vld.idx.msk [tilespmem:v18+s4+$0x0], $0xffff;
	_ =	sdelay $0x3  }
0x170: {  	(v2sf) =	vpush v19, $0x0  }
0x171: {  	(v2sf) =	vpush v20, $0x0;
	_ =	sdelay $0x5  }
0x172: {  	v18 =	vld.idx.msk [tilespmem:v18+s12+$0x0], $0xffff;
	_ =	sdelay $0x4  }
0x173: {  	(v2sf) =	vpush v18, $0x0;
	_ =	sdelay $0x2  }
0x174: {  	s19 =	spop (v2sf)  }
0x175: {  	s20 =	spop (v2sf)  }
0x176: {  	s21 =	sand.u32 $0x7F, s20  }
0x177: {  	s22 =	sshra.s32 s20, $0x1F;
	p0 =	slt.s32 s20, $0x1;
	p1 =	sne.s32 s21, $0x0  }
0x178: {  	s22 =	sshrl.u32 s22, $0x19;
	p0 =	por !p0, !p1  }
0x179: {  	s21 =	simm.s32 $0x1;
	s20 =	sadd.s32 s22, s20;
	p0 =	por !p0, !p0  }
0x17a: {  	s20 =	sshrl.u32 s20, $0x7;
	s21 =	simm.s32 @!p0 $0x0  }
0x17b: {  	s20 =	ssub.s32 s20, s21  }
0x17c: {  	s20 =	sshll.u32 s20, $0x7  }
0x17d: {  	s20 =	sand.u32 $0x1FFFFF80, s20  }
0x17e: {  	s22 =	sor.u32 $0x600, s3;
	s20 =	sadd.s32 s1, s20  }
0x17f: {  	[tilespmem:s22], [sflag:$0x1] =	stream.strided.gather [hbm4b:s20+s13], $0x1000, s15, s13, $0x38;
	[tilespmem:$0x18A00] =	vst v63  }
0x180: {  	s20 =	spop (v2sf)  }
0x181: {  	s21 =	sand.u32 $0x7F, s20  }
0x182: {  	s22 =	sshra.s32 s20, $0x1F;
	p3 =	slt.s32 s20, $0x1;
	p4 =	sne.s32 s21, $0x0  }
0x183: {  	s22 =	sshrl.u32 s22, $0x19;
	p0 =	por !p3, !p4  }
0x184: {  	s21 =	simm.s32 $0x1;
	s20 =	sadd.s32 s22, s20;
	p0 =	por !p0, !p0  }
0x185: {  	s20 =	sshrl.u32 s20, $0x7;
	s21 =	simm.s32 @!p0 $0x0  }
0x186: {  	s20 =	ssub.s32 s20, s21  }
0x187: {  	s20 =	sshll.u32 s20, $0x7  }
0x188: {  	s20 =	sand.u32 $0x1FFFFF80, s20  }
0x189: {  	s22 =	sor.u32 $0x8600, s3;
	s21 =	sand.u32 $0x7F, s19;
	s20 =	sadd.s32 s2, s20  }
0x18a: {  	[tilespmem:s22], [sflag:$0x2] =	stream.strided.gather [hbm4b:s20+s13], $0x1000, s15, s13, $0x38;
	[tilespmem:$0x18A00] =	vst v63  }
0x18b: {  	p5 =	slt.s32 s19, $0x1;
	p6 =	sne.s32 s21, $0x0;
	s22 =	sshra.s32 s19, $0x1F  }
0x18c: {  	p0 =	por !p5, !p6;
	s21 =	sshrl.u32 s22, $0x19  }
0x18d: {  	p0 =	por !p0, !p0;
	s20 =	simm.s32 $0x1;
	s19 =	sadd.s32 s21, s19  }
0x18e: {  	s20 =	simm.s32 @!p0 $0x0;
	s19 =	sshrl.u32 s19, $0x7  }
.Ltmp5:
0x18f: {  	s19 =	ssub.s32 s19, s20;
	(pc) =	sbr.rel .LBB2_4-.Ltmp5, $4  }
0x190: {  	s19 =	sshll.u32 s19, $0x7  }
0x191: {  	s19 =	sand.u32 $0x1FFFFF80, s19  }
0x192: {  	s22 =	sor.u32 $0x10600, s3;
	s19 =	sadd.s32 s2, s19  }
0x193: {  	[tilespmem:s22], [sflag:$0x3] =	stream.strided.gather [hbm4b:s19+s13], $0x1000, s15, s13, $0x38;
	[tilespmem:$0x18A00] =	vst v63  }
.LBB2_6:
0x194: {  	_ =	sfence.sel $0x180000  }
0x195: {  	[bflag:$0x0] =	sbarrier.arrive $0xFFFF  }
0x196: {  	_ =	strace $0x90000047  }
0x197: {  	s0 =	stileid.u32;
	[bflag:$0x2] =	sbarrier.arrive $0xFFFF  }
0x198: {  	p0 =	sne.s32 s0, $0x0;
	s0 =	rddreg [dreg:$0x6]  }
0x199: {  	s0 =	sadd.s32 @!p0 $0x100000, s0  }
0x19a: {  	[sflag:s0] =	ssyncadd.tile.s32 @!p0 $0x1;
	_ =	shalt  }
.Lfunc_end2:
_tile_overlayer_lowered:
.L_overlay_start_2:
0x19b: {  	(tag) =	ssettag $0x2  }
0x19c: {  	s0 =	rddreg [dreg:$0x0];
	s2 =	stileid.u32  }
0x19d: {  	s1 =	rddreg [dreg:$0x1];
	p0 =	sne.s32 s2, $0x0  }
0x19e: {  	s3 =	rddreg [dreg:$0x2];
	[bflag:$0x3] =	sbarrier.arrive $0xFFFF;
	s2 =	simm.s32 @!p0 $0x1C04  }
0x19f: {  	[timem:s3], [sflag:s2] =	dma.local @!p0 [hbm:s0], s1  }
0x1a0: {  	s0 =	simm.s32 @!p0 $0x4  }
0x1a1: {  	_ =	swait.ge @!p0 [sflag:s0], s1  }
0x1a2: {  	s1 =	ssub.s32 @!p0 $0x0, s1;
	[sflag:s0] =	ssyncset.done @!p0 $0x0  }
0x1a3: {  	[sflag:s0] =	ssyncadd.s32 @!p0 s1  }
0x1a4: {  	[bflag:$0x3] =	sbarrier.arrive $0xFFFF  }
0x1a5: {  	_ =	shalt  }

</sc_bundles>
